<compile_context>
chip_gen: v7x
topology: tpu7x:2x2x1
jax: 0.10.2.dev20260603
libtpu: 0.0.44.dev20260713+nightly
codegen_flags: <defaults>
</compile_context>

<pallas_src>
import functools

import jax
import jax.numpy as jnp
from jax import lax
from jax.experimental import pallas as pl
from jax.experimental.pallas import tpu as pltpu
from jax.experimental.pallas import tpu_sc as plsc

N = 10000
E = 320000
D = 128
G = 64
C = 10
EPS_BN = 1e-5

NPAD = 10240
ROWS_PER_TILE = NPAD // 16
B = 128
CPT = 80
PHASES = 2
CPP = CPT // PHASES
NTILES = 32
EPAD = NTILES * CPT * B

BLK = 1000
NBLK = N // BLK

_SC_MESH = plsc.VectorSubcoreMesh(core_axis_name="c", subcore_axis_name="s")


@functools.partial(
    pl.kernel,
    out_type=jax.ShapeDtypeStruct((NTILES, NPAD), jnp.float32),
    mesh=_SC_MESH,
    scratch_types=[
        pltpu.VMEM((CPT * B,), jnp.int32),
        pltpu.VMEM((NPAD,), jnp.float32),
    ],
    compiler_params=pltpu.CompilerParams(needs_layout_passes=False),
)
def _sc_hist(dst1d_hbm, out_hbm, didx_ref, hist_ref):
    cid = lax.axis_index("c")
    sid = lax.axis_index("s")
    w = cid * 16 + sid

    @pl.loop(0, NPAD // 16)
    def _zero(i):
        hist_ref[pl.ds(i * 16, 16)] = jnp.zeros((16,), jnp.float32)

    pltpu.sync_copy(dst1d_hbm.at[pl.ds(w * (CPT * B), CPT * B)], didx_ref)
    ones = jnp.ones((16,), jnp.float32)

    @pl.loop(0, CPT * B // 16)
    def _vec(c):
        idx = didx_ref[pl.ds(c * 16, 16)]
        plsc.addupdate_scatter(hist_ref, [idx], ones)

    pltpu.sync_copy(hist_ref, out_hbm.at[w])


@functools.partial(
    pl.kernel,
    out_type=jax.ShapeDtypeStruct((2, NPAD, D), jnp.float32),
    mesh=_SC_MESH,
    scratch_types=[
        pltpu.VMEM((CPP, B), jnp.int32),
        pltpu.VMEM((CPP, B), jnp.int32),
        pltpu.VMEM((B, D), jnp.float32),
        pltpu.VMEM((B, D), jnp.float32),
        pltpu.VMEM_SHARED((NPAD, D), jnp.float32),
        pltpu.SemaphoreType.DMA,
        pltpu.SemaphoreType.DMA,
    ],
    compiler_params=pltpu.CompilerParams(needs_layout_passes=False),
)
def _sc_scatter(src2d, dst2d, hs, zeros, parts, sidx, didx, rows0, rows1,
                acc, sem0, sem1):
    cid = lax.axis_index("c")
    sid = lax.axis_index("s")
    w = cid * 16 + sid

    rows = (rows0, rows1)
    sems = (sem0, sem1)

    r0 = sid * ROWS_PER_TILE

    @pl.when((cid == 0) & (sid < 15))
    def _init_hs():
        pltpu.sync_copy(hs.at[pl.ds(r0, ROWS_PER_TILE)],
                        acc.at[pl.ds(r0, ROWS_PER_TILE)])

    @pl.when((cid == 0) & (sid == 15))
    def _init_hs_tail():
        pltpu.sync_copy(hs.at[pl.ds(15 * ROWS_PER_TILE, N - 15 * ROWS_PER_TILE)],
                        acc.at[pl.ds(15 * ROWS_PER_TILE, N - 15 * ROWS_PER_TILE)])
        pltpu.sync_copy(zeros.at[pl.ds(N, NPAD - N)],
                        acc.at[pl.ds(N, NPAD - N)])

    @pl.when(cid == 1)
    def _init_zero():
        pltpu.sync_copy(zeros.at[pl.ds(r0, ROWS_PER_TILE)],
                        acc.at[pl.ds(r0, ROWS_PER_TILE)])

    plsc.subcore_barrier()

    @pl.loop(0, PHASES)
    def _phase(p):
        base = w * CPT + p * CPP
        pltpu.sync_copy(src2d.at[pl.ds(base, CPP)], sidx)
        pltpu.sync_copy(dst2d.at[pl.ds(base, CPP)], didx)
        pltpu.async_copy(hs.at[sidx.at[0]], rows0, sem0)
        pltpu.async_copy(hs.at[sidx.at[1]], rows1, sem1)

        @pl.loop(0, CPP, step=2)
        def _chunk(c):
            for b in range(2):
                cc = c + b
                pltpu.make_async_copy(hs.at[sidx.at[cc]], rows[b],
                                      sems[b]).wait()
                pltpu.sync_copy(rows[b], acc.at[didx.at[cc]], add=True)

                @pl.when(cc + 2 < CPP)
                def _refill():
                    pltpu.async_copy(hs.at[sidx.at[cc + 2]], rows[b], sems[b])

    plsc.subcore_barrier()
    pltpu.sync_copy(acc.at[pl.ds(sid * ROWS_PER_TILE, ROWS_PER_TILE)],
                    parts.at[cid, pl.ds(sid * ROWS_PER_TILE, ROWS_PER_TILE)])


def _t0_body(h_ref, o_ref):
    s = jnp.sum(h_ref[...], axis=0, keepdims=True)
    o_ref[...] = lax.rsqrt(s + 1.0)


_t0 = pl.pallas_call(
    _t0_body,
    grid=(1,),
    in_specs=[pl.BlockSpec((NTILES, NPAD), lambda i: (0, 0))],
    out_specs=pl.BlockSpec((1, NPAD), lambda i: (0, 0)),
    out_shape=jax.ShapeDtypeStruct((1, NPAD), jnp.float32),
)


def _t1_body(x_ref, w_ref, dv_ref, o_ref):
    o_ref[...] = jnp.dot(x_ref[...], w_ref[...],
                         preferred_element_type=jnp.float32) * dv_ref[...]


_t1 = pl.pallas_call(
    _t1_body,
    grid=(NBLK,),
    in_specs=[
        pl.BlockSpec((BLK, D), lambda i: (i, 0)),
        pl.BlockSpec((D, D), lambda i: (0, 0)),
        pl.BlockSpec((BLK, 1), lambda i: (i, 0)),
    ],
    out_specs=pl.BlockSpec((BLK, D), lambda i: (i, 0)),
    out_shape=jax.ShapeDtypeStruct((N, D), jnp.float32),
)


def _bn_relu(z, s1, s2, g, be):
    mean = s1 * (1.0 / N)
    var = s2 * (1.0 / N) - mean * mean
    rstd = lax.rsqrt(var + EPS_BN)
    return jnp.maximum((z - mean) * (rstd * g) + be, 0.0)


def _stats_phase(ph, i, p0_ref, p1_ref, dv_ref, zbuf, s1, s2):
    z = (p0_ref[0] + p1_ref[0]) * dv_ref[...]
    zbuf[pl.ds(i * BLK, BLK), :] = z
    c1 = jnp.sum(z, axis=0, keepdims=True)
    c2 = jnp.sum(z * z, axis=0, keepdims=True)

    @pl.when(i == 0)
    def _init():
        s1[...] = c1
        s2[...] = c2

    @pl.when(i > 0)
    def _acc():
        s1[...] += c1
        s2[...] += c2


def _t23_body(p0_ref, p1_ref, dv_ref, g_ref, be_ref, w_ref, o_ref,
              zbuf, s1, s2):
    ph = pl.program_id(0)
    i = pl.program_id(1)

    @pl.when(ph == 0)
    def _p0():
        _stats_phase(ph, i, p0_ref, p1_ref, dv_ref, zbuf, s1, s2)

    @pl.when(ph == 1)
    def _p1():
        h = _bn_relu(zbuf[pl.ds(i * BLK, BLK), :], s1[...], s2[...],
                     g_ref[...], be_ref[...])
        o_ref[...] = jnp.dot(h, w_ref[...],
                             preferred_element_type=jnp.float32) * dv_ref[...]


_t23 = pl.pallas_call(
    _t23_body,
    grid=(2, NBLK),
    in_specs=[
        pl.BlockSpec((1, BLK, D), lambda ph, i: (0, i * (1 - ph), 0)),
        pl.BlockSpec((1, BLK, D), lambda ph, i: (1, i * (1 - ph), 0)),
        pl.BlockSpec((BLK, 1), lambda ph, i: (i, 0)),
        pl.BlockSpec((1, D), lambda ph, i: (0, 0)),
        pl.BlockSpec((1, D), lambda ph, i: (0, 0)),
        pl.BlockSpec((D, D), lambda ph, i: (0, 0)),
    ],
    out_specs=pl.BlockSpec((BLK, D), lambda ph, i: (i * ph, 0)),
    out_shape=jax.ShapeDtypeStruct((N, D), jnp.float32),
    scratch_shapes=[
        pltpu.VMEM((N, D), jnp.float32),
        pltpu.VMEM((1, D), jnp.float32),
        pltpu.VMEM((1, D), jnp.float32),
    ],
)


def _t24_body(p0_ref, p1_ref, dv_ref, g_ref, be_ref, b_ref, wc_ref, bc_ref,
              feat_ref, pred_ref, zbuf, s1, s2, pool, cnt):
    ph = pl.program_id(0)
    i = pl.program_id(1)

    @pl.when(ph == 0)
    def _p0():
        _stats_phase(ph, i, p0_ref, p1_ref, dv_ref, zbuf, s1, s2)

    @pl.when(ph == 1)
    def _p1():
        h = _bn_relu(zbuf[pl.ds(i * BLK, BLK), :], s1[...], s2[...],
                     g_ref[...], be_ref[...])
        ids = lax.broadcasted_iota(jnp.int32, (BLK, G), 1)
        oh = (b_ref[...] == ids).astype(jnp.float32)
        ppart = lax.dot_general(oh, h, (((0,), (0,)), ((), ())),
                                preferred_element_type=jnp.float32)
        cpart = lax.dot_general(oh, jnp.ones((BLK, D), jnp.float32),
                                (((0,), (0,)), ((), ())),
                                preferred_element_type=jnp.float32)

        @pl.when(i == 0)
        def _init():
            pool[...] = ppart
            cnt[...] = cpart

        @pl.when(i > 0)
        def _acc():
            pool[...] += ppart
            cnt[...] += cpart

        @pl.when(i == NBLK - 1)
        def _fin():
            feat = pool[...] / jnp.maximum(cnt[...], 1.0)
            nrm = jnp.sqrt(jnp.sum(feat * feat, axis=1, keepdims=True))
            feat = feat / jnp.maximum(nrm, 1e-12)
            feat_ref[...] = feat
            pred_ref[...] = jnp.dot(
                feat, wc_ref[...],
                preferred_element_type=jnp.float32) + bc_ref[...]


_t24 = pl.pallas_call(
    _t24_body,
    grid=(2, NBLK),
    in_specs=[
        pl.BlockSpec((1, BLK, D), lambda ph, i: (0, i * (1 - ph), 0)),
        pl.BlockSpec((1, BLK, D), lambda ph, i: (1, i * (1 - ph), 0)),
        pl.BlockSpec((BLK, 1), lambda ph, i: (i, 0)),
        pl.BlockSpec((1, D), lambda ph, i: (0, 0)),
        pl.BlockSpec((1, D), lambda ph, i: (0, 0)),
        pl.BlockSpec((BLK, 1), lambda ph, i: (i, 0)),
        pl.BlockSpec((D, D), lambda ph, i: (0, 0)),
        pl.BlockSpec((1, D), lambda ph, i: (0, 0)),
    ],
    out_specs=[
        pl.BlockSpec((G, D), lambda ph, i: (0, 0)),
        pl.BlockSpec((G, D), lambda ph, i: (0, 0)),
    ],
    out_shape=[
        jax.ShapeDtypeStruct((G, D), jnp.float32),
        jax.ShapeDtypeStruct((G, D), jnp.float32),
    ],
    scratch_shapes=[
        pltpu.VMEM((N, D), jnp.float32),
        pltpu.VMEM((1, D), jnp.float32),
        pltpu.VMEM((1, D), jnp.float32),
        pltpu.VMEM((G, D), jnp.float32),
        pltpu.VMEM((G, D), jnp.float32),
    ],
)


def kernel(x, edge_index, batch, W1, b1, g1, be1, W2, b2, g2, be2,
           W3, b3, g3, be3, Wc, bc):
    f32 = jnp.float32
    pad = EPAD - E
    pad_i = jnp.arange(pad, dtype=jnp.int32)
    src1d = jnp.concatenate([edge_index[0], pad_i % N])
    dst1d = jnp.concatenate([edge_index[1], N + (pad_i % (NPAD - N))])
    src2d = src1d.reshape(EPAD // B, B)
    dst2d = dst1d.reshape(EPAD // B, B)
    zeros_np = jnp.zeros((NPAD, D), f32)

    hists = _sc_hist(dst1d)
    dinv_col = _t0(hists).reshape(NPAD, 1)

    g1r, be1r = g1.reshape(1, D), be1.reshape(1, D)
    g2r, be2r = g2.reshape(1, D), be2.reshape(1, D)
    g3r, be3r = g3.reshape(1, D), be3.reshape(1, D)
    batch_col = batch.reshape(N, 1)
    Wc_pad = jnp.zeros((D, D), f32).at[:, :C].set(Wc)
    bc_pad = jnp.zeros((1, D), f32).at[0, :C].set(bc)

    hs = _t1(x, W1, dinv_col)
    parts = _sc_scatter(src2d, dst2d, hs, zeros_np)
    hs = _t23(parts, parts, dinv_col, g1r, be1r, W2)
    parts = _sc_scatter(src2d, dst2d, hs, zeros_np)
    hs = _t23(parts, parts, dinv_col, g2r, be2r, W3)
    parts = _sc_scatter(src2d, dst2d, hs, zeros_np)
    feat, pred_pad = _t24(parts, parts, dinv_col, g3r, be3r, batch_col,
                          Wc_pad, bc_pad)
    return (pred_pad[:, :C], feat)

# --- scband reference (transcript-rebuilt; emitter-appended) ---
"""Pipeline reference for scband-gcn-ccsa-24051816857602 (READ-ONLY COPY).

The authoritative reference and input builder live on the scoring server;
editing this copy changes nothing except your own understanding.
"""

import jax, jax.numpy as jnp
import numpy as np

N = 10000
E = 320000
D = 128
H = 128
OUT = 128
C = 10
G = 64
EPS_BN = 1e-5


def setup_inputs(seed: int = 0) -> dict:
    key = jax.random.key(seed)
    ks = jax.random.split(key, 20)
    x = jax.random.normal(ks[0], (N, D), dtype=jnp.float32)
    edge_index = jax.random.randint(ks[1], (2, E), 0, N, dtype=jnp.int32)
    batch = jnp.sort(jax.random.randint(ks[2], (N,), 0, G, dtype=jnp.int32))
    s = 0.05
    W1 = jax.random.normal(ks[3], (D, H), dtype=jnp.float32) * s
    b1 = jnp.zeros((H,), jnp.float32)
    g1 = jnp.ones((H,), jnp.float32)
    be1 = jnp.zeros((H,), jnp.float32)
    W2 = jax.random.normal(ks[4], (H, H), dtype=jnp.float32) * s
    b2 = jnp.zeros((H,), jnp.float32)
    g2 = jnp.ones((H,), jnp.float32)
    be2 = jnp.zeros((H,), jnp.float32)
    W3 = jax.random.normal(ks[5], (H, OUT), dtype=jnp.float32) * s
    b3 = jnp.zeros((OUT,), jnp.float32)
    g3 = jnp.ones((OUT,), jnp.float32)
    be3 = jnp.zeros((OUT,), jnp.float32)
    Wc = jax.random.normal(ks[6], (OUT, C), dtype=jnp.float32) * s
    bc = jnp.zeros((C,), jnp.float32)
    return {"x": x, "edge_index": edge_index, "batch": batch,
            "W1": W1, "b1": b1, "g1": g1, "be1": be1,
            "W2": W2, "b2": b2, "g2": g2, "be2": be2,
            "W3": W3, "b3": b3, "g3": g3, "be3": be3,
            "Wc": Wc, "bc": bc}


def _gcn_conv(x, edge_index, W, b):
    # GCNConv with self-loops and symmetric normalization
    loop = jnp.arange(N, dtype=edge_index.dtype)
    src = jnp.concatenate([edge_index[0], loop])
    dst = jnp.concatenate([edge_index[1], loop])
    deg = jax.ops.segment_sum(jnp.ones(src.shape[0], jnp.float32), dst, num_segments=N)
    dinv = jax.lax.rsqrt(jnp.maximum(deg, 1.0))
    norm = dinv[src] * dinv[dst]
    h = x @ W
    msg = jnp.take(h, src, axis=0) * norm[:, None]
    out = jax.ops.segment_sum(msg, dst, num_segments=N)
    return out + b


def _bn(x, g, be):
    mean = jnp.mean(x, axis=0)
    var = jnp.var(x, axis=0)
    return (x - mean) / jnp.sqrt(var + EPS_BN) * g + be


def reference(x, edge_index, batch, W1, b1, g1, be1, W2, b2, g2, be2, W3, b3, g3, be3, Wc, bc):
    h = x
    for (W, b, g, be) in ((W1, b1, g1, be1), (W2, b2, g2, be2), (W3, b3, g3, be3)):
        h = _gcn_conv(h, edge_index, W, b)
        h = _bn(h, g, be)
        h = jax.nn.relu(h)
        # dropout is identity in deterministic/eval reference
    # global mean pool over graphs
    sums = jax.ops.segment_sum(h, batch, num_segments=G)
    counts = jax.ops.segment_sum(jnp.ones((N,), jnp.float32), batch, num_segments=G)
    feature = sums / jnp.maximum(counts, 1.0)[:, None]
    # L2 normalize (torch F.normalize eps=1e-12)
    nrm = jnp.sqrt(jnp.sum(feature * feature, axis=1, keepdims=True))
    feature = feature / jnp.maximum(nrm, 1e-12)
    pred = feature @ Wc + bc
    return (pred, feature)

if __name__ == "__main__":
    import jax
    _d = setup_inputs()
    print(jax.jit(kernel)(*tuple(_d.values())))

</pallas_src>

<mosaic_0001>
#map = affine_map<(d0, d1) -> (0, 0)>
#map1 = affine_map<(d0, d1) -> (0, 0, 0)>
module attributes {stable_mosaic.version = 14 : i64} {
  func.func @_sc_scatter(%arg0: i32, %arg1: i32, %arg2: memref<2560x128xi32, #tpu.memory_space<hbm>>, %arg3: memref<2560x128xi32, #tpu.memory_space<hbm>>, %arg4: memref<10000x128xf32, #tpu.memory_space<hbm>>, %arg5: memref<10240x128xf32, #tpu.memory_space<hbm>>, %arg6: memref<2x10240x128xf32, #tpu.memory_space<hbm>>, %arg7: memref<40x128xi32, #tpu.memory_space<vmem>>, %arg8: memref<40x128xi32, #tpu.memory_space<vmem>>, %arg9: memref<128x128xf32, #tpu.memory_space<vmem>>, %arg10: memref<128x128xf32, #tpu.memory_space<vmem>>, %arg11: memref<10240x128xf32, #tpu.memory_space<vmem_shared>>, %arg12: memref<!tpu.dma_semaphore, #tpu.memory_space<semaphore_mem>>, %arg13: memref<!tpu.dma_semaphore, #tpu.memory_space<semaphore_mem>>) attributes {dimension_semantics = [#tpu.dimension_semantics<core_parallel>, #tpu.dimension_semantics<subcore_parallel>], iteration_bounds = array<i64: 2, 16>, scalar_prefetch = 0 : i64, scratch_operands = 7 : i64, tpu.core_type = #tpu.core_type<sc_vector_subcore>, window_params = [{transform_indices = #map}, {transform_indices = #map}, {transform_indices = #map}, {transform_indices = #map}, {transform_indices = #map1}]} {
    %mul3A = arith.constant 16 : i32
    %mul3A_0 = arith.muli %arg0, %mul3A : i32
    %add3A = arith.addi %mul3A_0, %arg1 : i32
    %mul3A_1 = arith.constant 640 : i32
    %mul3A_2 = arith.muli %arg1, %mul3A_1 : i32
    %eq3A = arith.constant 0 : i32
    %eq3A_3 = arith.cmpi eq, %arg0, %eq3A : i32
    %lt3A = arith.constant 15 : i32
    %lt3A_4 = arith.cmpi slt, %arg1, %lt3A : i32
    %and3A = arith.andi %eq3A_3, %lt3A_4 : i1
    %convert_element_type3A = arith.extui %and3A : i1 to i32
    %cond3A = arith.constant 0 : i32
    %cond3A_5 = arith.cmpi ne, %convert_element_type3A, %cond3A : i32
    scf.if %cond3A_5 {
      "tpu.region"() ({
        %run_scoped3A = tpu.sem_alloc : memref<!tpu.dma_semaphore, #tpu.memory_space<semaphore_mem>>
        %dma_start3A = arith.constant 0 : i32
        %dma_start3A_28 = tpu.memref_slice %arg11[%mul3A_2, %dma_start3A] : memref<10240x128xf32, #tpu.memory_space<vmem_shared>> -> memref<640x128xf32, #tpu.memory_space<vmem_shared>>
        %dma_start3A_29 = arith.constant 0 : i32
        %dma_start3A_30 = tpu.memref_slice %arg4[%mul3A_2, %dma_start3A_29] : memref<10000x128xf32, #tpu.memory_space<hbm>> -> memref<640x128xf32, #tpu.memory_space<hbm>>
        tpu.enqueue_dma source(%dma_start3A_30 : memref<640x128xf32, #tpu.memory_space<hbm>>) target(%dma_start3A_28 : memref<640x128xf32, #tpu.memory_space<vmem_shared>>) target_semaphore(%run_scoped3A : memref<!tpu.dma_semaphore, #tpu.memory_space<semaphore_mem>>)
        %dma_wait3A = arith.constant 0 : i32
        %dma_wait3A_31 = tpu.memref_slice %arg11[%mul3A_2, %dma_wait3A] : memref<10240x128xf32, #tpu.memory_space<vmem_shared>> -> memref<640x128xf32, #tpu.memory_space<vmem_shared>>
        %dma_wait3A_32 = arith.constant 0 : i32
        %dma_wait3A_33 = tpu.memref_slice %arg4[%mul3A_2, %dma_wait3A_32] : memref<10000x128xf32, #tpu.memory_space<hbm>> -> memref<640x128xf32, #tpu.memory_space<hbm>>
        tpu.wait_dma2 semaphore(%run_scoped3A : memref<!tpu.dma_semaphore, #tpu.memory_space<semaphore_mem>>) src(%dma_wait3A_33 : memref<640x128xf32, #tpu.memory_space<hbm>>) dst(%dma_wait3A_31 : memref<640x128xf32, #tpu.memory_space<vmem_shared>>)
        tpu.yield
      }) : () -> ()
    } else {
    }
    %eq3A_6 = arith.constant 0 : i32
    %eq3A_7 = arith.cmpi eq, %arg0, %eq3A_6 : i32
    %eq3A_8 = arith.constant 15 : i32
    %eq3A_9 = arith.cmpi eq, %arg1, %eq3A_8 : i32
    %and3A_10 = arith.andi %eq3A_7, %eq3A_9 : i1
    %convert_element_type3A_11 = arith.extui %and3A_10 : i1 to i32
    %cond3A_12 = arith.constant 0 : i32
    %cond3A_13 = arith.cmpi ne, %convert_element_type3A_11, %cond3A_12 : i32
    scf.if %cond3A_13 {
      "tpu.region"() ({
        %run_scoped3A = tpu.sem_alloc : memref<!tpu.dma_semaphore, #tpu.memory_space<semaphore_mem>>
        %dma_start3A = arith.constant 9600 : i32
        %dma_start3A_28 = arith.constant 0 : i32
        %dma_start3A_29 = tpu.memref_slice %arg11[%dma_start3A, %dma_start3A_28] : memref<10240x128xf32, #tpu.memory_space<vmem_shared>> -> memref<400x128xf32, #tpu.memory_space<vmem_shared>>
        %dma_start3A_30 = arith.constant 9600 : i32
        %dma_start3A_31 = arith.constant 0 : i32
        %dma_start3A_32 = tpu.memref_slice %arg4[%dma_start3A_30, %dma_start3A_31] : memref<10000x128xf32, #tpu.memory_space<hbm>> -> memref<400x128xf32, #tpu.memory_space<hbm>>
        tpu.enqueue_dma source(%dma_start3A_32 : memref<400x128xf32, #tpu.memory_space<hbm>>) target(%dma_start3A_29 : memref<400x128xf32, #tpu.memory_space<vmem_shared>>) target_semaphore(%run_scoped3A : memref<!tpu.dma_semaphore, #tpu.memory_space<semaphore_mem>>)
        %dma_wait3A = arith.constant 9600 : i32
        %dma_wait3A_33 = arith.constant 0 : i32
        %dma_wait3A_34 = tpu.memref_slice %arg11[%dma_wait3A, %dma_wait3A_33] : memref<10240x128xf32, #tpu.memory_space<vmem_shared>> -> memref<400x128xf32, #tpu.memory_space<vmem_shared>>
        %dma_wait3A_35 = arith.constant 9600 : i32
        %dma_wait3A_36 = arith.constant 0 : i32
        %dma_wait3A_37 = tpu.memref_slice %arg4[%dma_wait3A_35, %dma_wait3A_36] : memref<10000x128xf32, #tpu.memory_space<hbm>> -> memref<400x128xf32, #tpu.memory_space<hbm>>
        tpu.wait_dma2 semaphore(%run_scoped3A : memref<!tpu.dma_semaphore, #tpu.memory_space<semaphore_mem>>) src(%dma_wait3A_37 : memref<400x128xf32, #tpu.memory_space<hbm>>) dst(%dma_wait3A_34 : memref<400x128xf32, #tpu.memory_space<vmem_shared>>)
        tpu.yield
      }) : () -> ()
      "tpu.region"() ({
        %run_scoped3A = tpu.sem_alloc : memref<!tpu.dma_semaphore, #tpu.memory_space<semaphore_mem>>
        %dma_start3A = arith.constant 10000 : i32
        %dma_start3A_28 = arith.constant 0 : i32
        %dma_start3A_29 = tpu.memref_slice %arg11[%dma_start3A, %dma_start3A_28] : memref<10240x128xf32, #tpu.memory_space<vmem_shared>> -> memref<240x128xf32, #tpu.memory_space<vmem_shared>>
        %dma_start3A_30 = arith.constant 10000 : i32
        %dma_start3A_31 = arith.constant 0 : i32
        %dma_start3A_32 = tpu.memref_slice %arg5[%dma_start3A_30, %dma_start3A_31] : memref<10240x128xf32, #tpu.memory_space<hbm>> -> memref<240x128xf32, #tpu.memory_space<hbm>>
        tpu.enqueue_dma source(%dma_start3A_32 : memref<240x128xf32, #tpu.memory_space<hbm>>) target(%dma_start3A_29 : memref<240x128xf32, #tpu.memory_space<vmem_shared>>) target_semaphore(%run_scoped3A : memref<!tpu.dma_semaphore, #tpu.memory_space<semaphore_mem>>)
        %dma_wait3A = arith.constant 10000 : i32
        %dma_wait3A_33 = arith.constant 0 : i32
        %dma_wait3A_34 = tpu.memref_slice %arg11[%dma_wait3A, %dma_wait3A_33] : memref<10240x128xf32, #tpu.memory_space<vmem_shared>> -> memref<240x128xf32, #tpu.memory_space<vmem_shared>>
        %dma_wait3A_35 = arith.constant 10000 : i32
        %dma_wait3A_36 = arith.constant 0 : i32
        %dma_wait3A_37 = tpu.memref_slice %arg5[%dma_wait3A_35, %dma_wait3A_36] : memref<10240x128xf32, #tpu.memory_space<hbm>> -> memref<240x128xf32, #tpu.memory_space<hbm>>
        tpu.wait_dma2 semaphore(%run_scoped3A : memref<!tpu.dma_semaphore, #tpu.memory_space<semaphore_mem>>) src(%dma_wait3A_37 : memref<240x128xf32, #tpu.memory_space<hbm>>) dst(%dma_wait3A_34 : memref<240x128xf32, #tpu.memory_space<vmem_shared>>)
        tpu.yield
      }) : () -> ()
    } else {
    }
    %eq3A_14 = arith.constant 1 : i32
    %eq3A_15 = arith.cmpi eq, %arg0, %eq3A_14 : i32
    %convert_element_type3A_16 = arith.extui %eq3A_15 : i1 to i32
    %cond3A_17 = arith.constant 0 : i32
    %cond3A_18 = arith.cmpi ne, %convert_element_type3A_16, %cond3A_17 : i32
    scf.if %cond3A_18 {
      "tpu.region"() ({
        %run_scoped3A = tpu.sem_alloc : memref<!tpu.dma_semaphore, #tpu.memory_space<semaphore_mem>>
        %dma_start3A = arith.constant 0 : i32
        %dma_start3A_28 = tpu.memref_slice %arg11[%mul3A_2, %dma_start3A] : memref<10240x128xf32, #tpu.memory_space<vmem_shared>> -> memref<640x128xf32, #tpu.memory_space<vmem_shared>>
        %dma_start3A_29 = arith.constant 0 : i32
        %dma_start3A_30 = tpu.memref_slice %arg5[%mul3A_2, %dma_start3A_29] : memref<10240x128xf32, #tpu.memory_space<hbm>> -> memref<640x128xf32, #tpu.memory_space<hbm>>
        tpu.enqueue_dma source(%dma_start3A_30 : memref<640x128xf32, #tpu.memory_space<hbm>>) target(%dma_start3A_28 : memref<640x128xf32, #tpu.memory_space<vmem_shared>>) target_semaphore(%run_scoped3A : memref<!tpu.dma_semaphore, #tpu.memory_space<semaphore_mem>>)
        %dma_wait3A = arith.constant 0 : i32
        %dma_wait3A_31 = tpu.memref_slice %arg11[%mul3A_2, %dma_wait3A] : memref<10240x128xf32, #tpu.memory_space<vmem_shared>> -> memref<640x128xf32, #tpu.memory_space<vmem_shared>>
        %dma_wait3A_32 = arith.constant 0 : i32
        %dma_wait3A_33 = tpu.memref_slice %arg5[%mul3A_2, %dma_wait3A_32] : memref<10240x128xf32, #tpu.memory_space<hbm>> -> memref<640x128xf32, #tpu.memory_space<hbm>>
        tpu.wait_dma2 semaphore(%run_scoped3A : memref<!tpu.dma_semaphore, #tpu.memory_space<semaphore_mem>>) src(%dma_wait3A_33 : memref<640x128xf32, #tpu.memory_space<hbm>>) dst(%dma_wait3A_31 : memref<640x128xf32, #tpu.memory_space<vmem_shared>>)
        tpu.yield
      }) : () -> ()
    } else {
    }
    %barrier3A = arith.constant 0 : index
    tpu.barrier barrier_id(%barrier3A)
    %scan3A = arith.constant 0 : i32
    %scan3A_19 = arith.constant 2 : i32
    %scan3A_20 = arith.addi %scan3A, %scan3A_19 : i32
    %scan3A_21 = arith.constant 1 : i32
    scf.for %scan3A_28 = %scan3A to %scan3A_20 step %scan3A_21  : i32 {
      %mul3A_29 = arith.constant 1 : i32
      %mul3A_30 = arith.muli %scan3A_28, %mul3A_29 : i32
      %add3A_31 = arith.constant 0 : i32
      %add3A_32 = arith.addi %add3A_31, %mul3A_30 : i32
      %mul3A_33 = arith.constant 80 : i32
      %mul3A_34 = arith.muli %add3A, %mul3A_33 : i32
      %mul3A_35 = arith.constant 40 : i32
      %mul3A_36 = arith.muli %add3A_32, %mul3A_35 : i32
      %add3A_37 = arith.addi %mul3A_34, %mul3A_36 : i32
      "tpu.region"() ({
        %run_scoped3A = tpu.sem_alloc : memref<!tpu.dma_semaphore, #tpu.memory_space<semaphore_mem>>
        %dma_start3A_56 = arith.constant 0 : i32
        %dma_start3A_57 = tpu.memref_slice %arg2[%add3A_37, %dma_start3A_56] : memref<2560x128xi32, #tpu.memory_space<hbm>> -> memref<40x128xi32, #tpu.memory_space<hbm>>
        %dma_start3A_58 = arith.constant 0 : i32
        %dma_start3A_59 = tpu.memref_slice %arg2[%add3A_37, %dma_start3A_58] : memref<2560x128xi32, #tpu.memory_space<hbm>> -> memref<40x128xi32, #tpu.memory_space<hbm>>
        tpu.enqueue_dma source(%dma_start3A_59 : memref<40x128xi32, #tpu.memory_space<hbm>>) target(%arg7 : memref<40x128xi32, #tpu.memory_space<vmem>>) target_semaphore(%run_scoped3A : memref<!tpu.dma_semaphore, #tpu.memory_space<semaphore_mem>>)
        %dma_wait3A = arith.constant 0 : i32
        %dma_wait3A_60 = tpu.memref_slice %arg2[%add3A_37, %dma_wait3A] : memref<2560x128xi32, #tpu.memory_space<hbm>> -> memref<40x128xi32, #tpu.memory_space<hbm>>
        %dma_wait3A_61 = arith.constant 0 : i32
        %dma_wait3A_62 = tpu.memref_slice %arg2[%add3A_37, %dma_wait3A_61] : memref<2560x128xi32, #tpu.memory_space<hbm>> -> memref<40x128xi32, #tpu.memory_space<hbm>>
        tpu.wait_dma2 semaphore(%run_scoped3A : memref<!tpu.dma_semaphore, #tpu.memory_space<semaphore_mem>>) src(%dma_wait3A_62 : memref<40x128xi32, #tpu.memory_space<hbm>>) dst(%arg7 : memref<40x128xi32, #tpu.memory_space<vmem>>)
        tpu.yield
      }) : () -> ()
      "tpu.region"() ({
        %run_scoped3A = tpu.sem_alloc : memref<!tpu.dma_semaphore, #tpu.memory_space<semaphore_mem>>
        %dma_start3A_56 = arith.constant 0 : i32
        %dma_start3A_57 = tpu.memref_slice %arg3[%add3A_37, %dma_start3A_56] : memref<2560x128xi32, #tpu.memory_space<hbm>> -> memref<40x128xi32, #tpu.memory_space<hbm>>
        %dma_start3A_58 = arith.constant 0 : i32
        %dma_start3A_59 = tpu.memref_slice %arg3[%add3A_37, %dma_start3A_58] : memref<2560x128xi32, #tpu.memory_space<hbm>> -> memref<40x128xi32, #tpu.memory_space<hbm>>
        tpu.enqueue_dma source(%dma_start3A_59 : memref<40x128xi32, #tpu.memory_space<hbm>>) target(%arg8 : memref<40x128xi32, #tpu.memory_space<vmem>>) target_semaphore(%run_scoped3A : memref<!tpu.dma_semaphore, #tpu.memory_space<semaphore_mem>>)
        %dma_wait3A = arith.constant 0 : i32
        %dma_wait3A_60 = tpu.memref_slice %arg3[%add3A_37, %dma_wait3A] : memref<2560x128xi32, #tpu.memory_space<hbm>> -> memref<40x128xi32, #tpu.memory_space<hbm>>
        %dma_wait3A_61 = arith.constant 0 : i32
        %dma_wait3A_62 = tpu.memref_slice %arg3[%add3A_37, %dma_wait3A_61] : memref<2560x128xi32, #tpu.memory_space<hbm>> -> memref<40x128xi32, #tpu.memory_space<hbm>>
        tpu.wait_dma2 semaphore(%run_scoped3A : memref<!tpu.dma_semaphore, #tpu.memory_space<semaphore_mem>>) src(%dma_wait3A_62 : memref<40x128xi32, #tpu.memory_space<hbm>>) dst(%arg8 : memref<40x128xi32, #tpu.memory_space<vmem>>)
        tpu.yield
      }) : () -> ()
      %dma_start3A = arith.constant 0 : i32
      %dma_start3A_38 = arith.constant 0 : i32
      %dma_start3A_39 = tpu.memref_slice %arg7[%dma_start3A, %dma_start3A_38] : memref<40x128xi32, #tpu.memory_space<vmem>> -> memref<1x128xi32, #tpu.memory_space<vmem>>
      %dma_start3A_40 = tpu.memref_squeeze %dma_start3A_39 : memref<1x128xi32, #tpu.memory_space<vmem>> -> memref<128xi32, #tpu.memory_space<vmem>>
      %dma_start3A_41 = arith.constant 0 : i32
      %dma_start3A_42 = arith.constant 0 : i32
      %dma_start3A_43 = tpu.memref_slice %arg4[%dma_start3A_41, %dma_start3A_42] : memref<10000x128xf32, #tpu.memory_space<hbm>> -> memref<10000x128xf32, #tpu.memory_space<hbm>>
      tpu.enqueue_indirect_dma source(%dma_start3A_43 : memref<10000x128xf32, #tpu.memory_space<hbm>>) target(%arg9 : memref<128x128xf32, #tpu.memory_space<vmem>>) offsets(%dma_start3A_40 : memref<128xi32, #tpu.memory_space<vmem>>) semaphore(%arg12 : memref<!tpu.dma_semaphore, #tpu.memory_space<semaphore_mem>>)
      %dma_start3A_44 = arith.constant 1 : i32
      %dma_start3A_45 = arith.constant 0 : i32
      %dma_start3A_46 = tpu.memref_slice %arg7[%dma_start3A_44, %dma_start3A_45] : memref<40x128xi32, #tpu.memory_space<vmem>> -> memref<1x128xi32, #tpu.memory_space<vmem>>
      %dma_start3A_47 = tpu.memref_squeeze %dma_start3A_46 : memref<1x128xi32, #tpu.memory_space<vmem>> -> memref<128xi32, #tpu.memory_space<vmem>>
      %dma_start3A_48 = arith.constant 0 : i32
      %dma_start3A_49 = arith.constant 0 : i32
      %dma_start3A_50 = tpu.memref_slice %arg4[%dma_start3A_48, %dma_start3A_49] : memref<10000x128xf32, #tpu.memory_space<hbm>> -> memref<10000x128xf32, #tpu.memory_space<hbm>>
      tpu.enqueue_indirect_dma source(%dma_start3A_50 : memref<10000x128xf32, #tpu.memory_space<hbm>>) target(%arg10 : memref<128x128xf32, #tpu.memory_space<vmem>>) offsets(%dma_start3A_47 : memref<128xi32, #tpu.memory_space<vmem>>) semaphore(%arg13 : memref<!tpu.dma_semaphore, #tpu.memory_space<semaphore_mem>>)
      %scan3A_51 = arith.constant 0 : i32
      %scan3A_52 = arith.constant 20 : i32
      %scan3A_53 = arith.addi %scan3A_51, %scan3A_52 : i32
      %scan3A_54 = arith.constant 1 : i32
      scf.for %scan3A_56 = %scan3A_51 to %scan3A_53 step %scan3A_54  : i32 {
        %mul3A_57 = arith.constant 2 : i32
        %mul3A_58 = arith.muli %scan3A_56, %mul3A_57 : i32
        %add3A_59 = arith.constant 0 : i32
        %add3A_60 = arith.addi %add3A_59, %mul3A_58 : i32
        %add3A_61 = arith.constant 0 : i32
        %add3A_62 = arith.addi %add3A_60, %add3A_61 : i32
        %dma_wait3A = arith.constant 0 : i32
        %dma_wait3A_63 = tpu.memref_slice %arg7[%add3A_62, %dma_wait3A] : memref<40x128xi32, #tpu.memory_space<vmem>> -> memref<1x128xi32, #tpu.memory_space<vmem>>
        %dma_wait3A_64 = tpu.memref_squeeze %dma_wait3A_63 : memref<1x128xi32, #tpu.memory_space<vmem>> -> memref<128xi32, #tpu.memory_space<vmem>>
        %dma_wait3A_65 = arith.constant 0 : i32
        %dma_wait3A_66 = arith.constant 0 : i32
        %dma_wait3A_67 = tpu.memref_slice %arg4[%dma_wait3A_65, %dma_wait3A_66] : memref<10000x128xf32, #tpu.memory_space<hbm>> -> memref<10000x128xf32, #tpu.memory_space<hbm>>
        tpu.wait_indirect_dma semaphore(%arg12 : memref<!tpu.dma_semaphore, #tpu.memory_space<semaphore_mem>>) src(%dma_wait3A_67 : memref<10000x128xf32, #tpu.memory_space<hbm>>) dst(%arg9 : memref<128x128xf32, #tpu.memory_space<vmem>>)
        "tpu.region"() ({
          %run_scoped3A = tpu.sem_alloc : memref<!tpu.dma_semaphore, #tpu.memory_space<semaphore_mem>>
          %dma_start3A_90 = arith.constant 0 : i32
          %dma_start3A_91 = tpu.memref_slice %arg8[%add3A_62, %dma_start3A_90] : memref<40x128xi32, #tpu.memory_space<vmem>> -> memref<1x128xi32, #tpu.memory_space<vmem>>
          %dma_start3A_92 = tpu.memref_squeeze %dma_start3A_91 : memref<1x128xi32, #tpu.memory_space<vmem>> -> memref<128xi32, #tpu.memory_space<vmem>>
          %dma_start3A_93 = arith.constant 0 : i32
          %dma_start3A_94 = arith.constant 0 : i32
          %dma_start3A_95 = tpu.memref_slice %arg11[%dma_start3A_93, %dma_start3A_94] : memref<10240x128xf32, #tpu.memory_space<vmem_shared>> -> memref<10240x128xf32, #tpu.memory_space<vmem_shared>>
          tpu.enqueue_indirect_dma source(%arg9 : memref<128x128xf32, #tpu.memory_space<vmem>>) target(%dma_start3A_95 : memref<10240x128xf32, #tpu.memory_space<vmem_shared>>) offsets(%dma_start3A_92 : memref<128xi32, #tpu.memory_space<vmem>>) semaphore(%run_scoped3A : memref<!tpu.dma_semaphore, #tpu.memory_space<semaphore_mem>>) {add = true}
          %dma_wait3A_96 = arith.constant 0 : i32
          %dma_wait3A_97 = tpu.memref_slice %arg8[%add3A_62, %dma_wait3A_96] : memref<40x128xi32, #tpu.memory_space<vmem>> -> memref<1x128xi32, #tpu.memory_space<vmem>>
          %dma_wait3A_98 = tpu.memref_squeeze %dma_wait3A_97 : memref<1x128xi32, #tpu.memory_space<vmem>> -> memref<128xi32, #tpu.memory_space<vmem>>
          %dma_wait3A_99 = arith.constant 0 : i32
          %dma_wait3A_100 = arith.constant 0 : i32
          %dma_wait3A_101 = tpu.memref_slice %arg11[%dma_wait3A_99, %dma_wait3A_100] : memref<10240x128xf32, #tpu.memory_space<vmem_shared>> -> memref<10240x128xf32, #tpu.memory_space<vmem_shared>>
          tpu.wait_indirect_dma semaphore(%run_scoped3A : memref<!tpu.dma_semaphore, #tpu.memory_space<semaphore_mem>>) src(%arg9 : memref<128x128xf32, #tpu.memory_space<vmem>>) dst(%dma_wait3A_101 : memref<10240x128xf32, #tpu.memory_space<vmem_shared>>)
          tpu.yield
        }) : () -> ()
        %add3A_68 = arith.constant 2 : i32
        %add3A_69 = arith.addi %add3A_62, %add3A_68 : i32
        %lt3A_70 = arith.constant 40 : i32
        %lt3A_71 = arith.cmpi slt, %add3A_69, %lt3A_70 : i32
        %convert_element_type3A_72 = arith.extui %lt3A_71 : i1 to i32
        %cond3A_73 = arith.constant 0 : i32
        %cond3A_74 = arith.cmpi ne, %convert_element_type3A_72, %cond3A_73 : i32
        scf.if %cond3A_74 {
          %add3A_90 = arith.constant 2 : i32
          %add3A_91 = arith.addi %add3A_62, %add3A_90 : i32
          %dma_start3A_92 = arith.constant 0 : i32
          %dma_start3A_93 = tpu.memref_slice %arg7[%add3A_91, %dma_start3A_92] : memref<40x128xi32, #tpu.memory_space<vmem>> -> memref<1x128xi32, #tpu.memory_space<vmem>>
          %dma_start3A_94 = tpu.memref_squeeze %dma_start3A_93 : memref<1x128xi32, #tpu.memory_space<vmem>> -> memref<128xi32, #tpu.memory_space<vmem>>
          %dma_start3A_95 = arith.constant 0 : i32
          %dma_start3A_96 = arith.constant 0 : i32
          %dma_start3A_97 = tpu.memref_slice %arg4[%dma_start3A_95, %dma_start3A_96] : memref<10000x128xf32, #tpu.memory_space<hbm>> -> memref<10000x128xf32, #tpu.memory_space<hbm>>
          tpu.enqueue_indirect_dma source(%dma_start3A_97 : memref<10000x128xf32, #tpu.memory_space<hbm>>) target(%arg9 : memref<128x128xf32, #tpu.memory_space<vmem>>) offsets(%dma_start3A_94 : memref<128xi32, #tpu.memory_space<vmem>>) semaphore(%arg12 : memref<!tpu.dma_semaphore, #tpu.memory_space<semaphore_mem>>)
        } else {
        }
        %add3A_75 = arith.constant 1 : i32
        %add3A_76 = arith.addi %add3A_60, %add3A_75 : i32
        %dma_wait3A_77 = arith.constant 0 : i32
        %dma_wait3A_78 = tpu.memref_slice %arg7[%add3A_76, %dma_wait3A_77] : memref<40x128xi32, #tpu.memory_space<vmem>> -> memref<1x128xi32, #tpu.memory_space<vmem>>
        %dma_wait3A_79 = tpu.memref_squeeze %dma_wait3A_78 : memref<1x128xi32, #tpu.memory_space<vmem>> -> memref<128xi32, #tpu.memory_space<vmem>>
        %dma_wait3A_80 = arith.constant 0 : i32
        %dma_wait3A_81 = arith.constant 0 : i32
        %dma_wait3A_82 = tpu.memref_slice %arg4[%dma_wait3A_80, %dma_wait3A_81] : memref<10000x128xf32, #tpu.memory_space<hbm>> -> memref<10000x128xf32, #tpu.memory_space<hbm>>
        tpu.wait_indirect_dma semaphore(%arg13 : memref<!tpu.dma_semaphore, #tpu.memory_space<semaphore_mem>>) src(%dma_wait3A_82 : memref<10000x128xf32, #tpu.memory_space<hbm>>) dst(%arg10 : memref<128x128xf32, #tpu.memory_space<vmem>>)
        "tpu.region"() ({
          %run_scoped3A = tpu.sem_alloc : memref<!tpu.dma_semaphore, #tpu.memory_space<semaphore_mem>>
          %dma_start3A_90 = arith.constant 0 : i32
          %dma_start3A_91 = tpu.memref_slice %arg8[%add3A_76, %dma_start3A_90] : memref<40x128xi32, #tpu.memory_space<vmem>> -> memref<1x128xi32, #tpu.memory_space<vmem>>
          %dma_start3A_92 = tpu.memref_squeeze %dma_start3A_91 : memref<1x128xi32, #tpu.memory_space<vmem>> -> memref<128xi32, #tpu.memory_space<vmem>>
          %dma_start3A_93 = arith.constant 0 : i32
          %dma_start3A_94 = arith.constant 0 : i32
          %dma_start3A_95 = tpu.memref_slice %arg11[%dma_start3A_93, %dma_start3A_94] : memref<10240x128xf32, #tpu.memory_space<vmem_shared>> -> memref<10240x128xf32, #tpu.memory_space<vmem_shared>>
          tpu.enqueue_indirect_dma source(%arg10 : memref<128x128xf32, #tpu.memory_space<vmem>>) target(%dma_start3A_95 : memref<10240x128xf32, #tpu.memory_space<vmem_shared>>) offsets(%dma_start3A_92 : memref<128xi32, #tpu.memory_space<vmem>>) semaphore(%run_scoped3A : memref<!tpu.dma_semaphore, #tpu.memory_space<semaphore_mem>>) {add = true}
          %dma_wait3A_96 = arith.constant 0 : i32
          %dma_wait3A_97 = tpu.memref_slice %arg8[%add3A_76, %dma_wait3A_96] : memref<40x128xi32, #tpu.memory_space<vmem>> -> memref<1x128xi32, #tpu.memory_space<vmem>>
          %dma_wait3A_98 = tpu.memref_squeeze %dma_wait3A_97 : memref<1x128xi32, #tpu.memory_space<vmem>> -> memref<128xi32, #tpu.memory_space<vmem>>
          %dma_wait3A_99 = arith.constant 0 : i32
          %dma_wait3A_100 = arith.constant 0 : i32
          %dma_wait3A_101 = tpu.memref_slice %arg11[%dma_wait3A_99, %dma_wait3A_100] : memref<10240x128xf32, #tpu.memory_space<vmem_shared>> -> memref<10240x128xf32, #tpu.memory_space<vmem_shared>>
          tpu.wait_indirect_dma semaphore(%run_scoped3A : memref<!tpu.dma_semaphore, #tpu.memory_space<semaphore_mem>>) src(%arg10 : memref<128x128xf32, #tpu.memory_space<vmem>>) dst(%dma_wait3A_101 : memref<10240x128xf32, #tpu.memory_space<vmem_shared>>)
          tpu.yield
        }) : () -> ()
        %add3A_83 = arith.constant 2 : i32
        %add3A_84 = arith.addi %add3A_76, %add3A_83 : i32
        %lt3A_85 = arith.constant 40 : i32
        %lt3A_86 = arith.cmpi slt, %add3A_84, %lt3A_85 : i32
        %convert_element_type3A_87 = arith.extui %lt3A_86 : i1 to i32
        %cond3A_88 = arith.constant 0 : i32
        %cond3A_89 = arith.cmpi ne, %convert_element_type3A_87, %cond3A_88 : i32
        scf.if %cond3A_89 {
          %add3A_90 = arith.constant 2 : i32
          %add3A_91 = arith.addi %add3A_76, %add3A_90 : i32
          %dma_start3A_92 = arith.constant 0 : i32
          %dma_start3A_93 = tpu.memref_slice %arg7[%add3A_91, %dma_start3A_92] : memref<40x128xi32, #tpu.memory_space<vmem>> -> memref<1x128xi32, #tpu.memory_space<vmem>>
          %dma_start3A_94 = tpu.memref_squeeze %dma_start3A_93 : memref<1x128xi32, #tpu.memory_space<vmem>> -> memref<128xi32, #tpu.memory_space<vmem>>
          %dma_start3A_95 = arith.constant 0 : i32
          %dma_start3A_96 = arith.constant 0 : i32
          %dma_start3A_97 = tpu.memref_slice %arg4[%dma_start3A_95, %dma_start3A_96] : memref<10000x128xf32, #tpu.memory_space<hbm>> -> memref<10000x128xf32, #tpu.memory_space<hbm>>
          tpu.enqueue_indirect_dma source(%dma_start3A_97 : memref<10000x128xf32, #tpu.memory_space<hbm>>) target(%arg10 : memref<128x128xf32, #tpu.memory_space<vmem>>) offsets(%dma_start3A_94 : memref<128xi32, #tpu.memory_space<vmem>>) semaphore(%arg13 : memref<!tpu.dma_semaphore, #tpu.memory_space<semaphore_mem>>)
        } else {
        }
      }
      %scan3A_55 = arith.constant 20 : i32
    }
    %scan3A_22 = arith.constant 2 : i32
    %barrier3A_23 = arith.constant 0 : index
    tpu.barrier barrier_id(%barrier3A_23)
    %mul3A_24 = arith.constant 640 : i32
    %mul3A_25 = arith.muli %arg1, %mul3A_24 : i32
    %mul3A_26 = arith.constant 640 : i32
    %mul3A_27 = arith.muli %arg1, %mul3A_26 : i32
    "tpu.region"() ({
      %run_scoped3A = tpu.sem_alloc : memref<!tpu.dma_semaphore, #tpu.memory_space<semaphore_mem>>
      %dma_start3A = arith.constant 0 : i32
      %dma_start3A_28 = tpu.memref_slice %arg6[%arg0, %mul3A_27, %dma_start3A] : memref<2x10240x128xf32, #tpu.memory_space<hbm>> -> memref<1x640x128xf32, #tpu.memory_space<hbm>>
      %dma_start3A_29 = tpu.memref_squeeze %dma_start3A_28 : memref<1x640x128xf32, #tpu.memory_space<hbm>> -> memref<640x128xf32, #tpu.memory_space<hbm>>
      %dma_start3A_30 = arith.constant 0 : i32
      %dma_start3A_31 = tpu.memref_slice %arg11[%mul3A_25, %dma_start3A_30] : memref<10240x128xf32, #tpu.memory_space<vmem_shared>> -> memref<640x128xf32, #tpu.memory_space<vmem_shared>>
      tpu.enqueue_dma source(%dma_start3A_31 : memref<640x128xf32, #tpu.memory_space<vmem_shared>>) target(%dma_start3A_29 : memref<640x128xf32, #tpu.memory_space<hbm>>) target_semaphore(%run_scoped3A : memref<!tpu.dma_semaphore, #tpu.memory_space<semaphore_mem>>)
      %dma_wait3A = arith.constant 0 : i32
      %dma_wait3A_32 = tpu.memref_slice %arg6[%arg0, %mul3A_27, %dma_wait3A] : memref<2x10240x128xf32, #tpu.memory_space<hbm>> -> memref<1x640x128xf32, #tpu.memory_space<hbm>>
      %dma_wait3A_33 = tpu.memref_squeeze %dma_wait3A_32 : memref<1x640x128xf32, #tpu.memory_space<hbm>> -> memref<640x128xf32, #tpu.memory_space<hbm>>
      %dma_wait3A_34 = arith.constant 0 : i32
      %dma_wait3A_35 = tpu.memref_slice %arg11[%mul3A_25, %dma_wait3A_34] : memref<10240x128xf32, #tpu.memory_space<vmem_shared>> -> memref<640x128xf32, #tpu.memory_space<vmem_shared>>
      tpu.wait_dma2 semaphore(%run_scoped3A : memref<!tpu.dma_semaphore, #tpu.memory_space<semaphore_mem>>) src(%dma_wait3A_35 : memref<640x128xf32, #tpu.memory_space<vmem_shared>>) dst(%dma_wait3A_33 : memref<640x128xf32, #tpu.memory_space<hbm>>)
      tpu.yield
    }) : () -> ()
    return
  }
}

#map = affine_map<(d0, d1) -> (0)>
#map1 = affine_map<(d0, d1) -> (0, 0)>
module attributes {stable_mosaic.version = 14 : i64} {
  func.func @_sc_hist(%arg0: i32, %arg1: i32, %arg2: memref<327680xi32, #tpu.memory_space<hbm>>, %arg3: memref<32x10240xf32, #tpu.memory_space<hbm>>, %arg4: memref<10240xi32, #tpu.memory_space<vmem>>, %arg5: memref<10240xf32, #tpu.memory_space<vmem>>) attributes {dimension_semantics = [#tpu.dimension_semantics<core_parallel>, #tpu.dimension_semantics<subcore_parallel>], iteration_bounds = array<i64: 2, 16>, scalar_prefetch = 0 : i64, scratch_operands = 2 : i64, tpu.core_type = #tpu.core_type<sc_vector_subcore>, window_params = [{transform_indices = #map}, {transform_indices = #map1}]} {
    %mul3A = arith.constant 16 : i32
    %mul3A_0 = arith.muli %arg0, %mul3A : i32
    %add3A = arith.addi %mul3A_0, %arg1 : i32
    %scan3A = arith.constant 0 : i32
    %scan3A_1 = arith.constant 640 : i32
    %scan3A_2 = arith.addi %scan3A, %scan3A_1 : i32
    %scan3A_3 = arith.constant 1 : i32
    scf.for %scan3A_13 = %scan3A to %scan3A_2 step %scan3A_3  : i32 {
      %mul3A_14 = arith.constant 1 : i32
      %mul3A_15 = arith.muli %scan3A_13, %mul3A_14 : i32
      %add3A_16 = arith.constant 0 : i32
      %add3A_17 = arith.addi %add3A_16, %mul3A_15 : i32
      %broadcast_in_dim3A_18 = arith.constant 0.000000e+00 : f32
      %broadcast_in_dim3A_19 = vector.broadcast %broadcast_in_dim3A_18 : f32 to vector<16xf32>
      %mul3A_20 = arith.constant 16 : i32
      %mul3A_21 = arith.muli %add3A_17, %mul3A_20 : i32
      %swap3A = arith.index_cast %mul3A_21 : i32 to index
      %swap3A_22 = tpu.vector_load %arg5[%swap3A] {strides = array<i32>} : memref<10240xf32, #tpu.memory_space<vmem>>, vector<16xf32>,
      tpu.vector_store %arg5[%swap3A], %broadcast_in_dim3A_19 {strides = array<i32>} : memref<10240xf32, #tpu.memory_space<vmem>>, vector<16xf32>,
    }
    %scan3A_4 = arith.constant 640 : i32
    %mul3A_5 = arith.constant 10240 : i32
    %mul3A_6 = arith.muli %add3A, %mul3A_5 : i32
    "tpu.region"() ({
      %run_scoped3A = tpu.sem_alloc : memref<!tpu.dma_semaphore, #tpu.memory_space<semaphore_mem>>
      %dma_start3A = tpu.memref_slice %arg2[%mul3A_6] : memref<327680xi32, #tpu.memory_space<hbm>> -> memref<10240xi32, #tpu.memory_space<hbm>>
      %dma_start3A_13 = tpu.memref_slice %arg2[%mul3A_6] : memref<327680xi32, #tpu.memory_space<hbm>> -> memref<10240xi32, #tpu.memory_space<hbm>>
      tpu.enqueue_dma source(%dma_start3A_13 : memref<10240xi32, #tpu.memory_space<hbm>>) target(%arg4 : memref<10240xi32, #tpu.memory_space<vmem>>) target_semaphore(%run_scoped3A : memref<!tpu.dma_semaphore, #tpu.memory_space<semaphore_mem>>)
      %dma_wait3A = tpu.memref_slice %arg2[%mul3A_6] : memref<327680xi32, #tpu.memory_space<hbm>> -> memref<10240xi32, #tpu.memory_space<hbm>>
      %dma_wait3A_14 = tpu.memref_slice %arg2[%mul3A_6] : memref<327680xi32, #tpu.memory_space<hbm>> -> memref<10240xi32, #tpu.memory_space<hbm>>
      tpu.wait_dma2 semaphore(%run_scoped3A : memref<!tpu.dma_semaphore, #tpu.memory_space<semaphore_mem>>) src(%dma_wait3A_14 : memref<10240xi32, #tpu.memory_space<hbm>>) dst(%arg4 : memref<10240xi32, #tpu.memory_space<vmem>>)
      tpu.yield
    }) : () -> ()
    %broadcast_in_dim3A = arith.constant 1.000000e+00 : f32
    %broadcast_in_dim3A_7 = vector.broadcast %broadcast_in_dim3A : f32 to vector<16xf32>
    %scan3A_8 = arith.constant 0 : i32
    %scan3A_9 = arith.constant 640 : i32
    %scan3A_10 = arith.addi %scan3A_8, %scan3A_9 : i32
    %scan3A_11 = arith.constant 1 : i32
    scf.for %scan3A_13 = %scan3A_8 to %scan3A_10 step %scan3A_11  : i32 {
      %mul3A_14 = arith.constant 1 : i32
      %mul3A_15 = arith.muli %scan3A_13, %mul3A_14 : i32
      %add3A_16 = arith.constant 0 : i32
      %add3A_17 = arith.addi %add3A_16, %mul3A_15 : i32
      %mul3A_18 = arith.constant 16 : i32
      %mul3A_19 = arith.muli %add3A_17, %mul3A_18 : i32
      %get3A = arith.index_cast %mul3A_19 : i32 to index
      %get3A_20 = tpu.vector_load %arg4[%get3A] {strides = array<i32>} : memref<10240xi32, #tpu.memory_space<vmem>>, vector<16xi32>,
      tpu.vector_store_idx %arg5[%get3A_20], %broadcast_in_dim3A_7 {add = true} : memref<10240xf32, #tpu.memory_space<vmem>>[vector<16xi32>], vector<16xf32>,
    }
    %scan3A_12 = arith.constant 640 : i32
    "tpu.region"() ({
      %run_scoped3A = tpu.sem_alloc : memref<!tpu.dma_semaphore, #tpu.memory_space<semaphore_mem>>
      %dma_start3A = arith.constant 0 : i32
      %dma_start3A_13 = tpu.memref_slice %arg3[%add3A, %dma_start3A] : memref<32x10240xf32, #tpu.memory_space<hbm>> -> memref<1x10240xf32, #tpu.memory_space<hbm>>
      %dma_start3A_14 = tpu.memref_squeeze %dma_start3A_13 : memref<1x10240xf32, #tpu.memory_space<hbm>> -> memref<10240xf32, #tpu.memory_space<hbm>>
      %dma_start3A_15 = arith.constant 0 : i32
      %dma_start3A_16 = tpu.memref_slice %arg3[%add3A, %dma_start3A_15] : memref<32x10240xf32, #tpu.memory_space<hbm>> -> memref<1x10240xf32, #tpu.memory_space<hbm>>
      %dma_start3A_17 = tpu.memref_squeeze %dma_start3A_16 : memref<1x10240xf32, #tpu.memory_space<hbm>> -> memref<10240xf32, #tpu.memory_space<hbm>>
      tpu.enqueue_dma source(%arg5 : memref<10240xf32, #tpu.memory_space<vmem>>) target(%dma_start3A_17 : memref<10240xf32, #tpu.memory_space<hbm>>) target_semaphore(%run_scoped3A : memref<!tpu.dma_semaphore, #tpu.memory_space<semaphore_mem>>)
      %dma_wait3A = arith.constant 0 : i32
      %dma_wait3A_18 = tpu.memref_slice %arg3[%add3A, %dma_wait3A] : memref<32x10240xf32, #tpu.memory_space<hbm>> -> memref<1x10240xf32, #tpu.memory_space<hbm>>
      %dma_wait3A_19 = tpu.memref_squeeze %dma_wait3A_18 : memref<1x10240xf32, #tpu.memory_space<hbm>> -> memref<10240xf32, #tpu.memory_space<hbm>>
      %dma_wait3A_20 = arith.constant 0 : i32
      %dma_wait3A_21 = tpu.memref_slice %arg3[%add3A, %dma_wait3A_20] : memref<32x10240xf32, #tpu.memory_space<hbm>> -> memref<1x10240xf32, #tpu.memory_space<hbm>>
      %dma_wait3A_22 = tpu.memref_squeeze %dma_wait3A_21 : memref<1x10240xf32, #tpu.memory_space<hbm>> -> memref<10240xf32, #tpu.memory_space<hbm>>
      tpu.wait_dma2 semaphore(%run_scoped3A : memref<!tpu.dma_semaphore, #tpu.memory_space<semaphore_mem>>) src(%arg5 : memref<10240xf32, #tpu.memory_space<vmem>>) dst(%dma_wait3A_22 : memref<10240xf32, #tpu.memory_space<hbm>>)
      tpu.yield
    }) : () -> ()
    return
  }
}

#map = affine_map<(d0, d1) -> (0, 0)>
#map1 = affine_map<(d0, d1) -> (0, 0, 0)>
module attributes {stable_mosaic.version = 14 : i64} {
  func.func @_sc_scatter(%arg0: i32, %arg1: i32, %arg2: memref<2560x128xi32, #tpu.memory_space<hbm>>, %arg3: memref<2560x128xi32, #tpu.memory_space<hbm>>, %arg4: memref<10000x128xf32, #tpu.memory_space<hbm>>, %arg5: memref<10240x128xf32, #tpu.memory_space<hbm>>, %arg6: memref<2x10240x128xf32, #tpu.memory_space<hbm>>, %arg7: memref<40x128xi32, #tpu.memory_space<vmem>>, %arg8: memref<40x128xi32, #tpu.memory_space<vmem>>, %arg9: memref<128x128xf32, #tpu.memory_space<vmem>>, %arg10: memref<128x128xf32, #tpu.memory_space<vmem>>, %arg11: memref<10240x128xf32, #tpu.memory_space<vmem_shared>>, %arg12: memref<!tpu.dma_semaphore, #tpu.memory_space<semaphore_mem>>, %arg13: memref<!tpu.dma_semaphore, #tpu.memory_space<semaphore_mem>>) attributes {dimension_semantics = [#tpu.dimension_semantics<core_parallel>, #tpu.dimension_semantics<subcore_parallel>], iteration_bounds = array<i64: 2, 16>, scalar_prefetch = 0 : i64, scratch_operands = 7 : i64, tpu.core_type = #tpu.core_type<sc_vector_subcore>, window_params = [{transform_indices = #map}, {transform_indices = #map}, {transform_indices = #map}, {transform_indices = #map}, {transform_indices = #map1}]} {
    %mul3A = arith.constant 16 : i32
    %mul3A_0 = arith.muli %arg0, %mul3A : i32
    %add3A = arith.addi %mul3A_0, %arg1 : i32
    %mul3A_1 = arith.constant 640 : i32
    %mul3A_2 = arith.muli %arg1, %mul3A_1 : i32
    %eq3A = arith.constant 0 : i32
    %eq3A_3 = arith.cmpi eq, %arg0, %eq3A : i32
    %lt3A = arith.constant 15 : i32
    %lt3A_4 = arith.cmpi slt, %arg1, %lt3A : i32
    %and3A = arith.andi %eq3A_3, %lt3A_4 : i1
    %convert_element_type3A = arith.extui %and3A : i1 to i32
    %cond3A = arith.constant 0 : i32
    %cond3A_5 = arith.cmpi ne, %convert_element_type3A, %cond3A : i32
    scf.if %cond3A_5 {
      "tpu.region"() ({
        %run_scoped3A = tpu.sem_alloc : memref<!tpu.dma_semaphore, #tpu.memory_space<semaphore_mem>>
        %dma_start3A = arith.constant 0 : i32
        %dma_start3A_28 = tpu.memref_slice %arg11[%mul3A_2, %dma_start3A] : memref<10240x128xf32, #tpu.memory_space<vmem_shared>> -> memref<640x128xf32, #tpu.memory_space<vmem_shared>>
        %dma_start3A_29 = arith.constant 0 : i32
        %dma_start3A_30 = tpu.memref_slice %arg4[%mul3A_2, %dma_start3A_29] : memref<10000x128xf32, #tpu.memory_space<hbm>> -> memref<640x128xf32, #tpu.memory_space<hbm>>
        tpu.enqueue_dma source(%dma_start3A_30 : memref<640x128xf32, #tpu.memory_space<hbm>>) target(%dma_start3A_28 : memref<640x128xf32, #tpu.memory_space<vmem_shared>>) target_semaphore(%run_scoped3A : memref<!tpu.dma_semaphore, #tpu.memory_space<semaphore_mem>>)
        %dma_wait3A = arith.constant 0 : i32
        %dma_wait3A_31 = tpu.memref_slice %arg11[%mul3A_2, %dma_wait3A] : memref<10240x128xf32, #tpu.memory_space<vmem_shared>> -> memref<640x128xf32, #tpu.memory_space<vmem_shared>>
        %dma_wait3A_32 = arith.constant 0 : i32
        %dma_wait3A_33 = tpu.memref_slice %arg4[%mul3A_2, %dma_wait3A_32] : memref<10000x128xf32, #tpu.memory_space<hbm>> -> memref<640x128xf32, #tpu.memory_space<hbm>>
        tpu.wait_dma2 semaphore(%run_scoped3A : memref<!tpu.dma_semaphore, #tpu.memory_space<semaphore_mem>>) src(%dma_wait3A_33 : memref<640x128xf32, #tpu.memory_space<hbm>>) dst(%dma_wait3A_31 : memref<640x128xf32, #tpu.memory_space<vmem_shared>>)
        tpu.yield
      }) : () -> ()
    } else {
    }
    %eq3A_6 = arith.constant 0 : i32
    %eq3A_7 = arith.cmpi eq, %arg0, %eq3A_6 : i32
    %eq3A_8 = arith.constant 15 : i32
    %eq3A_9 = arith.cmpi eq, %arg1, %eq3A_8 : i32
    %and3A_10 = arith.andi %eq3A_7, %eq3A_9 : i1
    %convert_element_type3A_11 = arith.extui %and3A_10 : i1 to i32
    %cond3A_12 = arith.constant 0 : i32
    %cond3A_13 = arith.cmpi ne, %convert_element_type3A_11, %cond3A_12 : i32
    scf.if %cond3A_13 {
      "tpu.region"() ({
        %run_scoped3A = tpu.sem_alloc : memref<!tpu.dma_semaphore, #tpu.memory_space<semaphore_mem>>
        %dma_start3A = arith.constant 9600 : i32
        %dma_start3A_28 = arith.constant 0 : i32
        %dma_start3A_29 = tpu.memref_slice %arg11[%dma_start3A, %dma_start3A_28] : memref<10240x128xf32, #tpu.memory_space<vmem_shared>> -> memref<400x128xf32, #tpu.memory_space<vmem_shared>>
        %dma_start3A_30 = arith.constant 9600 : i32
        %dma_start3A_31 = arith.constant 0 : i32
        %dma_start3A_32 = tpu.memref_slice %arg4[%dma_start3A_30, %dma_start3A_31] : memref<10000x128xf32, #tpu.memory_space<hbm>> -> memref<400x128xf32, #tpu.memory_space<hbm>>
        tpu.enqueue_dma source(%dma_start3A_32 : memref<400x128xf32, #tpu.memory_space<hbm>>) target(%dma_start3A_29 : memref<400x128xf32, #tpu.memory_space<vmem_shared>>) target_semaphore(%run_scoped3A : memref<!tpu.dma_semaphore, #tpu.memory_space<semaphore_mem>>)
        %dma_wait3A = arith.constant 9600 : i32
        %dma_wait3A_33 = arith.constant 0 : i32
        %dma_wait3A_34 = tpu.memref_slice %arg11[%dma_wait3A, %dma_wait3A_33] : memref<10240x128xf32, #tpu.memory_space<vmem_shared>> -> memref<400x128xf32, #tpu.memory_space<vmem_shared>>
        %dma_wait3A_35 = arith.constant 9600 : i32
        %dma_wait3A_36 = arith.constant 0 : i32
        %dma_wait3A_37 = tpu.memref_slice %arg4[%dma_wait3A_35, %dma_wait3A_36] : memref<10000x128xf32, #tpu.memory_space<hbm>> -> memref<400x128xf32, #tpu.memory_space<hbm>>
        tpu.wait_dma2 semaphore(%run_scoped3A : memref<!tpu.dma_semaphore, #tpu.memory_space<semaphore_mem>>) src(%dma_wait3A_37 : memref<400x128xf32, #tpu.memory_space<hbm>>) dst(%dma_wait3A_34 : memref<400x128xf32, #tpu.memory_space<vmem_shared>>)
        tpu.yield
      }) : () -> ()
      "tpu.region"() ({
        %run_scoped3A = tpu.sem_alloc : memref<!tpu.dma_semaphore, #tpu.memory_space<semaphore_mem>>
        %dma_start3A = arith.constant 10000 : i32
        %dma_start3A_28 = arith.constant 0 : i32
        %dma_start3A_29 = tpu.memref_slice %arg11[%dma_start3A, %dma_start3A_28] : memref<10240x128xf32, #tpu.memory_space<vmem_shared>> -> memref<240x128xf32, #tpu.memory_space<vmem_shared>>
        %dma_start3A_30 = arith.constant 10000 : i32
        %dma_start3A_31 = arith.constant 0 : i32
        %dma_start3A_32 = tpu.memref_slice %arg5[%dma_start3A_30, %dma_start3A_31] : memref<10240x128xf32, #tpu.memory_space<hbm>> -> memref<240x128xf32, #tpu.memory_space<hbm>>
        tpu.enqueue_dma source(%dma_start3A_32 : memref<240x128xf32, #tpu.memory_space<hbm>>) target(%dma_start3A_29 : memref<240x128xf32, #tpu.memory_space<vmem_shared>>) target_semaphore(%run_scoped3A : memref<!tpu.dma_semaphore, #tpu.memory_space<semaphore_mem>>)
        %dma_wait3A = arith.constant 10000 : i32
        %dma_wait3A_33 = arith.constant 0 : i32
        %dma_wait3A_34 = tpu.memref_slice %arg11[%dma_wait3A, %dma_wait3A_33] : memref<10240x128xf32, #tpu.memory_space<vmem_shared>> -> memref<240x128xf32, #tpu.memory_space<vmem_shared>>
        %dma_wait3A_35 = arith.constant 10000 : i32
        %dma_wait3A_36 = arith.constant 0 : i32
        %dma_wait3A_37 = tpu.memref_slice %arg5[%dma_wait3A_35, %dma_wait3A_36] : memref<10240x128xf32, #tpu.memory_space<hbm>> -> memref<240x128xf32, #tpu.memory_space<hbm>>
        tpu.wait_dma2 semaphore(%run_scoped3A : memref<!tpu.dma_semaphore, #tpu.memory_space<semaphore_mem>>) src(%dma_wait3A_37 : memref<240x128xf32, #tpu.memory_space<hbm>>) dst(%dma_wait3A_34 : memref<240x128xf32, #tpu.memory_space<vmem_shared>>)
        tpu.yield
      }) : () -> ()
    } else {
    }
    %eq3A_14 = arith.constant 1 : i32
    %eq3A_15 = arith.cmpi eq, %arg0, %eq3A_14 : i32
    %convert_element_type3A_16 = arith.extui %eq3A_15 : i1 to i32
    %cond3A_17 = arith.constant 0 : i32
    %cond3A_18 = arith.cmpi ne, %convert_element_type3A_16, %cond3A_17 : i32
    scf.if %cond3A_18 {
      "tpu.region"() ({
        %run_scoped3A = tpu.sem_alloc : memref<!tpu.dma_semaphore, #tpu.memory_space<semaphore_mem>>
        %dma_start3A = arith.constant 0 : i32
        %dma_start3A_28 = tpu.memref_slice %arg11[%mul3A_2, %dma_start3A] : memref<10240x128xf32, #tpu.memory_space<vmem_shared>> -> memref<640x128xf32, #tpu.memory_space<vmem_shared>>
        %dma_start3A_29 = arith.constant 0 : i32
        %dma_start3A_30 = tpu.memref_slice %arg5[%mul3A_2, %dma_start3A_29] : memref<10240x128xf32, #tpu.memory_space<hbm>> -> memref<640x128xf32, #tpu.memory_space<hbm>>
        tpu.enqueue_dma source(%dma_start3A_30 : memref<640x128xf32, #tpu.memory_space<hbm>>) target(%dma_start3A_28 : memref<640x128xf32, #tpu.memory_space<vmem_shared>>) target_semaphore(%run_scoped3A : memref<!tpu.dma_semaphore, #tpu.memory_space<semaphore_mem>>)
        %dma_wait3A = arith.constant 0 : i32
        %dma_wait3A_31 = tpu.memref_slice %arg11[%mul3A_2, %dma_wait3A] : memref<10240x128xf32, #tpu.memory_space<vmem_shared>> -> memref<640x128xf32, #tpu.memory_space<vmem_shared>>
        %dma_wait3A_32 = arith.constant 0 : i32
        %dma_wait3A_33 = tpu.memref_slice %arg5[%mul3A_2, %dma_wait3A_32] : memref<10240x128xf32, #tpu.memory_space<hbm>> -> memref<640x128xf32, #tpu.memory_space<hbm>>
        tpu.wait_dma2 semaphore(%run_scoped3A : memref<!tpu.dma_semaphore, #tpu.memory_space<semaphore_mem>>) src(%dma_wait3A_33 : memref<640x128xf32, #tpu.memory_space<hbm>>) dst(%dma_wait3A_31 : memref<640x128xf32, #tpu.memory_space<vmem_shared>>)
        tpu.yield
      }) : () -> ()
    } else {
    }
    %barrier3A = arith.constant 0 : index
    tpu.barrier barrier_id(%barrier3A)
    %scan3A = arith.constant 0 : i32
    %scan3A_19 = arith.constant 2 : i32
    %scan3A_20 = arith.addi %scan3A, %scan3A_19 : i32
    %scan3A_21 = arith.constant 1 : i32
    scf.for %scan3A_28 = %scan3A to %scan3A_20 step %scan3A_21  : i32 {
      %mul3A_29 = arith.constant 1 : i32
      %mul3A_30 = arith.muli %scan3A_28, %mul3A_29 : i32
      %add3A_31 = arith.constant 0 : i32
      %add3A_32 = arith.addi %add3A_31, %mul3A_30 : i32
      %mul3A_33 = arith.constant 80 : i32
      %mul3A_34 = arith.muli %add3A, %mul3A_33 : i32
      %mul3A_35 = arith.constant 40 : i32
      %mul3A_36 = arith.muli %add3A_32, %mul3A_35 : i32
      %add3A_37 = arith.addi %mul3A_34, %mul3A_36 : i32
      "tpu.region"() ({
        %run_scoped3A = tpu.sem_alloc : memref<!tpu.dma_semaphore, #tpu.memory_space<semaphore_mem>>
        %dma_start3A_56 = arith.constant 0 : i32
        %dma_start3A_57 = tpu.memref_slice %arg2[%add3A_37, %dma_start3A_56] : memref<2560x128xi32, #tpu.memory_space<hbm>> -> memref<40x128xi32, #tpu.memory_space<hbm>>
        %dma_start3A_58 = arith.constant 0 : i32
        %dma_start3A_59 = tpu.memref_slice %arg2[%add3A_37, %dma_start3A_58] : memref<2560x128xi32, #tpu.memory_space<hbm>> -> memref<40x128xi32, #tpu.memory_space<hbm>>
        tpu.enqueue_dma source(%dma_start3A_59 : memref<40x128xi32, #tpu.memory_space<hbm>>) target(%arg7 : memref<40x128xi32, #tpu.memory_space<vmem>>) target_semaphore(%run_scoped3A : memref<!tpu.dma_semaphore, #tpu.memory_space<semaphore_mem>>)
        %dma_wait3A = arith.constant 0 : i32
        %dma_wait3A_60 = tpu.memref_slice %arg2[%add3A_37, %dma_wait3A] : memref<2560x128xi32, #tpu.memory_space<hbm>> -> memref<40x128xi32, #tpu.memory_space<hbm>>
        %dma_wait3A_61 = arith.constant 0 : i32
        %dma_wait3A_62 = tpu.memref_slice %arg2[%add3A_37, %dma_wait3A_61] : memref<2560x128xi32, #tpu.memory_space<hbm>> -> memref<40x128xi32, #tpu.memory_space<hbm>>
        tpu.wait_dma2 semaphore(%run_scoped3A : memref<!tpu.dma_semaphore, #tpu.memory_space<semaphore_mem>>) src(%dma_wait3A_62 : memref<40x128xi32, #tpu.memory_space<hbm>>) dst(%arg7 : memref<40x128xi32, #tpu.memory_space<vmem>>)
        tpu.yield
      }) : () -> ()
      "tpu.region"() ({
        %run_scoped3A = tpu.sem_alloc : memref<!tpu.dma_semaphore, #tpu.memory_space<semaphore_mem>>
        %dma_start3A_56 = arith.constant 0 : i32
        %dma_start3A_57 = tpu.memref_slice %arg3[%add3A_37, %dma_start3A_56] : memref<2560x128xi32, #tpu.memory_space<hbm>> -> memref<40x128xi32, #tpu.memory_space<hbm>>
        %dma_start3A_58 = arith.constant 0 : i32
        %dma_start3A_59 = tpu.memref_slice %arg3[%add3A_37, %dma_start3A_58] : memref<2560x128xi32, #tpu.memory_space<hbm>> -> memref<40x128xi32, #tpu.memory_space<hbm>>
        tpu.enqueue_dma source(%dma_start3A_59 : memref<40x128xi32, #tpu.memory_space<hbm>>) target(%arg8 : memref<40x128xi32, #tpu.memory_space<vmem>>) target_semaphore(%run_scoped3A : memref<!tpu.dma_semaphore, #tpu.memory_space<semaphore_mem>>)
        %dma_wait3A = arith.constant 0 : i32
        %dma_wait3A_60 = tpu.memref_slice %arg3[%add3A_37, %dma_wait3A] : memref<2560x128xi32, #tpu.memory_space<hbm>> -> memref<40x128xi32, #tpu.memory_space<hbm>>
        %dma_wait3A_61 = arith.constant 0 : i32
        %dma_wait3A_62 = tpu.memref_slice %arg3[%add3A_37, %dma_wait3A_61] : memref<2560x128xi32, #tpu.memory_space<hbm>> -> memref<40x128xi32, #tpu.memory_space<hbm>>
        tpu.wait_dma2 semaphore(%run_scoped3A : memref<!tpu.dma_semaphore, #tpu.memory_space<semaphore_mem>>) src(%dma_wait3A_62 : memref<40x128xi32, #tpu.memory_space<hbm>>) dst(%arg8 : memref<40x128xi32, #tpu.memory_space<vmem>>)
        tpu.yield
      }) : () -> ()
      %dma_start3A = arith.constant 0 : i32
      %dma_start3A_38 = arith.constant 0 : i32
      %dma_start3A_39 = tpu.memref_slice %arg7[%dma_start3A, %dma_start3A_38] : memref<40x128xi32, #tpu.memory_space<vmem>> -> memref<1x128xi32, #tpu.memory_space<vmem>>
      %dma_start3A_40 = tpu.memref_squeeze %dma_start3A_39 : memref<1x128xi32, #tpu.memory_space<vmem>> -> memref<128xi32, #tpu.memory_space<vmem>>
      %dma_start3A_41 = arith.constant 0 : i32
      %dma_start3A_42 = arith.constant 0 : i32
      %dma_start3A_43 = tpu.memref_slice %arg4[%dma_start3A_41, %dma_start3A_42] : memref<10000x128xf32, #tpu.memory_space<hbm>> -> memref<10000x128xf32, #tpu.memory_space<hbm>>
      tpu.enqueue_indirect_dma source(%dma_start3A_43 : memref<10000x128xf32, #tpu.memory_space<hbm>>) target(%arg9 : memref<128x128xf32, #tpu.memory_space<vmem>>) offsets(%dma_start3A_40 : memref<128xi32, #tpu.memory_space<vmem>>) semaphore(%arg12 : memref<!tpu.dma_semaphore, #tpu.memory_space<semaphore_mem>>)
      %dma_start3A_44 = arith.constant 1 : i32
      %dma_start3A_45 = arith.constant 0 : i32
      %dma_start3A_46 = tpu.memref_slice %arg7[%dma_start3A_44, %dma_start3A_45] : memref<40x128xi32, #tpu.memory_space<vmem>> -> memref<1x128xi32, #tpu.memory_space<vmem>>
      %dma_start3A_47 = tpu.memref_squeeze %dma_start3A_46 : memref<1x128xi32, #tpu.memory_space<vmem>> -> memref<128xi32, #tpu.memory_space<vmem>>
      %dma_start3A_48 = arith.constant 0 : i32
      %dma_start3A_49 = arith.constant 0 : i32
      %dma_start3A_50 = tpu.memref_slice %arg4[%dma_start3A_48, %dma_start3A_49] : memref<10000x128xf32, #tpu.memory_space<hbm>> -> memref<10000x128xf32, #tpu.memory_space<hbm>>
      tpu.enqueue_indirect_dma source(%dma_start3A_50 : memref<10000x128xf32, #tpu.memory_space<hbm>>) target(%arg10 : memref<128x128xf32, #tpu.memory_space<vmem>>) offsets(%dma_start3A_47 : memref<128xi32, #tpu.memory_space<vmem>>) semaphore(%arg13 : memref<!tpu.dma_semaphore, #tpu.memory_space<semaphore_mem>>)
      %scan3A_51 = arith.constant 0 : i32
      %scan3A_52 = arith.constant 20 : i32
      %scan3A_53 = arith.addi %scan3A_51, %scan3A_52 : i32
      %scan3A_54 = arith.constant 1 : i32
      scf.for %scan3A_56 = %scan3A_51 to %scan3A_53 step %scan3A_54  : i32 {
        %mul3A_57 = arith.constant 2 : i32
        %mul3A_58 = arith.muli %scan3A_56, %mul3A_57 : i32
        %add3A_59 = arith.constant 0 : i32
        %add3A_60 = arith.addi %add3A_59, %mul3A_58 : i32
        %add3A_61 = arith.constant 0 : i32
        %add3A_62 = arith.addi %add3A_60, %add3A_61 : i32
        %dma_wait3A = arith.constant 0 : i32
        %dma_wait3A_63 = tpu.memref_slice %arg7[%add3A_62, %dma_wait3A] : memref<40x128xi32, #tpu.memory_space<vmem>> -> memref<1x128xi32, #tpu.memory_space<vmem>>
        %dma_wait3A_64 = tpu.memref_squeeze %dma_wait3A_63 : memref<1x128xi32, #tpu.memory_space<vmem>> -> memref<128xi32, #tpu.memory_space<vmem>>
        %dma_wait3A_65 = arith.constant 0 : i32
        %dma_wait3A_66 = arith.constant 0 : i32
        %dma_wait3A_67 = tpu.memref_slice %arg4[%dma_wait3A_65, %dma_wait3A_66] : memref<10000x128xf32, #tpu.memory_space<hbm>> -> memref<10000x128xf32, #tpu.memory_space<hbm>>
        tpu.wait_indirect_dma semaphore(%arg12 : memref<!tpu.dma_semaphore, #tpu.memory_space<semaphore_mem>>) src(%dma_wait3A_67 : memref<10000x128xf32, #tpu.memory_space<hbm>>) dst(%arg9 : memref<128x128xf32, #tpu.memory_space<vmem>>)
        "tpu.region"() ({
          %run_scoped3A = tpu.sem_alloc : memref<!tpu.dma_semaphore, #tpu.memory_space<semaphore_mem>>
          %dma_start3A_90 = arith.constant 0 : i32
          %dma_start3A_91 = tpu.memref_slice %arg8[%add3A_62, %dma_start3A_90] : memref<40x128xi32, #tpu.memory_space<vmem>> -> memref<1x128xi32, #tpu.memory_space<vmem>>
          %dma_start3A_92 = tpu.memref_squeeze %dma_start3A_91 : memref<1x128xi32, #tpu.memory_space<vmem>> -> memref<128xi32, #tpu.memory_space<vmem>>
          %dma_start3A_93 = arith.constant 0 : i32
          %dma_start3A_94 = arith.constant 0 : i32
          %dma_start3A_95 = tpu.memref_slice %arg11[%dma_start3A_93, %dma_start3A_94] : memref<10240x128xf32, #tpu.memory_space<vmem_shared>> -> memref<10240x128xf32, #tpu.memory_space<vmem_shared>>
          tpu.enqueue_indirect_dma source(%arg9 : memref<128x128xf32, #tpu.memory_space<vmem>>) target(%dma_start3A_95 : memref<10240x128xf32, #tpu.memory_space<vmem_shared>>) offsets(%dma_start3A_92 : memref<128xi32, #tpu.memory_space<vmem>>) semaphore(%run_scoped3A : memref<!tpu.dma_semaphore, #tpu.memory_space<semaphore_mem>>) {add = true}
          %dma_wait3A_96 = arith.constant 0 : i32
          %dma_wait3A_97 = tpu.memref_slice %arg8[%add3A_62, %dma_wait3A_96] : memref<40x128xi32, #tpu.memory_space<vmem>> -> memref<1x128xi32, #tpu.memory_space<vmem>>
          %dma_wait3A_98 = tpu.memref_squeeze %dma_wait3A_97 : memref<1x128xi32, #tpu.memory_space<vmem>> -> memref<128xi32, #tpu.memory_space<vmem>>
          %dma_wait3A_99 = arith.constant 0 : i32
          %dma_wait3A_100 = arith.constant 0 : i32
          %dma_wait3A_101 = tpu.memref_slice %arg11[%dma_wait3A_99, %dma_wait3A_100] : memref<10240x128xf32, #tpu.memory_space<vmem_shared>> -> memref<10240x128xf32, #tpu.memory_space<vmem_shared>>
          tpu.wait_indirect_dma semaphore(%run_scoped3A : memref<!tpu.dma_semaphore, #tpu.memory_space<semaphore_mem>>) src(%arg9 : memref<128x128xf32, #tpu.memory_space<vmem>>) dst(%dma_wait3A_101 : memref<10240x128xf32, #tpu.memory_space<vmem_shared>>)
          tpu.yield
        }) : () -> ()
        %add3A_68 = arith.constant 2 : i32
        %add3A_69 = arith.addi %add3A_62, %add3A_68 : i32
        %lt3A_70 = arith.constant 40 : i32
        %lt3A_71 = arith.cmpi slt, %add3A_69, %lt3A_70 : i32
        %convert_element_type3A_72 = arith.extui %lt3A_71 : i1 to i32
        %cond3A_73 = arith.constant 0 : i32
        %cond3A_74 = arith.cmpi ne, %convert_element_type3A_72, %cond3A_73 : i32
        scf.if %cond3A_74 {
          %add3A_90 = arith.constant 2 : i32
          %add3A_91 = arith.addi %add3A_62, %add3A_90 : i32
          %dma_start3A_92 = arith.constant 0 : i32
          %dma_start3A_93 = tpu.memref_slice %arg7[%add3A_91, %dma_start3A_92] : memref<40x128xi32, #tpu.memory_space<vmem>> -> memref<1x128xi32, #tpu.memory_space<vmem>>
          %dma_start3A_94 = tpu.memref_squeeze %dma_start3A_93 : memref<1x128xi32, #tpu.memory_space<vmem>> -> memref<128xi32, #tpu.memory_space<vmem>>
          %dma_start3A_95 = arith.constant 0 : i32
          %dma_start3A_96 = arith.constant 0 : i32
          %dma_start3A_97 = tpu.memref_slice %arg4[%dma_start3A_95, %dma_start3A_96] : memref<10000x128xf32, #tpu.memory_space<hbm>> -> memref<10000x128xf32, #tpu.memory_space<hbm>>
          tpu.enqueue_indirect_dma source(%dma_start3A_97 : memref<10000x128xf32, #tpu.memory_space<hbm>>) target(%arg9 : memref<128x128xf32, #tpu.memory_space<vmem>>) offsets(%dma_start3A_94 : memref<128xi32, #tpu.memory_space<vmem>>) semaphore(%arg12 : memref<!tpu.dma_semaphore, #tpu.memory_space<semaphore_mem>>)
        } else {
        }
        %add3A_75 = arith.constant 1 : i32
        %add3A_76 = arith.addi %add3A_60, %add3A_75 : i32
        %dma_wait3A_77 = arith.constant 0 : i32
        %dma_wait3A_78 = tpu.memref_slice %arg7[%add3A_76, %dma_wait3A_77] : memref<40x128xi32, #tpu.memory_space<vmem>> -> memref<1x128xi32, #tpu.memory_space<vmem>>
        %dma_wait3A_79 = tpu.memref_squeeze %dma_wait3A_78 : memref<1x128xi32, #tpu.memory_space<vmem>> -> memref<128xi32, #tpu.memory_space<vmem>>
        %dma_wait3A_80 = arith.constant 0 : i32
        %dma_wait3A_81 = arith.constant 0 : i32
        %dma_wait3A_82 = tpu.memref_slice %arg4[%dma_wait3A_80, %dma_wait3A_81] : memref<10000x128xf32, #tpu.memory_space<hbm>> -> memref<10000x128xf32, #tpu.memory_space<hbm>>
        tpu.wait_indirect_dma semaphore(%arg13 : memref<!tpu.dma_semaphore, #tpu.memory_space<semaphore_mem>>) src(%dma_wait3A_82 : memref<10000x128xf32, #tpu.memory_space<hbm>>) dst(%arg10 : memref<128x128xf32, #tpu.memory_space<vmem>>)
        "tpu.region"() ({
          %run_scoped3A = tpu.sem_alloc : memref<!tpu.dma_semaphore, #tpu.memory_space<semaphore_mem>>
          %dma_start3A_90 = arith.constant 0 : i32
          %dma_start3A_91 = tpu.memref_slice %arg8[%add3A_76, %dma_start3A_90] : memref<40x128xi32, #tpu.memory_space<vmem>> -> memref<1x128xi32, #tpu.memory_space<vmem>>
          %dma_start3A_92 = tpu.memref_squeeze %dma_start3A_91 : memref<1x128xi32, #tpu.memory_space<vmem>> -> memref<128xi32, #tpu.memory_space<vmem>>
          %dma_start3A_93 = arith.constant 0 : i32
          %dma_start3A_94 = arith.constant 0 : i32
          %dma_start3A_95 = tpu.memref_slice %arg11[%dma_start3A_93, %dma_start3A_94] : memref<10240x128xf32, #tpu.memory_space<vmem_shared>> -> memref<10240x128xf32, #tpu.memory_space<vmem_shared>>
          tpu.enqueue_indirect_dma source(%arg10 : memref<128x128xf32, #tpu.memory_space<vmem>>) target(%dma_start3A_95 : memref<10240x128xf32, #tpu.memory_space<vmem_shared>>) offsets(%dma_start3A_92 : memref<128xi32, #tpu.memory_space<vmem>>) semaphore(%run_scoped3A : memref<!tpu.dma_semaphore, #tpu.memory_space<semaphore_mem>>) {add = true}
          %dma_wait3A_96 = arith.constant 0 : i32
          %dma_wait3A_97 = tpu.memref_slice %arg8[%add3A_76, %dma_wait3A_96] : memref<40x128xi32, #tpu.memory_space<vmem>> -> memref<1x128xi32, #tpu.memory_space<vmem>>
          %dma_wait3A_98 = tpu.memref_squeeze %dma_wait3A_97 : memref<1x128xi32, #tpu.memory_space<vmem>> -> memref<128xi32, #tpu.memory_space<vmem>>
          %dma_wait3A_99 = arith.constant 0 : i32
          %dma_wait3A_100 = arith.constant 0 : i32
          %dma_wait3A_101 = tpu.memref_slice %arg11[%dma_wait3A_99, %dma_wait3A_100] : memref<10240x128xf32, #tpu.memory_space<vmem_shared>> -> memref<10240x128xf32, #tpu.memory_space<vmem_shared>>
          tpu.wait_indirect_dma semaphore(%run_scoped3A : memref<!tpu.dma_semaphore, #tpu.memory_space<semaphore_mem>>) src(%arg10 : memref<128x128xf32, #tpu.memory_space<vmem>>) dst(%dma_wait3A_101 : memref<10240x128xf32, #tpu.memory_space<vmem_shared>>)
          tpu.yield
        }) : () -> ()
        %add3A_83 = arith.constant 2 : i32
        %add3A_84 = arith.addi %add3A_76, %add3A_83 : i32
        %lt3A_85 = arith.constant 40 : i32
        %lt3A_86 = arith.cmpi slt, %add3A_84, %lt3A_85 : i32
        %convert_element_type3A_87 = arith.extui %lt3A_86 : i1 to i32
        %cond3A_88 = arith.constant 0 : i32
        %cond3A_89 = arith.cmpi ne, %convert_element_type3A_87, %cond3A_88 : i32
        scf.if %cond3A_89 {
          %add3A_90 = arith.constant 2 : i32
          %add3A_91 = arith.addi %add3A_76, %add3A_90 : i32
          %dma_start3A_92 = arith.constant 0 : i32
          %dma_start3A_93 = tpu.memref_slice %arg7[%add3A_91, %dma_start3A_92] : memref<40x128xi32, #tpu.memory_space<vmem>> -> memref<1x128xi32, #tpu.memory_space<vmem>>
          %dma_start3A_94 = tpu.memref_squeeze %dma_start3A_93 : memref<1x128xi32, #tpu.memory_space<vmem>> -> memref<128xi32, #tpu.memory_space<vmem>>
          %dma_start3A_95 = arith.constant 0 : i32
          %dma_start3A_96 = arith.constant 0 : i32
          %dma_start3A_97 = tpu.memref_slice %arg4[%dma_start3A_95, %dma_start3A_96] : memref<10000x128xf32, #tpu.memory_space<hbm>> -> memref<10000x128xf32, #tpu.memory_space<hbm>>
          tpu.enqueue_indirect_dma source(%dma_start3A_97 : memref<10000x128xf32, #tpu.memory_space<hbm>>) target(%arg10 : memref<128x128xf32, #tpu.memory_space<vmem>>) offsets(%dma_start3A_94 : memref<128xi32, #tpu.memory_space<vmem>>) semaphore(%arg13 : memref<!tpu.dma_semaphore, #tpu.memory_space<semaphore_mem>>)
        } else {
        }
      }
      %scan3A_55 = arith.constant 20 : i32
    }
    %scan3A_22 = arith.constant 2 : i32
    %barrier3A_23 = arith.constant 0 : index
    tpu.barrier barrier_id(%barrier3A_23)
    %mul3A_24 = arith.constant 640 : i32
    %mul3A_25 = arith.muli %arg1, %mul3A_24 : i32
    %mul3A_26 = arith.constant 640 : i32
    %mul3A_27 = arith.muli %arg1, %mul3A_26 : i32
    "tpu.region"() ({
      %run_scoped3A = tpu.sem_alloc : memref<!tpu.dma_semaphore, #tpu.memory_space<semaphore_mem>>
      %dma_start3A = arith.constant 0 : i32
      %dma_start3A_28 = tpu.memref_slice %arg6[%arg0, %mul3A_27, %dma_start3A] : memref<2x10240x128xf32, #tpu.memory_space<hbm>> -> memref<1x640x128xf32, #tpu.memory_space<hbm>>
      %dma_start3A_29 = tpu.memref_squeeze %dma_start3A_28 : memref<1x640x128xf32, #tpu.memory_space<hbm>> -> memref<640x128xf32, #tpu.memory_space<hbm>>
      %dma_start3A_30 = arith.constant 0 : i32
      %dma_start3A_31 = tpu.memref_slice %arg11[%mul3A_25, %dma_start3A_30] : memref<10240x128xf32, #tpu.memory_space<vmem_shared>> -> memref<640x128xf32, #tpu.memory_space<vmem_shared>>
      tpu.enqueue_dma source(%dma_start3A_31 : memref<640x128xf32, #tpu.memory_space<vmem_shared>>) target(%dma_start3A_29 : memref<640x128xf32, #tpu.memory_space<hbm>>) target_semaphore(%run_scoped3A : memref<!tpu.dma_semaphore, #tpu.memory_space<semaphore_mem>>)
      %dma_wait3A = arith.constant 0 : i32
      %dma_wait3A_32 = tpu.memref_slice %arg6[%arg0, %mul3A_27, %dma_wait3A] : memref<2x10240x128xf32, #tpu.memory_space<hbm>> -> memref<1x640x128xf32, #tpu.memory_space<hbm>>
      %dma_wait3A_33 = tpu.memref_squeeze %dma_wait3A_32 : memref<1x640x128xf32, #tpu.memory_space<hbm>> -> memref<640x128xf32, #tpu.memory_space<hbm>>
      %dma_wait3A_34 = arith.constant 0 : i32
      %dma_wait3A_35 = tpu.memref_slice %arg11[%mul3A_25, %dma_wait3A_34] : memref<10240x128xf32, #tpu.memory_space<vmem_shared>> -> memref<640x128xf32, #tpu.memory_space<vmem_shared>>
      tpu.wait_dma2 semaphore(%run_scoped3A : memref<!tpu.dma_semaphore, #tpu.memory_space<semaphore_mem>>) src(%dma_wait3A_35 : memref<640x128xf32, #tpu.memory_space<vmem_shared>>) dst(%dma_wait3A_33 : memref<640x128xf32, #tpu.memory_space<hbm>>)
      tpu.yield
    }) : () -> ()
    return
  }
}

#map = affine_map<(d0, d1) -> (0, 0)>
#map1 = affine_map<(d0, d1) -> (0, 0, 0)>
module attributes {stable_mosaic.version = 14 : i64} {
  func.func @_sc_scatter(%arg0: i32, %arg1: i32, %arg2: memref<2560x128xi32, #tpu.memory_space<hbm>>, %arg3: memref<2560x128xi32, #tpu.memory_space<hbm>>, %arg4: memref<10000x128xf32, #tpu.memory_space<hbm>>, %arg5: memref<10240x128xf32, #tpu.memory_space<hbm>>, %arg6: memref<2x10240x128xf32, #tpu.memory_space<hbm>>, %arg7: memref<40x128xi32, #tpu.memory_space<vmem>>, %arg8: memref<40x128xi32, #tpu.memory_space<vmem>>, %arg9: memref<128x128xf32, #tpu.memory_space<vmem>>, %arg10: memref<128x128xf32, #tpu.memory_space<vmem>>, %arg11: memref<10240x128xf32, #tpu.memory_space<vmem_shared>>, %arg12: memref<!tpu.dma_semaphore, #tpu.memory_space<semaphore_mem>>, %arg13: memref<!tpu.dma_semaphore, #tpu.memory_space<semaphore_mem>>) attributes {dimension_semantics = [#tpu.dimension_semantics<core_parallel>, #tpu.dimension_semantics<subcore_parallel>], iteration_bounds = array<i64: 2, 16>, scalar_prefetch = 0 : i64, scratch_operands = 7 : i64, tpu.core_type = #tpu.core_type<sc_vector_subcore>, window_params = [{transform_indices = #map}, {transform_indices = #map}, {transform_indices = #map}, {transform_indices = #map}, {transform_indices = #map1}]} {
    %mul3A = arith.constant 16 : i32
    %mul3A_0 = arith.muli %arg0, %mul3A : i32
    %add3A = arith.addi %mul3A_0, %arg1 : i32
    %mul3A_1 = arith.constant 640 : i32
    %mul3A_2 = arith.muli %arg1, %mul3A_1 : i32
    %eq3A = arith.constant 0 : i32
    %eq3A_3 = arith.cmpi eq, %arg0, %eq3A : i32
    %lt3A = arith.constant 15 : i32
    %lt3A_4 = arith.cmpi slt, %arg1, %lt3A : i32
    %and3A = arith.andi %eq3A_3, %lt3A_4 : i1
    %convert_element_type3A = arith.extui %and3A : i1 to i32
    %cond3A = arith.constant 0 : i32
    %cond3A_5 = arith.cmpi ne, %convert_element_type3A, %cond3A : i32
    scf.if %cond3A_5 {
      "tpu.region"() ({
        %run_scoped3A = tpu.sem_alloc : memref<!tpu.dma_semaphore, #tpu.memory_space<semaphore_mem>>
        %dma_start3A = arith.constant 0 : i32
        %dma_start3A_28 = tpu.memref_slice %arg11[%mul3A_2, %dma_start3A] : memref<10240x128xf32, #tpu.memory_space<vmem_shared>> -> memref<640x128xf32, #tpu.memory_space<vmem_shared>>
        %dma_start3A_29 = arith.constant 0 : i32
        %dma_start3A_30 = tpu.memref_slice %arg4[%mul3A_2, %dma_start3A_29] : memref<10000x128xf32, #tpu.memory_space<hbm>> -> memref<640x128xf32, #tpu.memory_space<hbm>>
        tpu.enqueue_dma source(%dma_start3A_30 : memref<640x128xf32, #tpu.memory_space<hbm>>) target(%dma_start3A_28 : memref<640x128xf32, #tpu.memory_space<vmem_shared>>) target_semaphore(%run_scoped3A : memref<!tpu.dma_semaphore, #tpu.memory_space<semaphore_mem>>)
        %dma_wait3A = arith.constant 0 : i32
        %dma_wait3A_31 = tpu.memref_slice %arg11[%mul3A_2, %dma_wait3A] : memref<10240x128xf32, #tpu.memory_space<vmem_shared>> -> memref<640x128xf32, #tpu.memory_space<vmem_shared>>
        %dma_wait3A_32 = arith.constant 0 : i32
        %dma_wait3A_33 = tpu.memref_slice %arg4[%mul3A_2, %dma_wait3A_32] : memref<10000x128xf32, #tpu.memory_space<hbm>> -> memref<640x128xf32, #tpu.memory_space<hbm>>
        tpu.wait_dma2 semaphore(%run_scoped3A : memref<!tpu.dma_semaphore, #tpu.memory_space<semaphore_mem>>) src(%dma_wait3A_33 : memref<640x128xf32, #tpu.memory_space<hbm>>) dst(%dma_wait3A_31 : memref<640x128xf32, #tpu.memory_space<vmem_shared>>)
        tpu.yield
      }) : () -> ()
    } else {
    }
    %eq3A_6 = arith.constant 0 : i32
    %eq3A_7 = arith.cmpi eq, %arg0, %eq3A_6 : i32
    %eq3A_8 = arith.constant 15 : i32
    %eq3A_9 = arith.cmpi eq, %arg1, %eq3A_8 : i32
    %and3A_10 = arith.andi %eq3A_7, %eq3A_9 : i1
    %convert_element_type3A_11 = arith.extui %and3A_10 : i1 to i32
    %cond3A_12 = arith.constant 0 : i32
    %cond3A_13 = arith.cmpi ne, %convert_element_type3A_11, %cond3A_12 : i32
    scf.if %cond3A_13 {
      "tpu.region"() ({
        %run_scoped3A = tpu.sem_alloc : memref<!tpu.dma_semaphore, #tpu.memory_space<semaphore_mem>>
        %dma_start3A = arith.constant 9600 : i32
        %dma_start3A_28 = arith.constant 0 : i32
        %dma_start3A_29 = tpu.memref_slice %arg11[%dma_start3A, %dma_start3A_28] : memref<10240x128xf32, #tpu.memory_space<vmem_shared>> -> memref<400x128xf32, #tpu.memory_space<vmem_shared>>
        %dma_start3A_30 = arith.constant 9600 : i32
        %dma_start3A_31 = arith.constant 0 : i32
        %dma_start3A_32 = tpu.memref_slice %arg4[%dma_start3A_30, %dma_start3A_31] : memref<10000x128xf32, #tpu.memory_space<hbm>> -> memref<400x128xf32, #tpu.memory_space<hbm>>
        tpu.enqueue_dma source(%dma_start3A_32 : memref<400x128xf32, #tpu.memory_space<hbm>>) target(%dma_start3A_29 : memref<400x128xf32, #tpu.memory_space<vmem_shared>>) target_semaphore(%run_scoped3A : memref<!tpu.dma_semaphore, #tpu.memory_space<semaphore_mem>>)
        %dma_wait3A = arith.constant 9600 : i32
        %dma_wait3A_33 = arith.constant 0 : i32
        %dma_wait3A_34 = tpu.memref_slice %arg11[%dma_wait3A, %dma_wait3A_33] : memref<10240x128xf32, #tpu.memory_space<vmem_shared>> -> memref<400x128xf32, #tpu.memory_space<vmem_shared>>
        %dma_wait3A_35 = arith.constant 9600 : i32
        %dma_wait3A_36 = arith.constant 0 : i32
        %dma_wait3A_37 = tpu.memref_slice %arg4[%dma_wait3A_35, %dma_wait3A_36] : memref<10000x128xf32, #tpu.memory_space<hbm>> -> memref<400x128xf32, #tpu.memory_space<hbm>>
        tpu.wait_dma2 semaphore(%run_scoped3A : memref<!tpu.dma_semaphore, #tpu.memory_space<semaphore_mem>>) src(%dma_wait3A_37 : memref<400x128xf32, #tpu.memory_space<hbm>>) dst(%dma_wait3A_34 : memref<400x128xf32, #tpu.memory_space<vmem_shared>>)
        tpu.yield
      }) : () -> ()
      "tpu.region"() ({
        %run_scoped3A = tpu.sem_alloc : memref<!tpu.dma_semaphore, #tpu.memory_space<semaphore_mem>>
        %dma_start3A = arith.constant 10000 : i32
        %dma_start3A_28 = arith.constant 0 : i32
        %dma_start3A_29 = tpu.memref_slice %arg11[%dma_start3A, %dma_start3A_28] : memref<10240x128xf32, #tpu.memory_space<vmem_shared>> -> memref<240x128xf32, #tpu.memory_space<vmem_shared>>
        %dma_start3A_30 = arith.constant 10000 : i32
        %dma_start3A_31 = arith.constant 0 : i32
        %dma_start3A_32 = tpu.memref_slice %arg5[%dma_start3A_30, %dma_start3A_31] : memref<10240x128xf32, #tpu.memory_space<hbm>> -> memref<240x128xf32, #tpu.memory_space<hbm>>
        tpu.enqueue_dma source(%dma_start3A_32 : memref<240x128xf32, #tpu.memory_space<hbm>>) target(%dma_start3A_29 : memref<240x128xf32, #tpu.memory_space<vmem_shared>>) target_semaphore(%run_scoped3A : memref<!tpu.dma_semaphore, #tpu.memory_space<semaphore_mem>>)
        %dma_wait3A = arith.constant 10000 : i32
        %dma_wait3A_33 = arith.constant 0 : i32
        %dma_wait3A_34 = tpu.memref_slice %arg11[%dma_wait3A, %dma_wait3A_33] : memref<10240x128xf32, #tpu.memory_space<vmem_shared>> -> memref<240x128xf32, #tpu.memory_space<vmem_shared>>
        %dma_wait3A_35 = arith.constant 10000 : i32
        %dma_wait3A_36 = arith.constant 0 : i32
        %dma_wait3A_37 = tpu.memref_slice %arg5[%dma_wait3A_35, %dma_wait3A_36] : memref<10240x128xf32, #tpu.memory_space<hbm>> -> memref<240x128xf32, #tpu.memory_space<hbm>>
        tpu.wait_dma2 semaphore(%run_scoped3A : memref<!tpu.dma_semaphore, #tpu.memory_space<semaphore_mem>>) src(%dma_wait3A_37 : memref<240x128xf32, #tpu.memory_space<hbm>>) dst(%dma_wait3A_34 : memref<240x128xf32, #tpu.memory_space<vmem_shared>>)
        tpu.yield
      }) : () -> ()
    } else {
    }
    %eq3A_14 = arith.constant 1 : i32
    %eq3A_15 = arith.cmpi eq, %arg0, %eq3A_14 : i32
    %convert_element_type3A_16 = arith.extui %eq3A_15 : i1 to i32
    %cond3A_17 = arith.constant 0 : i32
    %cond3A_18 = arith.cmpi ne, %convert_element_type3A_16, %cond3A_17 : i32
    scf.if %cond3A_18 {
      "tpu.region"() ({
        %run_scoped3A = tpu.sem_alloc : memref<!tpu.dma_semaphore, #tpu.memory_space<semaphore_mem>>
        %dma_start3A = arith.constant 0 : i32
        %dma_start3A_28 = tpu.memref_slice %arg11[%mul3A_2, %dma_start3A] : memref<10240x128xf32, #tpu.memory_space<vmem_shared>> -> memref<640x128xf32, #tpu.memory_space<vmem_shared>>
        %dma_start3A_29 = arith.constant 0 : i32
        %dma_start3A_30 = tpu.memref_slice %arg5[%mul3A_2, %dma_start3A_29] : memref<10240x128xf32, #tpu.memory_space<hbm>> -> memref<640x128xf32, #tpu.memory_space<hbm>>
        tpu.enqueue_dma source(%dma_start3A_30 : memref<640x128xf32, #tpu.memory_space<hbm>>) target(%dma_start3A_28 : memref<640x128xf32, #tpu.memory_space<vmem_shared>>) target_semaphore(%run_scoped3A : memref<!tpu.dma_semaphore, #tpu.memory_space<semaphore_mem>>)
        %dma_wait3A = arith.constant 0 : i32
        %dma_wait3A_31 = tpu.memref_slice %arg11[%mul3A_2, %dma_wait3A] : memref<10240x128xf32, #tpu.memory_space<vmem_shared>> -> memref<640x128xf32, #tpu.memory_space<vmem_shared>>
        %dma_wait3A_32 = arith.constant 0 : i32
        %dma_wait3A_33 = tpu.memref_slice %arg5[%mul3A_2, %dma_wait3A_32] : memref<10240x128xf32, #tpu.memory_space<hbm>> -> memref<640x128xf32, #tpu.memory_space<hbm>>
        tpu.wait_dma2 semaphore(%run_scoped3A : memref<!tpu.dma_semaphore, #tpu.memory_space<semaphore_mem>>) src(%dma_wait3A_33 : memref<640x128xf32, #tpu.memory_space<hbm>>) dst(%dma_wait3A_31 : memref<640x128xf32, #tpu.memory_space<vmem_shared>>)
        tpu.yield
      }) : () -> ()
    } else {
    }
    %barrier3A = arith.constant 0 : index
    tpu.barrier barrier_id(%barrier3A)
    %scan3A = arith.constant 0 : i32
    %scan3A_19 = arith.constant 2 : i32
    %scan3A_20 = arith.addi %scan3A, %scan3A_19 : i32
    %scan3A_21 = arith.constant 1 : i32
    scf.for %scan3A_28 = %scan3A to %scan3A_20 step %scan3A_21  : i32 {
      %mul3A_29 = arith.constant 1 : i32
      %mul3A_30 = arith.muli %scan3A_28, %mul3A_29 : i32
      %add3A_31 = arith.constant 0 : i32
      %add3A_32 = arith.addi %add3A_31, %mul3A_30 : i32
      %mul3A_33 = arith.constant 80 : i32
      %mul3A_34 = arith.muli %add3A, %mul3A_33 : i32
      %mul3A_35 = arith.constant 40 : i32
      %mul3A_36 = arith.muli %add3A_32, %mul3A_35 : i32
      %add3A_37 = arith.addi %mul3A_34, %mul3A_36 : i32
      "tpu.region"() ({
        %run_scoped3A = tpu.sem_alloc : memref<!tpu.dma_semaphore, #tpu.memory_space<semaphore_mem>>
        %dma_start3A_56 = arith.constant 0 : i32
        %dma_start3A_57 = tpu.memref_slice %arg2[%add3A_37, %dma_start3A_56] : memref<2560x128xi32, #tpu.memory_space<hbm>> -> memref<40x128xi32, #tpu.memory_space<hbm>>
        %dma_start3A_58 = arith.constant 0 : i32
        %dma_start3A_59 = tpu.memref_slice %arg2[%add3A_37, %dma_start3A_58] : memref<2560x128xi32, #tpu.memory_space<hbm>> -> memref<40x128xi32, #tpu.memory_space<hbm>>
        tpu.enqueue_dma source(%dma_start3A_59 : memref<40x128xi32, #tpu.memory_space<hbm>>) target(%arg7 : memref<40x128xi32, #tpu.memory_space<vmem>>) target_semaphore(%run_scoped3A : memref<!tpu.dma_semaphore, #tpu.memory_space<semaphore_mem>>)
        %dma_wait3A = arith.constant 0 : i32
        %dma_wait3A_60 = tpu.memref_slice %arg2[%add3A_37, %dma_wait3A] : memref<2560x128xi32, #tpu.memory_space<hbm>> -> memref<40x128xi32, #tpu.memory_space<hbm>>
        %dma_wait3A_61 = arith.constant 0 : i32
        %dma_wait3A_62 = tpu.memref_slice %arg2[%add3A_37, %dma_wait3A_61] : memref<2560x128xi32, #tpu.memory_space<hbm>> -> memref<40x128xi32, #tpu.memory_space<hbm>>
        tpu.wait_dma2 semaphore(%run_scoped3A : memref<!tpu.dma_semaphore, #tpu.memory_space<semaphore_mem>>) src(%dma_wait3A_62 : memref<40x128xi32, #tpu.memory_space<hbm>>) dst(%arg7 : memref<40x128xi32, #tpu.memory_space<vmem>>)
        tpu.yield
      }) : () -> ()
      "tpu.region"() ({
        %run_scoped3A = tpu.sem_alloc : memref<!tpu.dma_semaphore, #tpu.memory_space<semaphore_mem>>
        %dma_start3A_56 = arith.constant 0 : i32
        %dma_start3A_57 = tpu.memref_slice %arg3[%add3A_37, %dma_start3A_56] : memref<2560x128xi32, #tpu.memory_space<hbm>> -> memref<40x128xi32, #tpu.memory_space<hbm>>
        %dma_start3A_58 = arith.constant 0 : i32
        %dma_start3A_59 = tpu.memref_slice %arg3[%add3A_37, %dma_start3A_58] : memref<2560x128xi32, #tpu.memory_space<hbm>> -> memref<40x128xi32, #tpu.memory_space<hbm>>
        tpu.enqueue_dma source(%dma_start3A_59 : memref<40x128xi32, #tpu.memory_space<hbm>>) target(%arg8 : memref<40x128xi32, #tpu.memory_space<vmem>>) target_semaphore(%run_scoped3A : memref<!tpu.dma_semaphore, #tpu.memory_space<semaphore_mem>>)
        %dma_wait3A = arith.constant 0 : i32
        %dma_wait3A_60 = tpu.memref_slice %arg3[%add3A_37, %dma_wait3A] : memref<2560x128xi32, #tpu.memory_space<hbm>> -> memref<40x128xi32, #tpu.memory_space<hbm>>
        %dma_wait3A_61 = arith.constant 0 : i32
        %dma_wait3A_62 = tpu.memref_slice %arg3[%add3A_37, %dma_wait3A_61] : memref<2560x128xi32, #tpu.memory_space<hbm>> -> memref<40x128xi32, #tpu.memory_space<hbm>>
        tpu.wait_dma2 semaphore(%run_scoped3A : memref<!tpu.dma_semaphore, #tpu.memory_space<semaphore_mem>>) src(%dma_wait3A_62 : memref<40x128xi32, #tpu.memory_space<hbm>>) dst(%arg8 : memref<40x128xi32, #tpu.memory_space<vmem>>)
        tpu.yield
      }) : () -> ()
      %dma_start3A = arith.constant 0 : i32
      %dma_start3A_38 = arith.constant 0 : i32
      %dma_start3A_39 = tpu.memref_slice %arg7[%dma_start3A, %dma_start3A_38] : memref<40x128xi32, #tpu.memory_space<vmem>> -> memref<1x128xi32, #tpu.memory_space<vmem>>
      %dma_start3A_40 = tpu.memref_squeeze %dma_start3A_39 : memref<1x128xi32, #tpu.memory_space<vmem>> -> memref<128xi32, #tpu.memory_space<vmem>>
      %dma_start3A_41 = arith.constant 0 : i32
      %dma_start3A_42 = arith.constant 0 : i32
      %dma_start3A_43 = tpu.memref_slice %arg4[%dma_start3A_41, %dma_start3A_42] : memref<10000x128xf32, #tpu.memory_space<hbm>> -> memref<10000x128xf32, #tpu.memory_space<hbm>>
      tpu.enqueue_indirect_dma source(%dma_start3A_43 : memref<10000x128xf32, #tpu.memory_space<hbm>>) target(%arg9 : memref<128x128xf32, #tpu.memory_space<vmem>>) offsets(%dma_start3A_40 : memref<128xi32, #tpu.memory_space<vmem>>) semaphore(%arg12 : memref<!tpu.dma_semaphore, #tpu.memory_space<semaphore_mem>>)
      %dma_start3A_44 = arith.constant 1 : i32
      %dma_start3A_45 = arith.constant 0 : i32
      %dma_start3A_46 = tpu.memref_slice %arg7[%dma_start3A_44, %dma_start3A_45] : memref<40x128xi32, #tpu.memory_space<vmem>> -> memref<1x128xi32, #tpu.memory_space<vmem>>
      %dma_start3A_47 = tpu.memref_squeeze %dma_start3A_46 : memref<1x128xi32, #tpu.memory_space<vmem>> -> memref<128xi32, #tpu.memory_space<vmem>>
      %dma_start3A_48 = arith.constant 0 : i32
      %dma_start3A_49 = arith.constant 0 : i32
      %dma_start3A_50 = tpu.memref_slice %arg4[%dma_start3A_48, %dma_start3A_49] : memref<10000x128xf32, #tpu.memory_space<hbm>> -> memref<10000x128xf32, #tpu.memory_space<hbm>>
      tpu.enqueue_indirect_dma source(%dma_start3A_50 : memref<10000x128xf32, #tpu.memory_space<hbm>>) target(%arg10 : memref<128x128xf32, #tpu.memory_space<vmem>>) offsets(%dma_start3A_47 : memref<128xi32, #tpu.memory_space<vmem>>) semaphore(%arg13 : memref<!tpu.dma_semaphore, #tpu.memory_space<semaphore_mem>>)
      %scan3A_51 = arith.constant 0 : i32
      %scan3A_52 = arith.constant 20 : i32
      %scan3A_53 = arith.addi %scan3A_51, %scan3A_52 : i32
      %scan3A_54 = arith.constant 1 : i32
      scf.for %scan3A_56 = %scan3A_51 to %scan3A_53 step %scan3A_54  : i32 {
        %mul3A_57 = arith.constant 2 : i32
        %mul3A_58 = arith.muli %scan3A_56, %mul3A_57 : i32
        %add3A_59 = arith.constant 0 : i32
        %add3A_60 = arith.addi %add3A_59, %mul3A_58 : i32
        %add3A_61 = arith.constant 0 : i32
        %add3A_62 = arith.addi %add3A_60, %add3A_61 : i32
        %dma_wait3A = arith.constant 0 : i32
        %dma_wait3A_63 = tpu.memref_slice %arg7[%add3A_62, %dma_wait3A] : memref<40x128xi32, #tpu.memory_space<vmem>> -> memref<1x128xi32, #tpu.memory_space<vmem>>
        %dma_wait3A_64 = tpu.memref_squeeze %dma_wait3A_63 : memref<1x128xi32, #tpu.memory_space<vmem>> -> memref<128xi32, #tpu.memory_space<vmem>>
        %dma_wait3A_65 = arith.constant 0 : i32
        %dma_wait3A_66 = arith.constant 0 : i32
        %dma_wait3A_67 = tpu.memref_slice %arg4[%dma_wait3A_65, %dma_wait3A_66] : memref<10000x128xf32, #tpu.memory_space<hbm>> -> memref<10000x128xf32, #tpu.memory_space<hbm>>
        tpu.wait_indirect_dma semaphore(%arg12 : memref<!tpu.dma_semaphore, #tpu.memory_space<semaphore_mem>>) src(%dma_wait3A_67 : memref<10000x128xf32, #tpu.memory_space<hbm>>) dst(%arg9 : memref<128x128xf32, #tpu.memory_space<vmem>>)
        "tpu.region"() ({
          %run_scoped3A = tpu.sem_alloc : memref<!tpu.dma_semaphore, #tpu.memory_space<semaphore_mem>>
          %dma_start3A_90 = arith.constant 0 : i32
          %dma_start3A_91 = tpu.memref_slice %arg8[%add3A_62, %dma_start3A_90] : memref<40x128xi32, #tpu.memory_space<vmem>> -> memref<1x128xi32, #tpu.memory_space<vmem>>
          %dma_start3A_92 = tpu.memref_squeeze %dma_start3A_91 : memref<1x128xi32, #tpu.memory_space<vmem>> -> memref<128xi32, #tpu.memory_space<vmem>>
          %dma_start3A_93 = arith.constant 0 : i32
          %dma_start3A_94 = arith.constant 0 : i32
          %dma_start3A_95 = tpu.memref_slice %arg11[%dma_start3A_93, %dma_start3A_94] : memref<10240x128xf32, #tpu.memory_space<vmem_shared>> -> memref<10240x128xf32, #tpu.memory_space<vmem_shared>>
          tpu.enqueue_indirect_dma source(%arg9 : memref<128x128xf32, #tpu.memory_space<vmem>>) target(%dma_start3A_95 : memref<10240x128xf32, #tpu.memory_space<vmem_shared>>) offsets(%dma_start3A_92 : memref<128xi32, #tpu.memory_space<vmem>>) semaphore(%run_scoped3A : memref<!tpu.dma_semaphore, #tpu.memory_space<semaphore_mem>>) {add = true}
          %dma_wait3A_96 = arith.constant 0 : i32
          %dma_wait3A_97 = tpu.memref_slice %arg8[%add3A_62, %dma_wait3A_96] : memref<40x128xi32, #tpu.memory_space<vmem>> -> memref<1x128xi32, #tpu.memory_space<vmem>>
          %dma_wait3A_98 = tpu.memref_squeeze %dma_wait3A_97 : memref<1x128xi32, #tpu.memory_space<vmem>> -> memref<128xi32, #tpu.memory_space<vmem>>
          %dma_wait3A_99 = arith.constant 0 : i32
          %dma_wait3A_100 = arith.constant 0 : i32
          %dma_wait3A_101 = tpu.memref_slice %arg11[%dma_wait3A_99, %dma_wait3A_100] : memref<10240x128xf32, #tpu.memory_space<vmem_shared>> -> memref<10240x128xf32, #tpu.memory_space<vmem_shared>>
          tpu.wait_indirect_dma semaphore(%run_scoped3A : memref<!tpu.dma_semaphore, #tpu.memory_space<semaphore_mem>>) src(%arg9 : memref<128x128xf32, #tpu.memory_space<vmem>>) dst(%dma_wait3A_101 : memref<10240x128xf32, #tpu.memory_space<vmem_shared>>)
          tpu.yield
        }) : () -> ()
        %add3A_68 = arith.constant 2 : i32
        %add3A_69 = arith.addi %add3A_62, %add3A_68 : i32
        %lt3A_70 = arith.constant 40 : i32
        %lt3A_71 = arith.cmpi slt, %add3A_69, %lt3A_70 : i32
        %convert_element_type3A_72 = arith.extui %lt3A_71 : i1 to i32
        %cond3A_73 = arith.constant 0 : i32
        %cond3A_74 = arith.cmpi ne, %convert_element_type3A_72, %cond3A_73 : i32
        scf.if %cond3A_74 {
          %add3A_90 = arith.constant 2 : i32
          %add3A_91 = arith.addi %add3A_62, %add3A_90 : i32
          %dma_start3A_92 = arith.constant 0 : i32
          %dma_start3A_93 = tpu.memref_slice %arg7[%add3A_91, %dma_start3A_92] : memref<40x128xi32, #tpu.memory_space<vmem>> -> memref<1x128xi32, #tpu.memory_space<vmem>>
          %dma_start3A_94 = tpu.memref_squeeze %dma_start3A_93 : memref<1x128xi32, #tpu.memory_space<vmem>> -> memref<128xi32, #tpu.memory_space<vmem>>
          %dma_start3A_95 = arith.constant 0 : i32
          %dma_start3A_96 = arith.constant 0 : i32
          %dma_start3A_97 = tpu.memref_slice %arg4[%dma_start3A_95, %dma_start3A_96] : memref<10000x128xf32, #tpu.memory_space<hbm>> -> memref<10000x128xf32, #tpu.memory_space<hbm>>
          tpu.enqueue_indirect_dma source(%dma_start3A_97 : memref<10000x128xf32, #tpu.memory_space<hbm>>) target(%arg9 : memref<128x128xf32, #tpu.memory_space<vmem>>) offsets(%dma_start3A_94 : memref<128xi32, #tpu.memory_space<vmem>>) semaphore(%arg12 : memref<!tpu.dma_semaphore, #tpu.memory_space<semaphore_mem>>)
        } else {
        }
        %add3A_75 = arith.constant 1 : i32
        %add3A_76 = arith.addi %add3A_60, %add3A_75 : i32
        %dma_wait3A_77 = arith.constant 0 : i32
        %dma_wait3A_78 = tpu.memref_slice %arg7[%add3A_76, %dma_wait3A_77] : memref<40x128xi32, #tpu.memory_space<vmem>> -> memref<1x128xi32, #tpu.memory_space<vmem>>
        %dma_wait3A_79 = tpu.memref_squeeze %dma_wait3A_78 : memref<1x128xi32, #tpu.memory_space<vmem>> -> memref<128xi32, #tpu.memory_space<vmem>>
        %dma_wait3A_80 = arith.constant 0 : i32
        %dma_wait3A_81 = arith.constant 0 : i32
        %dma_wait3A_82 = tpu.memref_slice %arg4[%dma_wait3A_80, %dma_wait3A_81] : memref<10000x128xf32, #tpu.memory_space<hbm>> -> memref<10000x128xf32, #tpu.memory_space<hbm>>
        tpu.wait_indirect_dma semaphore(%arg13 : memref<!tpu.dma_semaphore, #tpu.memory_space<semaphore_mem>>) src(%dma_wait3A_82 : memref<10000x128xf32, #tpu.memory_space<hbm>>) dst(%arg10 : memref<128x128xf32, #tpu.memory_space<vmem>>)
        "tpu.region"() ({
          %run_scoped3A = tpu.sem_alloc : memref<!tpu.dma_semaphore, #tpu.memory_space<semaphore_mem>>
          %dma_start3A_90 = arith.constant 0 : i32
          %dma_start3A_91 = tpu.memref_slice %arg8[%add3A_76, %dma_start3A_90] : memref<40x128xi32, #tpu.memory_space<vmem>> -> memref<1x128xi32, #tpu.memory_space<vmem>>
          %dma_start3A_92 = tpu.memref_squeeze %dma_start3A_91 : memref<1x128xi32, #tpu.memory_space<vmem>> -> memref<128xi32, #tpu.memory_space<vmem>>
          %dma_start3A_93 = arith.constant 0 : i32
          %dma_start3A_94 = arith.constant 0 : i32
          %dma_start3A_95 = tpu.memref_slice %arg11[%dma_start3A_93, %dma_start3A_94] : memref<10240x128xf32, #tpu.memory_space<vmem_shared>> -> memref<10240x128xf32, #tpu.memory_space<vmem_shared>>
          tpu.enqueue_indirect_dma source(%arg10 : memref<128x128xf32, #tpu.memory_space<vmem>>) target(%dma_start3A_95 : memref<10240x128xf32, #tpu.memory_space<vmem_shared>>) offsets(%dma_start3A_92 : memref<128xi32, #tpu.memory_space<vmem>>) semaphore(%run_scoped3A : memref<!tpu.dma_semaphore, #tpu.memory_space<semaphore_mem>>) {add = true}
          %dma_wait3A_96 = arith.constant 0 : i32
          %dma_wait3A_97 = tpu.memref_slice %arg8[%add3A_76, %dma_wait3A_96] : memref<40x128xi32, #tpu.memory_space<vmem>> -> memref<1x128xi32, #tpu.memory_space<vmem>>
          %dma_wait3A_98 = tpu.memref_squeeze %dma_wait3A_97 : memref<1x128xi32, #tpu.memory_space<vmem>> -> memref<128xi32, #tpu.memory_space<vmem>>
          %dma_wait3A_99 = arith.constant 0 : i32
          %dma_wait3A_100 = arith.constant 0 : i32
          %dma_wait3A_101 = tpu.memref_slice %arg11[%dma_wait3A_99, %dma_wait3A_100] : memref<10240x128xf32, #tpu.memory_space<vmem_shared>> -> memref<10240x128xf32, #tpu.memory_space<vmem_shared>>
          tpu.wait_indirect_dma semaphore(%run_scoped3A : memref<!tpu.dma_semaphore, #tpu.memory_space<semaphore_mem>>) src(%arg10 : memref<128x128xf32, #tpu.memory_space<vmem>>) dst(%dma_wait3A_101 : memref<10240x128xf32, #tpu.memory_space<vmem_shared>>)
          tpu.yield
        }) : () -> ()
        %add3A_83 = arith.constant 2 : i32
        %add3A_84 = arith.addi %add3A_76, %add3A_83 : i32
        %lt3A_85 = arith.constant 40 : i32
        %lt3A_86 = arith.cmpi slt, %add3A_84, %lt3A_85 : i32
        %convert_element_type3A_87 = arith.extui %lt3A_86 : i1 to i32
        %cond3A_88 = arith.constant 0 : i32
        %cond3A_89 = arith.cmpi ne, %convert_element_type3A_87, %cond3A_88 : i32
        scf.if %cond3A_89 {
          %add3A_90 = arith.constant 2 : i32
          %add3A_91 = arith.addi %add3A_76, %add3A_90 : i32
          %dma_start3A_92 = arith.constant 0 : i32
          %dma_start3A_93 = tpu.memref_slice %arg7[%add3A_91, %dma_start3A_92] : memref<40x128xi32, #tpu.memory_space<vmem>> -> memref<1x128xi32, #tpu.memory_space<vmem>>
          %dma_start3A_94 = tpu.memref_squeeze %dma_start3A_93 : memref<1x128xi32, #tpu.memory_space<vmem>> -> memref<128xi32, #tpu.memory_space<vmem>>
          %dma_start3A_95 = arith.constant 0 : i32
          %dma_start3A_96 = arith.constant 0 : i32
          %dma_start3A_97 = tpu.memref_slice %arg4[%dma_start3A_95, %dma_start3A_96] : memref<10000x128xf32, #tpu.memory_space<hbm>> -> memref<10000x128xf32, #tpu.memory_space<hbm>>
          tpu.enqueue_indirect_dma source(%dma_start3A_97 : memref<10000x128xf32, #tpu.memory_space<hbm>>) target(%arg10 : memref<128x128xf32, #tpu.memory_space<vmem>>) offsets(%dma_start3A_94 : memref<128xi32, #tpu.memory_space<vmem>>) semaphore(%arg13 : memref<!tpu.dma_semaphore, #tpu.memory_space<semaphore_mem>>)
        } else {
        }
      }
      %scan3A_55 = arith.constant 20 : i32
    }
    %scan3A_22 = arith.constant 2 : i32
    %barrier3A_23 = arith.constant 0 : index
    tpu.barrier barrier_id(%barrier3A_23)
    %mul3A_24 = arith.constant 640 : i32
    %mul3A_25 = arith.muli %arg1, %mul3A_24 : i32
    %mul3A_26 = arith.constant 640 : i32
    %mul3A_27 = arith.muli %arg1, %mul3A_26 : i32
    "tpu.region"() ({
      %run_scoped3A = tpu.sem_alloc : memref<!tpu.dma_semaphore, #tpu.memory_space<semaphore_mem>>
      %dma_start3A = arith.constant 0 : i32
      %dma_start3A_28 = tpu.memref_slice %arg6[%arg0, %mul3A_27, %dma_start3A] : memref<2x10240x128xf32, #tpu.memory_space<hbm>> -> memref<1x640x128xf32, #tpu.memory_space<hbm>>
      %dma_start3A_29 = tpu.memref_squeeze %dma_start3A_28 : memref<1x640x128xf32, #tpu.memory_space<hbm>> -> memref<640x128xf32, #tpu.memory_space<hbm>>
      %dma_start3A_30 = arith.constant 0 : i32
      %dma_start3A_31 = tpu.memref_slice %arg11[%mul3A_25, %dma_start3A_30] : memref<10240x128xf32, #tpu.memory_space<vmem_shared>> -> memref<640x128xf32, #tpu.memory_space<vmem_shared>>
      tpu.enqueue_dma source(%dma_start3A_31 : memref<640x128xf32, #tpu.memory_space<vmem_shared>>) target(%dma_start3A_29 : memref<640x128xf32, #tpu.memory_space<hbm>>) target_semaphore(%run_scoped3A : memref<!tpu.dma_semaphore, #tpu.memory_space<semaphore_mem>>)
      %dma_wait3A = arith.constant 0 : i32
      %dma_wait3A_32 = tpu.memref_slice %arg6[%arg0, %mul3A_27, %dma_wait3A] : memref<2x10240x128xf32, #tpu.memory_space<hbm>> -> memref<1x640x128xf32, #tpu.memory_space<hbm>>
      %dma_wait3A_33 = tpu.memref_squeeze %dma_wait3A_32 : memref<1x640x128xf32, #tpu.memory_space<hbm>> -> memref<640x128xf32, #tpu.memory_space<hbm>>
      %dma_wait3A_34 = arith.constant 0 : i32
      %dma_wait3A_35 = tpu.memref_slice %arg11[%mul3A_25, %dma_wait3A_34] : memref<10240x128xf32, #tpu.memory_space<vmem_shared>> -> memref<640x128xf32, #tpu.memory_space<vmem_shared>>
      tpu.wait_dma2 semaphore(%run_scoped3A : memref<!tpu.dma_semaphore, #tpu.memory_space<semaphore_mem>>) src(%dma_wait3A_35 : memref<640x128xf32, #tpu.memory_space<vmem_shared>>) dst(%dma_wait3A_33 : memref<640x128xf32, #tpu.memory_space<hbm>>)
      tpu.yield
    }) : () -> ()
    return
  }
}

module attributes {stable_mosaic.version = 14 : i64} {
  func.func @_t1_body(%arg0: i32, %arg1: memref<1000x128xf32, #tpu.memory_space<vmem>>, %arg2: memref<128x128xf32, #tpu.memory_space<vmem>>, %arg3: memref<1000x1xf32, #tpu.memory_space<vmem>>, %arg4: memref<1000x128xf32, #tpu.memory_space<vmem>>) attributes {dimension_semantics = [#tpu.dimension_semantics<arbitrary>], iteration_bounds = array<i64: 10>, scalar_prefetch = 0 : i64, scratch_operands = 0 : i64, tpu.core_type = #tpu.core_type<tc>, window_params = [{transform_indices = @transform_0, window_bounds = array<i64: 1000, 128>}, {pipeline_mode = #tpu.pipeline_mode<synchronous>, transform_indices = @transform_1, window_bounds = array<i64: 128, 128>}, {transform_indices = @transform_2, window_bounds = array<i64: 1000, 1>}, {transform_indices = @transform_3, window_bounds = array<i64: 1000, 128>}]} {
    %get3A = arith.constant 0 : index
    %get3A_0 = arith.constant 0 : index
    %get3A_1 = vector.load %arg1[%get3A, %get3A_0] : memref<1000x128xf32, #tpu.memory_space<vmem>>, vector<1000x128xf32>
    %get3A_2 = arith.constant 0 : index
    %get3A_3 = arith.constant 0 : index
    %get3A_4 = vector.load %arg2[%get3A_2, %get3A_3] : memref<128x128xf32, #tpu.memory_space<vmem>>, vector<128x128xf32>
    %dot_general3A = arith.constant dense<0.000000e+00> : vector<1000x128xf32>
    %dot_general3A_5 = tpu.matmul %get3A_1, %get3A_4, %dot_general3A {dimension_numbers = #tpu.dot_dimension_numbers<[1], [0], [0], [1], [0, 0, 1, 1], [], []>, transpose_lhs_hint = false} : vector<1000x128xf32>, vector<128x128xf32>, vector<1000x128xf32> -> vector<1000x128xf32>
    %get3A_6 = arith.constant 0 : index
    %get3A_7 = arith.constant 0 : index
    %get3A_8 = vector.load %arg3[%get3A_6, %get3A_7] : memref<1000x1xf32, #tpu.memory_space<vmem>>, vector<1000x1xf32>
    %mul3A = vector.broadcast %get3A_8 : vector<1000x1xf32> to vector<1000x128xf32>
    %mul3A_9 = arith.mulf %dot_general3A_5, %mul3A : vector<1000x128xf32>
    %swap3A = arith.constant 0 : index
    %swap3A_10 = arith.constant 0 : index
    %swap3A_11 = vector.load %arg4[%swap3A, %swap3A_10] : memref<1000x128xf32, #tpu.memory_space<vmem>>, vector<1000x128xf32>
    tpu.vector_store %arg4[%swap3A, %swap3A_10], %mul3A_9 {strides = array<i32>} : memref<1000x128xf32, #tpu.memory_space<vmem>>, vector<1000x128xf32>,
    return
  }
  func.func @transform_0(%arg0: i32) -> (i32, i32) {
    %c0_i32 = arith.constant 0 : i32
    %c0_i32_0 = arith.constant 0 : i32
    return %arg0, %c0_i32 : i32, i32
  }
  func.func @transform_1(%arg0: i32) -> (i32, i32) {
    %c0_i32 = arith.constant 0 : i32
    %c0_i32_0 = arith.constant 0 : i32
    %c0_i32_1 = arith.constant 0 : i32
    return %c0_i32, %c0_i32_0 : i32, i32
  }
  func.func @transform_2(%arg0: i32) -> (i32, i32) {
    %c0_i32 = arith.constant 0 : i32
    %c0_i32_0 = arith.constant 0 : i32
    return %arg0, %c0_i32 : i32, i32
  }
  func.func @transform_3(%arg0: i32) -> (i32, i32) {
    %c0_i32 = arith.constant 0 : i32
    %c0_i32_0 = arith.constant 0 : i32
    return %arg0, %c0_i32 : i32, i32
  }
}

module attributes {stable_mosaic.version = 14 : i64} {
  func.func @_t0_body(%arg0: i32, %arg1: memref<32x10240xf32, #tpu.memory_space<vmem>>, %arg2: memref<1x10240xf32, #tpu.memory_space<vmem>>) attributes {dimension_semantics = [#tpu.dimension_semantics<arbitrary>], iteration_bounds = array<i64: 1>, scalar_prefetch = 0 : i64, scratch_operands = 0 : i64, tpu.core_type = #tpu.core_type<tc>, window_params = [{pipeline_mode = #tpu.pipeline_mode<synchronous>, transform_indices = @transform_0, window_bounds = array<i64: 32, 10240>}, {pipeline_mode = #tpu.pipeline_mode<synchronous>, transform_indices = @transform_1, window_bounds = array<i64: 1, 10240>}]} {
    %get3A = arith.constant 0 : index
    %get3A_0 = arith.constant 0 : index
    %get3A_1 = vector.load %arg1[%get3A, %get3A_0] : memref<32x10240xf32, #tpu.memory_space<vmem>>, vector<32x10240xf32>
    %reduce_sum3A = arith.constant dense<0.000000e+00> : vector<10240xf32>
    %reduce_sum3A_2 = vector.multi_reduction <add>, %get3A_1, %reduce_sum3A [0] : vector<32x10240xf32> to vector<10240xf32>
    %broadcast_in_dim3A = vector.shape_cast %reduce_sum3A_2 : vector<10240xf32> to vector<1x10240xf32>
    %add3A = arith.constant 1.000000e+00 : f32
    %add3A_3 = vector.broadcast %add3A : f32 to vector<1x10240xf32>
    %add3A_4 = arith.addf %broadcast_in_dim3A, %add3A_3 : vector<1x10240xf32>
    %rsqrt3A = math.rsqrt %add3A_4 : vector<1x10240xf32>
    %swap3A = arith.constant 0 : index
    %swap3A_5 = arith.constant 0 : index
    %swap3A_6 = vector.load %arg2[%swap3A, %swap3A_5] : memref<1x10240xf32, #tpu.memory_space<vmem>>, vector<1x10240xf32>
    tpu.vector_store %arg2[%swap3A, %swap3A_5], %rsqrt3A {strides = array<i32>} : memref<1x10240xf32, #tpu.memory_space<vmem>>, vector<1x10240xf32>,
    return
  }
  func.func @transform_0(%arg0: i32) -> (i32, i32) {
    %c0_i32 = arith.constant 0 : i32
    %c0_i32_0 = arith.constant 0 : i32
    %c0_i32_1 = arith.constant 0 : i32
    return %c0_i32, %c0_i32_0 : i32, i32
  }
  func.func @transform_1(%arg0: i32) -> (i32, i32) {
    %c0_i32 = arith.constant 0 : i32
    %c0_i32_0 = arith.constant 0 : i32
    %c0_i32_1 = arith.constant 0 : i32
    return %c0_i32, %c0_i32_0 : i32, i32
  }
}

module attributes {stable_mosaic.version = 14 : i64} {
  func.func @_t23_body(%arg0: i32, %arg1: i32, %arg2: memref<1x1000x128xf32, #tpu.memory_space<vmem>>, %arg3: memref<1x1000x128xf32, #tpu.memory_space<vmem>>, %arg4: memref<1000x1xf32, #tpu.memory_space<vmem>>, %arg5: memref<1x128xf32, #tpu.memory_space<vmem>>, %arg6: memref<1x128xf32, #tpu.memory_space<vmem>>, %arg7: memref<128x128xf32, #tpu.memory_space<vmem>>, %arg8: memref<1000x128xf32, #tpu.memory_space<vmem>>, %arg9: memref<10000x128xf32, #tpu.memory_space<vmem>>, %arg10: memref<1x128xf32, #tpu.memory_space<vmem>>, %arg11: memref<1x128xf32, #tpu.memory_space<vmem>>) attributes {dimension_semantics = [#tpu.dimension_semantics<arbitrary>, #tpu.dimension_semantics<arbitrary>], iteration_bounds = array<i64: 2, 10>, scalar_prefetch = 0 : i64, scratch_operands = 3 : i64, tpu.core_type = #tpu.core_type<tc>, window_params = [{transform_indices = @transform_0, window_bounds = array<i64: 1, 1000, 128>}, {transform_indices = @transform_1, window_bounds = array<i64: 1, 1000, 128>}, {transform_indices = @transform_2, window_bounds = array<i64: 1000, 1>}, {pipeline_mode = #tpu.pipeline_mode<synchronous>, transform_indices = @transform_3, window_bounds = array<i64: 1, 128>}, {pipeline_mode = #tpu.pipeline_mode<synchronous>, transform_indices = @transform_4, window_bounds = array<i64: 1, 128>}, {pipeline_mode = #tpu.pipeline_mode<synchronous>, transform_indices = @transform_5, window_bounds = array<i64: 128, 128>}, {transform_indices = @transform_6, window_bounds = array<i64: 1000, 128>}]} {
    %eq3A = arith.constant 0 : i32
    %eq3A_0 = arith.cmpi eq, %arg0, %eq3A : i32
    %convert_element_type3A = arith.extui %eq3A_0 : i1 to i32
    %cond3A = arith.constant 0 : i32
    %cond3A_1 = arith.cmpi ne, %convert_element_type3A, %cond3A : i32
    scf.if %cond3A_1 {
      %get3A = arith.constant 0 : index
      %get3A_7 = arith.constant 0 : index
      %get3A_8 = arith.constant 0 : index
      %get3A_9 = vector.load %arg2[%get3A, %get3A_7, %get3A_8] : memref<1x1000x128xf32, #tpu.memory_space<vmem>>, vector<1x1000x128xf32>
      %get3A_10 = vector.shape_cast %get3A_9 : vector<1x1000x128xf32> to vector<1000x128xf32>
      %get3A_11 = arith.constant 0 : index
      %get3A_12 = arith.constant 0 : index
      %get3A_13 = arith.constant 0 : index
      %get3A_14 = vector.load %arg3[%get3A_11, %get3A_12, %get3A_13] : memref<1x1000x128xf32, #tpu.memory_space<vmem>>, vector<1x1000x128xf32>
      %get3A_15 = vector.shape_cast %get3A_14 : vector<1x1000x128xf32> to vector<1000x128xf32>
      %add3A = arith.addf %get3A_10, %get3A_15 : vector<1000x128xf32>
      %get3A_16 = arith.constant 0 : index
      %get3A_17 = arith.constant 0 : index
      %get3A_18 = vector.load %arg4[%get3A_16, %get3A_17] : memref<1000x1xf32, #tpu.memory_space<vmem>>, vector<1000x1xf32>
      %mul3A = vector.broadcast %get3A_18 : vector<1000x1xf32> to vector<1000x128xf32>
      %mul3A_19 = arith.mulf %add3A, %mul3A : vector<1000x128xf32>
      %mul3A_20 = arith.constant 1000 : i32
      %mul3A_21 = arith.muli %arg1, %mul3A_20 : i32
      %swap3A = arith.index_cast %mul3A_21 : i32 to index
      %swap3A_22 = arith.constant 0 : index
      %swap3A_23 = vector.load %arg9[%swap3A, %swap3A_22] : memref<10000x128xf32, #tpu.memory_space<vmem>>, vector<1000x128xf32>
      tpu.vector_store %arg9[%swap3A, %swap3A_22], %mul3A_19 {strides = array<i32>} : memref<10000x128xf32, #tpu.memory_space<vmem>>, vector<1000x128xf32>,
      %reduce_sum3A = arith.constant dense<0.000000e+00> : vector<128xf32>
      %reduce_sum3A_24 = vector.multi_reduction <add>, %mul3A_19, %reduce_sum3A [0] : vector<1000x128xf32> to vector<128xf32>
      %broadcast_in_dim3A = vector.shape_cast %reduce_sum3A_24 : vector<128xf32> to vector<1x128xf32>
      %mul3A_25 = arith.mulf %mul3A_19, %mul3A_19 : vector<1000x128xf32>
      %reduce_sum3A_26 = arith.constant dense<0.000000e+00> : vector<128xf32>
      %reduce_sum3A_27 = vector.multi_reduction <add>, %mul3A_25, %reduce_sum3A_26 [0] : vector<1000x128xf32> to vector<128xf32>
      %broadcast_in_dim3A_28 = vector.shape_cast %reduce_sum3A_27 : vector<128xf32> to vector<1x128xf32>
      %eq3A_29 = arith.constant 0 : i32
      %eq3A_30 = arith.cmpi eq, %arg1, %eq3A_29 : i32
      %convert_element_type3A_31 = arith.extui %eq3A_30 : i1 to i32
      %cond3A_32 = arith.constant 0 : i32
      %cond3A_33 = arith.cmpi ne, %convert_element_type3A_31, %cond3A_32 : i32
      scf.if %cond3A_33 {
        %swap3A_38 = arith.constant 0 : index
        %swap3A_39 = arith.constant 0 : index
        %swap3A_40 = vector.load %arg10[%swap3A_38, %swap3A_39] : memref<1x128xf32, #tpu.memory_space<vmem>>, vector<1x128xf32>
        tpu.vector_store %arg10[%swap3A_38, %swap3A_39], %broadcast_in_dim3A {strides = array<i32>} : memref<1x128xf32, #tpu.memory_space<vmem>>, vector<1x128xf32>,
        %swap3A_41 = arith.constant 0 : index
        %swap3A_42 = arith.constant 0 : index
        %swap3A_43 = vector.load %arg11[%swap3A_41, %swap3A_42] : memref<1x128xf32, #tpu.memory_space<vmem>>, vector<1x128xf32>
        tpu.vector_store %arg11[%swap3A_41, %swap3A_42], %broadcast_in_dim3A_28 {strides = array<i32>} : memref<1x128xf32, #tpu.memory_space<vmem>>, vector<1x128xf32>,
      } else {
      }
      %gt3A = arith.constant 0 : i32
      %gt3A_34 = arith.cmpi sgt, %arg1, %gt3A : i32
      %convert_element_type3A_35 = arith.extui %gt3A_34 : i1 to i32
      %cond3A_36 = arith.constant 0 : i32
      %cond3A_37 = arith.cmpi ne, %convert_element_type3A_35, %cond3A_36 : i32
      scf.if %cond3A_37 {
        %get3A_38 = arith.constant 0 : index
        %get3A_39 = arith.constant 0 : index
        %get3A_40 = vector.load %arg10[%get3A_38, %get3A_39] : memref<1x128xf32, #tpu.memory_space<vmem>>, vector<1x128xf32>
        %add3A_41 = arith.addf %get3A_40, %broadcast_in_dim3A : vector<1x128xf32>
        %swap3A_42 = arith.constant 0 : index
        %swap3A_43 = arith.constant 0 : index
        %swap3A_44 = vector.load %arg10[%swap3A_42, %swap3A_43] : memref<1x128xf32, #tpu.memory_space<vmem>>, vector<1x128xf32>
        tpu.vector_store %arg10[%swap3A_42, %swap3A_43], %add3A_41 {strides = array<i32>} : memref<1x128xf32, #tpu.memory_space<vmem>>, vector<1x128xf32>,
        %get3A_45 = arith.constant 0 : index
        %get3A_46 = arith.constant 0 : index
        %get3A_47 = vector.load %arg11[%get3A_45, %get3A_46] : memref<1x128xf32, #tpu.memory_space<vmem>>, vector<1x128xf32>
        %add3A_48 = arith.addf %get3A_47, %broadcast_in_dim3A_28 : vector<1x128xf32>
        %swap3A_49 = arith.constant 0 : index
        %swap3A_50 = arith.constant 0 : index
        %swap3A_51 = vector.load %arg11[%swap3A_49, %swap3A_50] : memref<1x128xf32, #tpu.memory_space<vmem>>, vector<1x128xf32>
        tpu.vector_store %arg11[%swap3A_49, %swap3A_50], %add3A_48 {strides = array<i32>} : memref<1x128xf32, #tpu.memory_space<vmem>>, vector<1x128xf32>,
      } else {
      }
    } else {
    }
    %eq3A_2 = arith.constant 1 : i32
    %eq3A_3 = arith.cmpi eq, %arg0, %eq3A_2 : i32
    %convert_element_type3A_4 = arith.extui %eq3A_3 : i1 to i32
    %cond3A_5 = arith.constant 0 : i32
    %cond3A_6 = arith.cmpi ne, %convert_element_type3A_4, %cond3A_5 : i32
    scf.if %cond3A_6 {
      %mul3A = arith.constant 1000 : i32
      %mul3A_7 = arith.muli %arg1, %mul3A : i32
      %get3A = arith.index_cast %mul3A_7 : i32 to index
      %get3A_8 = arith.constant 0 : index
      %get3A_9 = vector.load %arg9[%get3A, %get3A_8] : memref<10000x128xf32, #tpu.memory_space<vmem>>, vector<1000x128xf32>
      %get3A_10 = arith.constant 0 : index
      %get3A_11 = arith.constant 0 : index
      %get3A_12 = vector.load %arg10[%get3A_10, %get3A_11] : memref<1x128xf32, #tpu.memory_space<vmem>>, vector<1x128xf32>
      %get3A_13 = arith.constant 0 : index
      %get3A_14 = arith.constant 0 : index
      %get3A_15 = vector.load %arg11[%get3A_13, %get3A_14] : memref<1x128xf32, #tpu.memory_space<vmem>>, vector<1x128xf32>
      %get3A_16 = arith.constant 0 : index
      %get3A_17 = arith.constant 0 : index
      %get3A_18 = vector.load %arg5[%get3A_16, %get3A_17] : memref<1x128xf32, #tpu.memory_space<vmem>>, vector<1x128xf32>
      %get3A_19 = arith.constant 0 : index
      %get3A_20 = arith.constant 0 : index
      %get3A_21 = vector.load %arg6[%get3A_19, %get3A_20] : memref<1x128xf32, #tpu.memory_space<vmem>>, vector<1x128xf32>
      %mul3A_22 = arith.constant 9.99999974E-5 : f32
      %mul3A_23 = vector.broadcast %mul3A_22 : f32 to vector<1x128xf32>
      %mul3A_24 = arith.mulf %get3A_12, %mul3A_23 : vector<1x128xf32>
      %mul3A_25 = arith.constant 9.99999974E-5 : f32
      %mul3A_26 = vector.broadcast %mul3A_25 : f32 to vector<1x128xf32>
      %mul3A_27 = arith.mulf %get3A_15, %mul3A_26 : vector<1x128xf32>
      %mul3A_28 = arith.mulf %mul3A_24, %mul3A_24 : vector<1x128xf32>
      %sub3A = arith.subf %mul3A_27, %mul3A_28 : vector<1x128xf32>
      %add3A = arith.constant 9.99999974E-6 : f32
      %add3A_29 = vector.broadcast %add3A : f32 to vector<1x128xf32>
      %add3A_30 = arith.addf %sub3A, %add3A_29 : vector<1x128xf32>
      %rsqrt3A = math.rsqrt %add3A_30 : vector<1x128xf32>
      %sub3A_31 = vector.broadcast %mul3A_24 : vector<1x128xf32> to vector<1000x128xf32>
      %sub3A_32 = arith.subf %get3A_9, %sub3A_31 : vector<1000x128xf32>
      %mul3A_33 = arith.mulf %rsqrt3A, %get3A_18 : vector<1x128xf32>
      %mul3A_34 = vector.broadcast %mul3A_33 : vector<1x128xf32> to vector<1000x128xf32>
      %mul3A_35 = arith.mulf %sub3A_32, %mul3A_34 : vector<1000x128xf32>
      %add3A_36 = vector.broadcast %get3A_21 : vector<1x128xf32> to vector<1000x128xf32>
      %add3A_37 = arith.addf %mul3A_35, %add3A_36 : vector<1000x128xf32>
      %max3A = arith.constant 0.000000e+00 : f32
      %max3A_38 = vector.broadcast %max3A : f32 to vector<1000x128xf32>
      %max3A_39 = arith.maximumf %add3A_37, %max3A_38 : vector<1000x128xf32>
      %get3A_40 = arith.constant 0 : index
      %get3A_41 = arith.constant 0 : index
      %get3A_42 = vector.load %arg7[%get3A_40, %get3A_41] : memref<128x128xf32, #tpu.memory_space<vmem>>, vector<128x128xf32>
      %dot_general3A = arith.constant dense<0.000000e+00> : vector<1000x128xf32>
      %dot_general3A_43 = tpu.matmul %max3A_39, %get3A_42, %dot_general3A {dimension_numbers = #tpu.dot_dimension_numbers<[1], [0], [0], [1], [0, 0, 1, 1], [], []>, transpose_lhs_hint = false} : vector<1000x128xf32>, vector<128x128xf32>, vector<1000x128xf32> -> vector<1000x128xf32>
      %get3A_44 = arith.constant 0 : index
      %get3A_45 = arith.constant 0 : index
      %get3A_46 = vector.load %arg4[%get3A_44, %get3A_45] : memref<1000x1xf32, #tpu.memory_space<vmem>>, vector<1000x1xf32>
      %mul3A_47 = vector.broadcast %get3A_46 : vector<1000x1xf32> to vector<1000x128xf32>
      %mul3A_48 = arith.mulf %dot_general3A_43, %mul3A_47 : vector<1000x128xf32>
      %swap3A = arith.constant 0 : index
      %swap3A_49 = arith.constant 0 : index
      %swap3A_50 = vector.load %arg8[%swap3A, %swap3A_49] : memref<1000x128xf32, #tpu.memory_space<vmem>>, vector<1000x128xf32>
      tpu.vector_store %arg8[%swap3A, %swap3A_49], %mul3A_48 {strides = array<i32>} : memref<1000x128xf32, #tpu.memory_space<vmem>>, vector<1000x128xf32>,
    } else {
    }
    return
  }
  func.func @transform_0(%arg0: i32, %arg1: i32) -> (i32, i32, i32) {
    %sub3A = arith.constant 1 : i32
    %sub3A_0 = arith.subi %sub3A, %arg0 : i32
    %mul3A = arith.muli %arg1, %sub3A_0 : i32
    %c0_i32 = arith.constant 0 : i32
    %c0_i32_1 = arith.constant 0 : i32
    %c0_i32_2 = arith.constant 0 : i32
    return %c0_i32, %mul3A, %c0_i32_1 : i32, i32, i32
  }
  func.func @transform_1(%arg0: i32, %arg1: i32) -> (i32, i32, i32) {
    %sub3A = arith.constant 1 : i32
    %sub3A_0 = arith.subi %sub3A, %arg0 : i32
    %mul3A = arith.muli %arg1, %sub3A_0 : i32
    %c1_i32 = arith.constant 1 : i32
    %c0_i32 = arith.constant 0 : i32
    %c0_i32_1 = arith.constant 0 : i32
    return %c1_i32, %mul3A, %c0_i32 : i32, i32, i32
  }
  func.func @transform_2(%arg0: i32, %arg1: i32) -> (i32, i32) {
    %c0_i32 = arith.constant 0 : i32
    %c0_i32_0 = arith.constant 0 : i32
    return %arg1, %c0_i32 : i32, i32
  }
  func.func @transform_3(%arg0: i32, %arg1: i32) -> (i32, i32) {
    %c0_i32 = arith.constant 0 : i32
    %c0_i32_0 = arith.constant 0 : i32
    %c0_i32_1 = arith.constant 0 : i32
    return %c0_i32, %c0_i32_0 : i32, i32
  }
  func.func @transform_4(%arg0: i32, %arg1: i32) -> (i32, i32) {
    %c0_i32 = arith.constant 0 : i32
    %c0_i32_0 = arith.constant 0 : i32
    %c0_i32_1 = arith.constant 0 : i32
    return %c0_i32, %c0_i32_0 : i32, i32
  }
  func.func @transform_5(%arg0: i32, %arg1: i32) -> (i32, i32) {
    %c0_i32 = arith.constant 0 : i32
    %c0_i32_0 = arith.constant 0 : i32
    %c0_i32_1 = arith.constant 0 : i32
    return %c0_i32, %c0_i32_0 : i32, i32
  }
  func.func @transform_6(%arg0: i32, %arg1: i32) -> (i32, i32) {
    %mul3A = arith.muli %arg1, %arg0 : i32
    %c0_i32 = arith.constant 0 : i32
    %c0_i32_0 = arith.constant 0 : i32
    return %mul3A, %c0_i32 : i32, i32
  }
}

module attributes {stable_mosaic.version = 14 : i64} {
  func.func @_t24_body(%arg0: i32, %arg1: i32, %arg2: memref<1x1000x128xf32, #tpu.memory_space<vmem>>, %arg3: memref<1x1000x128xf32, #tpu.memory_space<vmem>>, %arg4: memref<1000x1xf32, #tpu.memory_space<vmem>>, %arg5: memref<1x128xf32, #tpu.memory_space<vmem>>, %arg6: memref<1x128xf32, #tpu.memory_space<vmem>>, %arg7: memref<1000x1xi32, #tpu.memory_space<vmem>>, %arg8: memref<128x128xf32, #tpu.memory_space<vmem>>, %arg9: memref<1x128xf32, #tpu.memory_space<vmem>>, %arg10: memref<64x128xf32, #tpu.memory_space<vmem>>, %arg11: memref<64x128xf32, #tpu.memory_space<vmem>>, %arg12: memref<10000x128xf32, #tpu.memory_space<vmem>>, %arg13: memref<1x128xf32, #tpu.memory_space<vmem>>, %arg14: memref<1x128xf32, #tpu.memory_space<vmem>>, %arg15: memref<64x128xf32, #tpu.memory_space<vmem>>, %arg16: memref<64x128xf32, #tpu.memory_space<vmem>>) attributes {dimension_semantics = [#tpu.dimension_semantics<arbitrary>, #tpu.dimension_semantics<arbitrary>], iteration_bounds = array<i64: 2, 10>, scalar_prefetch = 0 : i64, scratch_operands = 5 : i64, tpu.core_type = #tpu.core_type<tc>, window_params = [{transform_indices = @transform_0, window_bounds = array<i64: 1, 1000, 128>}, {transform_indices = @transform_1, window_bounds = array<i64: 1, 1000, 128>}, {transform_indices = @transform_2, window_bounds = array<i64: 1000, 1>}, {pipeline_mode = #tpu.pipeline_mode<synchronous>, transform_indices = @transform_3, window_bounds = array<i64: 1, 128>}, {pipeline_mode = #tpu.pipeline_mode<synchronous>, transform_indices = @transform_4, window_bounds = array<i64: 1, 128>}, {transform_indices = @transform_5, window_bounds = array<i64: 1000, 1>}, {pipeline_mode = #tpu.pipeline_mode<synchronous>, transform_indices = @transform_6, window_bounds = array<i64: 128, 128>}, {pipeline_mode = #tpu.pipeline_mode<synchronous>, transform_indices = @transform_7, window_bounds = array<i64: 1, 128>}, {pipeline_mode = #tpu.pipeline_mode<synchronous>, transform_indices = @transform_8, window_bounds = array<i64: 64, 128>}, {pipeline_mode = #tpu.pipeline_mode<synchronous>, transform_indices = @transform_9, window_bounds = array<i64: 64, 128>}]} {
    %eq3A = arith.constant 0 : i32
    %eq3A_0 = arith.cmpi eq, %arg0, %eq3A : i32
    %convert_element_type3A = arith.extui %eq3A_0 : i1 to i32
    %cond3A = arith.constant 0 : i32
    %cond3A_1 = arith.cmpi ne, %convert_element_type3A, %cond3A : i32
    scf.if %cond3A_1 {
      %get3A = arith.constant 0 : index
      %get3A_7 = arith.constant 0 : index
      %get3A_8 = arith.constant 0 : index
      %get3A_9 = vector.load %arg2[%get3A, %get3A_7, %get3A_8] : memref<1x1000x128xf32, #tpu.memory_space<vmem>>, vector<1x1000x128xf32>
      %get3A_10 = vector.shape_cast %get3A_9 : vector<1x1000x128xf32> to vector<1000x128xf32>
      %get3A_11 = arith.constant 0 : index
      %get3A_12 = arith.constant 0 : index
      %get3A_13 = arith.constant 0 : index
      %get3A_14 = vector.load %arg3[%get3A_11, %get3A_12, %get3A_13] : memref<1x1000x128xf32, #tpu.memory_space<vmem>>, vector<1x1000x128xf32>
      %get3A_15 = vector.shape_cast %get3A_14 : vector<1x1000x128xf32> to vector<1000x128xf32>
      %add3A = arith.addf %get3A_10, %get3A_15 : vector<1000x128xf32>
      %get3A_16 = arith.constant 0 : index
      %get3A_17 = arith.constant 0 : index
      %get3A_18 = vector.load %arg4[%get3A_16, %get3A_17] : memref<1000x1xf32, #tpu.memory_space<vmem>>, vector<1000x1xf32>
      %mul3A = vector.broadcast %get3A_18 : vector<1000x1xf32> to vector<1000x128xf32>
      %mul3A_19 = arith.mulf %add3A, %mul3A : vector<1000x128xf32>
      %mul3A_20 = arith.constant 1000 : i32
      %mul3A_21 = arith.muli %arg1, %mul3A_20 : i32
      %swap3A = arith.index_cast %mul3A_21 : i32 to index
      %swap3A_22 = arith.constant 0 : index
      %swap3A_23 = vector.load %arg12[%swap3A, %swap3A_22] : memref<10000x128xf32, #tpu.memory_space<vmem>>, vector<1000x128xf32>
      tpu.vector_store %arg12[%swap3A, %swap3A_22], %mul3A_19 {strides = array<i32>} : memref<10000x128xf32, #tpu.memory_space<vmem>>, vector<1000x128xf32>,
      %reduce_sum3A = arith.constant dense<0.000000e+00> : vector<128xf32>
      %reduce_sum3A_24 = vector.multi_reduction <add>, %mul3A_19, %reduce_sum3A [0] : vector<1000x128xf32> to vector<128xf32>
      %broadcast_in_dim3A = vector.shape_cast %reduce_sum3A_24 : vector<128xf32> to vector<1x128xf32>
      %mul3A_25 = arith.mulf %mul3A_19, %mul3A_19 : vector<1000x128xf32>
      %reduce_sum3A_26 = arith.constant dense<0.000000e+00> : vector<128xf32>
      %reduce_sum3A_27 = vector.multi_reduction <add>, %mul3A_25, %reduce_sum3A_26 [0] : vector<1000x128xf32> to vector<128xf32>
      %broadcast_in_dim3A_28 = vector.shape_cast %reduce_sum3A_27 : vector<128xf32> to vector<1x128xf32>
      %eq3A_29 = arith.constant 0 : i32
      %eq3A_30 = arith.cmpi eq, %arg1, %eq3A_29 : i32
      %convert_element_type3A_31 = arith.extui %eq3A_30 : i1 to i32
      %cond3A_32 = arith.constant 0 : i32
      %cond3A_33 = arith.cmpi ne, %convert_element_type3A_31, %cond3A_32 : i32
      scf.if %cond3A_33 {
        %swap3A_38 = arith.constant 0 : index
        %swap3A_39 = arith.constant 0 : index
        %swap3A_40 = vector.load %arg13[%swap3A_38, %swap3A_39] : memref<1x128xf32, #tpu.memory_space<vmem>>, vector<1x128xf32>
        tpu.vector_store %arg13[%swap3A_38, %swap3A_39], %broadcast_in_dim3A {strides = array<i32>} : memref<1x128xf32, #tpu.memory_space<vmem>>, vector<1x128xf32>,
        %swap3A_41 = arith.constant 0 : index
        %swap3A_42 = arith.constant 0 : index
        %swap3A_43 = vector.load %arg14[%swap3A_41, %swap3A_42] : memref<1x128xf32, #tpu.memory_space<vmem>>, vector<1x128xf32>
        tpu.vector_store %arg14[%swap3A_41, %swap3A_42], %broadcast_in_dim3A_28 {strides = array<i32>} : memref<1x128xf32, #tpu.memory_space<vmem>>, vector<1x128xf32>,
      } else {
      }
      %gt3A = arith.constant 0 : i32
      %gt3A_34 = arith.cmpi sgt, %arg1, %gt3A : i32
      %convert_element_type3A_35 = arith.extui %gt3A_34 : i1 to i32
      %cond3A_36 = arith.constant 0 : i32
      %cond3A_37 = arith.cmpi ne, %convert_element_type3A_35, %cond3A_36 : i32
      scf.if %cond3A_37 {
        %get3A_38 = arith.constant 0 : index
        %get3A_39 = arith.constant 0 : index
        %get3A_40 = vector.load %arg13[%get3A_38, %get3A_39] : memref<1x128xf32, #tpu.memory_space<vmem>>, vector<1x128xf32>
        %add3A_41 = arith.addf %get3A_40, %broadcast_in_dim3A : vector<1x128xf32>
        %swap3A_42 = arith.constant 0 : index
        %swap3A_43 = arith.constant 0 : index
        %swap3A_44 = vector.load %arg13[%swap3A_42, %swap3A_43] : memref<1x128xf32, #tpu.memory_space<vmem>>, vector<1x128xf32>
        tpu.vector_store %arg13[%swap3A_42, %swap3A_43], %add3A_41 {strides = array<i32>} : memref<1x128xf32, #tpu.memory_space<vmem>>, vector<1x128xf32>,
        %get3A_45 = arith.constant 0 : index
        %get3A_46 = arith.constant 0 : index
        %get3A_47 = vector.load %arg14[%get3A_45, %get3A_46] : memref<1x128xf32, #tpu.memory_space<vmem>>, vector<1x128xf32>
        %add3A_48 = arith.addf %get3A_47, %broadcast_in_dim3A_28 : vector<1x128xf32>
        %swap3A_49 = arith.constant 0 : index
        %swap3A_50 = arith.constant 0 : index
        %swap3A_51 = vector.load %arg14[%swap3A_49, %swap3A_50] : memref<1x128xf32, #tpu.memory_space<vmem>>, vector<1x128xf32>
        tpu.vector_store %arg14[%swap3A_49, %swap3A_50], %add3A_48 {strides = array<i32>} : memref<1x128xf32, #tpu.memory_space<vmem>>, vector<1x128xf32>,
      } else {
      }
    } else {
    }
    %eq3A_2 = arith.constant 1 : i32
    %eq3A_3 = arith.cmpi eq, %arg0, %eq3A_2 : i32
    %convert_element_type3A_4 = arith.extui %eq3A_3 : i1 to i32
    %cond3A_5 = arith.constant 0 : i32
    %cond3A_6 = arith.cmpi ne, %convert_element_type3A_4, %cond3A_5 : i32
    scf.if %cond3A_6 {
      %mul3A = arith.constant 1000 : i32
      %mul3A_7 = arith.muli %arg1, %mul3A : i32
      %get3A = arith.index_cast %mul3A_7 : i32 to index
      %get3A_8 = arith.constant 0 : index
      %get3A_9 = vector.load %arg12[%get3A, %get3A_8] : memref<10000x128xf32, #tpu.memory_space<vmem>>, vector<1000x128xf32>
      %get3A_10 = arith.constant 0 : index
      %get3A_11 = arith.constant 0 : index
      %get3A_12 = vector.load %arg13[%get3A_10, %get3A_11] : memref<1x128xf32, #tpu.memory_space<vmem>>, vector<1x128xf32>
      %get3A_13 = arith.constant 0 : index
      %get3A_14 = arith.constant 0 : index
      %get3A_15 = vector.load %arg14[%get3A_13, %get3A_14] : memref<1x128xf32, #tpu.memory_space<vmem>>, vector<1x128xf32>
      %get3A_16 = arith.constant 0 : index
      %get3A_17 = arith.constant 0 : index
      %get3A_18 = vector.load %arg5[%get3A_16, %get3A_17] : memref<1x128xf32, #tpu.memory_space<vmem>>, vector<1x128xf32>
      %get3A_19 = arith.constant 0 : index
      %get3A_20 = arith.constant 0 : index
      %get3A_21 = vector.load %arg6[%get3A_19, %get3A_20] : memref<1x128xf32, #tpu.memory_space<vmem>>, vector<1x128xf32>
      %mul3A_22 = arith.constant 9.99999974E-5 : f32
      %mul3A_23 = vector.broadcast %mul3A_22 : f32 to vector<1x128xf32>
      %mul3A_24 = arith.mulf %get3A_12, %mul3A_23 : vector<1x128xf32>
      %mul3A_25 = arith.constant 9.99999974E-5 : f32
      %mul3A_26 = vector.broadcast %mul3A_25 : f32 to vector<1x128xf32>
      %mul3A_27 = arith.mulf %get3A_15, %mul3A_26 : vector<1x128xf32>
      %mul3A_28 = arith.mulf %mul3A_24, %mul3A_24 : vector<1x128xf32>
      %sub3A = arith.subf %mul3A_27, %mul3A_28 : vector<1x128xf32>
      %add3A = arith.constant 9.99999974E-6 : f32
      %add3A_29 = vector.broadcast %add3A : f32 to vector<1x128xf32>
      %add3A_30 = arith.addf %sub3A, %add3A_29 : vector<1x128xf32>
      %rsqrt3A = math.rsqrt %add3A_30 : vector<1x128xf32>
      %sub3A_31 = vector.broadcast %mul3A_24 : vector<1x128xf32> to vector<1000x128xf32>
      %sub3A_32 = arith.subf %get3A_9, %sub3A_31 : vector<1000x128xf32>
      %mul3A_33 = arith.mulf %rsqrt3A, %get3A_18 : vector<1x128xf32>
      %mul3A_34 = vector.broadcast %mul3A_33 : vector<1x128xf32> to vector<1000x128xf32>
      %mul3A_35 = arith.mulf %sub3A_32, %mul3A_34 : vector<1000x128xf32>
      %add3A_36 = vector.broadcast %get3A_21 : vector<1x128xf32> to vector<1000x128xf32>
      %add3A_37 = arith.addf %mul3A_35, %add3A_36 : vector<1000x128xf32>
      %max3A = arith.constant 0.000000e+00 : f32
      %max3A_38 = vector.broadcast %max3A : f32 to vector<1000x128xf32>
      %max3A_39 = arith.maximumf %add3A_37, %max3A_38 : vector<1000x128xf32>
      %iota3A = tpu.iota {dimensions = array<i32: 1>} : vector<1000x64xi32>
      %get3A_40 = arith.constant 0 : index
      %get3A_41 = arith.constant 0 : index
      %get3A_42 = vector.load %arg7[%get3A_40, %get3A_41] : memref<1000x1xi32, #tpu.memory_space<vmem>>, vector<1000x1xi32>
      %eq3A_43 = vector.broadcast %get3A_42 : vector<1000x1xi32> to vector<1000x64xi32>
      %eq3A_44 = arith.cmpi eq, %eq3A_43, %iota3A : vector<1000x64xi32>
      %convert_element_type3A_45 = arith.extui %eq3A_44 : vector<1000x64xi1> to vector<1000x64xi32>
      %convert_element_type3A_46 = arith.sitofp %convert_element_type3A_45 : vector<1000x64xi32> to vector<1000x64xf32>
      %dot_general3A = arith.constant dense<0.000000e+00> : vector<64x128xf32>
      %dot_general3A_47 = tpu.matmul %convert_element_type3A_46, %max3A_39, %dot_general3A {dimension_numbers = #tpu.dot_dimension_numbers<[0], [0], [1], [1], [0, 1, 1, 1], [], []>, transpose_lhs_hint = false} : vector<1000x64xf32>, vector<1000x128xf32>, vector<64x128xf32> -> vector<64x128xf32>
      %broadcast_in_dim3A = arith.constant 1.000000e+00 : f32
      %broadcast_in_dim3A_48 = vector.broadcast %broadcast_in_dim3A : f32 to vector<1000x128xf32>
      %dot_general3A_49 = arith.constant dense<0.000000e+00> : vector<64x128xf32>
      %dot_general3A_50 = tpu.matmul %convert_element_type3A_46, %broadcast_in_dim3A_48, %dot_general3A_49 {dimension_numbers = #tpu.dot_dimension_numbers<[0], [0], [1], [1], [0, 1, 1, 1], [], []>, transpose_lhs_hint = false} : vector<1000x64xf32>, vector<1000x128xf32>, vector<64x128xf32> -> vector<64x128xf32>
      %eq3A_51 = arith.constant 0 : i32
      %eq3A_52 = arith.cmpi eq, %arg1, %eq3A_51 : i32
      %convert_element_type3A_53 = arith.extui %eq3A_52 : i1 to i32
      %cond3A_54 = arith.constant 0 : i32
      %cond3A_55 = arith.cmpi ne, %convert_element_type3A_53, %cond3A_54 : i32
      scf.if %cond3A_55 {
        %swap3A = arith.constant 0 : index
        %swap3A_65 = arith.constant 0 : index
        %swap3A_66 = vector.load %arg15[%swap3A, %swap3A_65] : memref<64x128xf32, #tpu.memory_space<vmem>>, vector<64x128xf32>
        tpu.vector_store %arg15[%swap3A, %swap3A_65], %dot_general3A_47 {strides = array<i32>} : memref<64x128xf32, #tpu.memory_space<vmem>>, vector<64x128xf32>,
        %swap3A_67 = arith.constant 0 : index
        %swap3A_68 = arith.constant 0 : index
        %swap3A_69 = vector.load %arg16[%swap3A_67, %swap3A_68] : memref<64x128xf32, #tpu.memory_space<vmem>>, vector<64x128xf32>
        tpu.vector_store %arg16[%swap3A_67, %swap3A_68], %dot_general3A_50 {strides = array<i32>} : memref<64x128xf32, #tpu.memory_space<vmem>>, vector<64x128xf32>,
      } else {
      }
      %gt3A = arith.constant 0 : i32
      %gt3A_56 = arith.cmpi sgt, %arg1, %gt3A : i32
      %convert_element_type3A_57 = arith.extui %gt3A_56 : i1 to i32
      %cond3A_58 = arith.constant 0 : i32
      %cond3A_59 = arith.cmpi ne, %convert_element_type3A_57, %cond3A_58 : i32
      scf.if %cond3A_59 {
        %get3A_65 = arith.constant 0 : index
        %get3A_66 = arith.constant 0 : index
        %get3A_67 = vector.load %arg15[%get3A_65, %get3A_66] : memref<64x128xf32, #tpu.memory_space<vmem>>, vector<64x128xf32>
        %add3A_68 = arith.addf %get3A_67, %dot_general3A_47 : vector<64x128xf32>
        %swap3A = arith.constant 0 : index
        %swap3A_69 = arith.constant 0 : index
        %swap3A_70 = vector.load %arg15[%swap3A, %swap3A_69] : memref<64x128xf32, #tpu.memory_space<vmem>>, vector<64x128xf32>
        tpu.vector_store %arg15[%swap3A, %swap3A_69], %add3A_68 {strides = array<i32>} : memref<64x128xf32, #tpu.memory_space<vmem>>, vector<64x128xf32>,
        %get3A_71 = arith.constant 0 : index
        %get3A_72 = arith.constant 0 : index
        %get3A_73 = vector.load %arg16[%get3A_71, %get3A_72] : memref<64x128xf32, #tpu.memory_space<vmem>>, vector<64x128xf32>
        %add3A_74 = arith.addf %get3A_73, %dot_general3A_50 : vector<64x128xf32>
        %swap3A_75 = arith.constant 0 : index
        %swap3A_76 = arith.constant 0 : index
        %swap3A_77 = vector.load %arg16[%swap3A_75, %swap3A_76] : memref<64x128xf32, #tpu.memory_space<vmem>>, vector<64x128xf32>
        tpu.vector_store %arg16[%swap3A_75, %swap3A_76], %add3A_74 {strides = array<i32>} : memref<64x128xf32, #tpu.memory_space<vmem>>, vector<64x128xf32>,
      } else {
      }
      %eq3A_60 = arith.constant 9 : i32
      %eq3A_61 = arith.cmpi eq, %arg1, %eq3A_60 : i32
      %convert_element_type3A_62 = arith.extui %eq3A_61 : i1 to i32
      %cond3A_63 = arith.constant 0 : i32
      %cond3A_64 = arith.cmpi ne, %convert_element_type3A_62, %cond3A_63 : i32
      scf.if %cond3A_64 {
        %get3A_65 = arith.constant 0 : index
        %get3A_66 = arith.constant 0 : index
        %get3A_67 = vector.load %arg15[%get3A_65, %get3A_66] : memref<64x128xf32, #tpu.memory_space<vmem>>, vector<64x128xf32>
        %get3A_68 = arith.constant 0 : index
        %get3A_69 = arith.constant 0 : index
        %get3A_70 = vector.load %arg16[%get3A_68, %get3A_69] : memref<64x128xf32, #tpu.memory_space<vmem>>, vector<64x128xf32>
        %max3A_71 = arith.constant 1.000000e+00 : f32
        %max3A_72 = vector.broadcast %max3A_71 : f32 to vector<64x128xf32>
        %max3A_73 = arith.maximumf %get3A_70, %max3A_72 : vector<64x128xf32>
        %div3A = arith.divf %get3A_67, %max3A_73 : vector<64x128xf32>
        %mul3A_74 = arith.mulf %div3A, %div3A : vector<64x128xf32>
        %reduce_sum3A = arith.constant dense<0.000000e+00> : vector<64xf32>
        %reduce_sum3A_75 = vector.multi_reduction <add>, %mul3A_74, %reduce_sum3A [1] : vector<64x128xf32> to vector<64xf32>
        %broadcast_in_dim3A_76 = vector.shape_cast %reduce_sum3A_75 : vector<64xf32> to vector<64x1xf32>
        %sqrt3A = math.sqrt %broadcast_in_dim3A_76 : vector<64x1xf32>
        %max3A_77 = arith.constant 9.99999996E-13 : f32
        %max3A_78 = vector.broadcast %max3A_77 : f32 to vector<64x1xf32>
        %max3A_79 = arith.maximumf %sqrt3A, %max3A_78 : vector<64x1xf32>
        %div3A_80 = vector.broadcast %max3A_79 : vector<64x1xf32> to vector<64x128xf32>
        %div3A_81 = arith.divf %div3A, %div3A_80 : vector<64x128xf32>
        %swap3A = arith.constant 0 : index
        %swap3A_82 = arith.constant 0 : index
        %swap3A_83 = vector.load %arg10[%swap3A, %swap3A_82] : memref<64x128xf32, #tpu.memory_space<vmem>>, vector<64x128xf32>
        tpu.vector_store %arg10[%swap3A, %swap3A_82], %div3A_81 {strides = array<i32>} : memref<64x128xf32, #tpu.memory_space<vmem>>, vector<64x128xf32>,
        %get3A_84 = arith.constant 0 : index
        %get3A_85 = arith.constant 0 : index
        %get3A_86 = vector.load %arg8[%get3A_84, %get3A_85] : memref<128x128xf32, #tpu.memory_space<vmem>>, vector<128x128xf32>
        %dot_general3A_87 = arith.constant dense<0.000000e+00> : vector<64x128xf32>
        %dot_general3A_88 = tpu.matmul %div3A_81, %get3A_86, %dot_general3A_87 {dimension_numbers = #tpu.dot_dimension_numbers<[1], [0], [0], [1], [0, 0, 1, 1], [], []>, transpose_lhs_hint = false} : vector<64x128xf32>, vector<128x128xf32>, vector<64x128xf32> -> vector<64x128xf32>
        %get3A_89 = arith.constant 0 : index
        %get3A_90 = arith.constant 0 : index
        %get3A_91 = vector.load %arg9[%get3A_89, %get3A_90] : memref<1x128xf32, #tpu.memory_space<vmem>>, vector<1x128xf32>
        %add3A_92 = vector.broadcast %get3A_91 : vector<1x128xf32> to vector<64x128xf32>
        %add3A_93 = arith.addf %dot_general3A_88, %add3A_92 : vector<64x128xf32>
        %swap3A_94 = arith.constant 0 : index
        %swap3A_95 = arith.constant 0 : index
        %swap3A_96 = vector.load %arg11[%swap3A_94, %swap3A_95] : memref<64x128xf32, #tpu.memory_space<vmem>>, vector<64x128xf32>
        tpu.vector_store %arg11[%swap3A_94, %swap3A_95], %add3A_93 {strides = array<i32>} : memref<64x128xf32, #tpu.memory_space<vmem>>, vector<64x128xf32>,
      } else {
      }
    } else {
    }
    return
  }
  func.func @transform_0(%arg0: i32, %arg1: i32) -> (i32, i32, i32) {
    %sub3A = arith.constant 1 : i32
    %sub3A_0 = arith.subi %sub3A, %arg0 : i32
    %mul3A = arith.muli %arg1, %sub3A_0 : i32
    %c0_i32 = arith.constant 0 : i32
    %c0_i32_1 = arith.constant 0 : i32
    %c0_i32_2 = arith.constant 0 : i32
    return %c0_i32, %mul3A, %c0_i32_1 : i32, i32, i32
  }
  func.func @transform_1(%arg0: i32, %arg1: i32) -> (i32, i32, i32) {
    %sub3A = arith.constant 1 : i32
    %sub3A_0 = arith.subi %sub3A, %arg0 : i32
    %mul3A = arith.muli %arg1, %sub3A_0 : i32
    %c1_i32 = arith.constant 1 : i32
    %c0_i32 = arith.constant 0 : i32
    %c0_i32_1 = arith.constant 0 : i32
    return %c1_i32, %mul3A, %c0_i32 : i32, i32, i32
  }
  func.func @transform_2(%arg0: i32, %arg1: i32) -> (i32, i32) {
    %c0_i32 = arith.constant 0 : i32
    %c0_i32_0 = arith.constant 0 : i32
    return %arg1, %c0_i32 : i32, i32
  }
  func.func @transform_3(%arg0: i32, %arg1: i32) -> (i32, i32) {
    %c0_i32 = arith.constant 0 : i32
    %c0_i32_0 = arith.constant 0 : i32
    %c0_i32_1 = arith.constant 0 : i32
    return %c0_i32, %c0_i32_0 : i32, i32
  }
  func.func @transform_4(%arg0: i32, %arg1: i32) -> (i32, i32) {
    %c0_i32 = arith.constant 0 : i32
    %c0_i32_0 = arith.constant 0 : i32
    %c0_i32_1 = arith.constant 0 : i32
    return %c0_i32, %c0_i32_0 : i32, i32
  }
  func.func @transform_5(%arg0: i32, %arg1: i32) -> (i32, i32) {
    %c0_i32 = arith.constant 0 : i32
    %c0_i32_0 = arith.constant 0 : i32
    return %arg1, %c0_i32 : i32, i32
  }
  func.func @transform_6(%arg0: i32, %arg1: i32) -> (i32, i32) {
    %c0_i32 = arith.constant 0 : i32
    %c0_i32_0 = arith.constant 0 : i32
    %c0_i32_1 = arith.constant 0 : i32
    return %c0_i32, %c0_i32_0 : i32, i32
  }
  func.func @transform_7(%arg0: i32, %arg1: i32) -> (i32, i32) {
    %c0_i32 = arith.constant 0 : i32
    %c0_i32_0 = arith.constant 0 : i32
    %c0_i32_1 = arith.constant 0 : i32
    return %c0_i32, %c0_i32_0 : i32, i32
  }
  func.func @transform_8(%arg0: i32, %arg1: i32) -> (i32, i32) {
    %c0_i32 = arith.constant 0 : i32
    %c0_i32_0 = arith.constant 0 : i32
    %c0_i32_1 = arith.constant 0 : i32
    return %c0_i32, %c0_i32_0 : i32, i32
  }
  func.func @transform_9(%arg0: i32, %arg1: i32) -> (i32, i32) {
    %c0_i32 = arith.constant 0 : i32
    %c0_i32_0 = arith.constant 0 : i32
    %c0_i32_1 = arith.constant 0 : i32
    return %c0_i32, %c0_i32_0 : i32, i32
  }
}

</mosaic_0001>

<sc_bundles>
// kernel: kernel.11.cloned.1.call-start
scs
__scs_entry_jumppad:
0x0: {  	(pc) =	sbr.rel $0x88, $3  }
0x1: {  	(tag) =	ssettag $0x0;
	lr =	simm.s32 $0x1  }
0x2: {  	[smem:$0x3F93] =	sst lr;
	_ =	strace $0xD0000000  }
0x3: {  	_ = 	snop  }
0x4: {  	_ = 	snop  }
0x5: {  	_ = 	snop  }
0x6: {  	_ = 	snop  }
0x7: {  	_ = 	snop  }
__scs_overlays_trampoline_lowered:
0x8: {  	[smem:$0x3FA2] =	sst s0  }
0x9: {  	[smem:$0x3FA3] =	sst s1  }
0xa: {  	[smem:$0x3FA4] =	sst s2  }
0xb: {  	[smem:$0x3FA5] =	sst s3  }
0xc: {  	[smem:$0x3FA6] =	sst s4  }
0xd: {  	[smem:$0x3FA7] =	sst s5  }
0xe: {  	[smem:$0x3FA8] =	sst s6  }
0xf: {  	[smem:$0x3FA9] =	sst s7  }
0x10: {  	[smem:$0x3FAA] =	sst s8  }
0x11: {  	[smem:$0x3FAB] =	sst s9;
	s0 =	simm.s32 @!p0 $0x0  }
0x12: {  	s1 =	sld [smem:$0x3F91];
	s0 =	simm.s32 @p0 $0x1  }
0x13: {  	[smem:$0x3FAC] =	sst s0;
	s0 =	simm.s32 @!p1 $0x0  }
0x14: {  	s2 =	sld [smem:$0x3F90];
	s0 =	simm.s32 @p1 $0x1  }
0x15: {  	[smem:$0x3FAD] =	sst s0;
	s0 =	simm.s32 @!p2 $0x0  }
0x16: {  	s3 =	sld [smem:$0x3FDB];
	s0 =	simm.s32 @p2 $0x1  }
0x17: {  	s4 =	simm.s32 $0x1BF5;
	[smem:$0x3FAF] =	sst s0  }
0x18: {  	s0 =	sld [smem:$0x3F92];
	_ =	swait.ge [sflag:s4], $0x0  }
0x19: {  	s7 =	sld [smem:$0x3F93]  }
0x1a: {  	s8 =	sadd.s32 $0xFFFFE003, lr  }
0x1b: {  	s9 =	sadd.s32 $0xFFFFFEF7, lr;
	s5 =	simm.s32 $0xFFFFFFFF;
	p2 =	slt.u32 s8, $0xFFFFF086  }
0x1c: {  	p1 =	slt.u32 s9, $0xF7A;
	s5 =	simm.s32 @!p2 $0x0  }
0x1d: {  	s5 =	simm.s32 @p1 $0x1;
	p0 =	seq.s32 s7, s2  }
0x1e: {  	s7 =	smul.u32 @!p0 $0xF7A, s2;
	p2 =	seq.s32 @!p0 s5, $0x0  }
0x1f: {  	s9 =	smul.u32 $0xF7A, s1;
	s8 =	simm.s32 @!p0 $0x1BF5;
	p2 =	por !p2, p0  }
0x20: {  	[sflag:s8] =	ssyncset.s32 @!p0 $0xFFFFF086;
	s6 =	sadd.s32 @!p0 s3, s7;
	s7 =	simm.s32 @!p0 $0x108  }
0x21: {  	s3 =	sadd.s32 s3, s9;
	s6 =	sadd.s32 @!p0 $0x88, s6;
	s7 =	simm.s32 @p2 $0x1082  }
0x22: {  	[simem:s7], [sflag:s8] =	dma.local @!p0 [hbm:s6], $0xF7A  }
0x23: {  	s9 =	sor.u32 $0xD0000000, s2;
	s6 =	simm.s32 $0x108;
	_ =	swait.ge @!p0 [sflag:s8], $0x0  }
0x24: {  	s3 =	sadd.s32 $0x88, s3;
	s6 =	simm.s32 @!p1 $0x1082;
	[sflag:s4] =	ssyncset.s32 $0xFFFFF086  }
0x25: {  	[simem:s6], [sflag:s4] =	dma.local [hbm:s3], $0xF7A  }
0x26: {  	[smem:$0x3F93] =	sst s1;
	(tag) =	ssettag s2;
	_ =	strace s9  }
0x27: {  	s1 =	sld [smem:$0x3FA3]  }
0x28: {  	s2 =	sld [smem:$0x3FA4]  }
0x29: {  	s4 =	sld [smem:$0x3FA6]  }
0x2a: {  	p0 =	seq.s32 s5, $0x0;
	s5 =	sld [smem:$0x3FA7]  }
0x2b: {  	s6 =	sld [smem:$0x3FA8]  }
0x2c: {  	s7 =	sld [smem:$0x3FA9]  }
0x2d: {  	s3 =	simm.s32 $0x108;
	s8 =	sld [smem:$0x3FAA]  }
0x2e: {  	s3 =	simm.s32 @!p0 $0x1082;
	s9 =	sld [smem:$0x3FAB]  }
0x2f: {  	lr =	sadd.s32 s0, s3;
	s0 =	sld [smem:$0x3FA2]  }
0x30: {  	s3 =	sld [smem:$0x3FA5]  }
0x31: {  	[smem:$0x3FAE] =	sst s10  }
0x32: {  	s10 =	sld [smem:$0x3FAC];
	_ =	sdelay $0x3  }
0x33: {  	p0 =	seq.s32 s10, $0x1;
	s10 =	sld [smem:$0x3FAE];
	_ =	sdelay $0x3  }
0x34: {  	[smem:$0x3FAE] =	sst s10  }
0x35: {  	s10 =	sld [smem:$0x3FAD];
	_ =	sdelay $0x3  }
0x36: {  	p1 =	seq.s32 s10, $0x1;
	s10 =	sld [smem:$0x3FAE];
	_ =	sdelay $0x3  }
0x37: {  	[smem:$0x3FAE] =	sst s10  }
0x38: {  	s10 =	sld [smem:$0x3FAF]  }
0x39: {  	_ = 	snop;
	(pc) =	sbr.ind lr, $3  }
0x3a: {  	_ = 	snop  }
0x3b: {  	_ = 	snop  }
0x3c: {  	p2 =	seq.s32 s10, $0x1;
	s10 =	sld [smem:$0x3FAE]  }
0x3d: {  	_ =	shalt  }
0x3e: {  	_ =	shalt  }
0x3f: {  	_ =	shalt  }
0x40: {  	_ =	shalt  }
0x41: {  	_ =	shalt  }
0x42: {  	_ =	shalt  }
0x43: {  	_ =	shalt  }
0x44: {  	_ =	shalt  }
0x45: {  	_ =	shalt  }
0x46: {  	_ =	shalt  }
0x47: {  	_ =	shalt  }
0x48: {  	_ =	shalt  }
0x49: {  	_ =	shalt  }
0x4a: {  	_ =	shalt  }
0x4b: {  	_ =	shalt  }
0x4c: {  	_ =	shalt  }
0x4d: {  	_ =	shalt  }
0x4e: {  	_ =	shalt  }
0x4f: {  	_ =	shalt  }
0x50: {  	_ =	shalt  }
0x51: {  	_ =	shalt  }
0x52: {  	_ =	shalt  }
0x53: {  	_ =	shalt  }
0x54: {  	_ =	shalt  }
0x55: {  	_ =	shalt  }
0x56: {  	_ =	shalt  }
0x57: {  	_ =	shalt  }
0x58: {  	_ =	shalt  }
0x59: {  	_ =	shalt  }
0x5a: {  	_ =	shalt  }
0x5b: {  	_ =	shalt  }
0x5c: {  	_ =	shalt  }
0x5d: {  	_ =	shalt  }
0x5e: {  	_ =	shalt  }
0x5f: {  	_ =	shalt  }
0x60: {  	_ =	shalt  }
0x61: {  	_ =	shalt  }
0x62: {  	_ =	shalt  }
0x63: {  	_ =	shalt  }
0x64: {  	_ =	shalt  }
0x65: {  	_ =	shalt  }
0x66: {  	_ =	shalt  }
0x67: {  	_ =	shalt  }
0x68: {  	_ =	shalt  }
0x69: {  	_ =	shalt  }
0x6a: {  	_ =	shalt  }
0x6b: {  	_ =	shalt  }
0x6c: {  	_ =	shalt  }
0x6d: {  	_ =	shalt  }
0x6e: {  	_ =	shalt  }
0x6f: {  	_ =	shalt  }
0x70: {  	_ =	shalt  }
0x71: {  	_ =	shalt  }
0x72: {  	_ =	shalt  }
0x73: {  	_ =	shalt  }
0x74: {  	_ =	shalt  }
0x75: {  	_ =	shalt  }
0x76: {  	_ =	shalt  }
0x77: {  	_ =	shalt  }
0x78: {  	_ =	shalt  }
0x79: {  	_ =	shalt  }
0x7a: {  	_ =	shalt  }
0x7b: {  	_ =	shalt  }
0x7c: {  	_ =	shalt  }
0x7d: {  	_ =	shalt  }
0x7e: {  	_ =	shalt  }
0x7f: {  	_ =	shalt  }
0x80: {  	_ =	shalt  }
0x81: {  	_ =	shalt  }
0x82: {  	_ =	shalt  }
0x83: {  	_ =	shalt  }
0x84: {  	_ =	shalt  }
0x85: {  	_ =	shalt  }
0x86: {  	_ =	shalt  }
0x87: {  	_ =	shalt  }
.Lfunc_end0:
.L_simem_size_0:
called_computation_lowered:
.L_overlay_start_0:
0x88: {  	s2 =	sld [smem:$0x3FD9]  }
0x89: {  	s3 =	sld [smem:$0x3FFE];
	_ =	sdelay $0x1  }
0x8a: {  	s1 =	srdreg.scid  }
0x8b: {  	s0 =	sand.u32 $0x1, s1  }
0x8c: {  	s16 =	sshll.u32 s0, $0xA;
	s2 =	sadd.s32 s3, s2  }
0x8d: {  	s2 =	sadd.s32 s2, s16  }
0x8e: {  	[smem:$0x3FBA] =	sst s2  }
0x8f: {  	_ = 	snop  }
0x90: {  	(tm) =	ssettm $0x1  }
0x91: {  	s17 =	sld [smem:$0x3FFB];
	_ =	sdelay $0x3  }
0x92: {  	_ =	strace s17  }
0x93: {  	s2 =	sld [smem:$0x3FFC];
	_ =	sdelay $0x3  }
0x94: {  	_ =	strace s2  }
0x95: {  	s2 =	sld [smem:$0x3FFD];
	_ =	sdelay $0x3  }
0x96: {  	_ =	strace s2  }
0x97: {  	_ =	strace $0x8FFFFFFF  }
0x98: {  	s18 =	sld [smem:$0x3FDB];
	_ =	sdelay $0x1  }
0x99: {  	s19 =	simm.s32 $_scs_section_size  }
0x9a: {  	s4 =	simm.s32 $_size__tile_overlayer_lowered;
	s5 =	simm.s32 $_tile_overlayer_lowered  }
0x9b: {  	s22 =	simm.s32 $0x1BFF;
	s21 =	sshll.u32 s5, $0x1;
	s2 =	sadd.s32 s19, s18  }
0x9c: {  	s6 =	simm.s32 $0x0;
	s20 =	sshll.u32 s4, $0x1;
	s4 =	sadd.s32 s21, s2  }
0x9d: {  	[timem:s6], [sflag:s22] =	dma.local [hbm:s4], s20  }
0x9e: {  	_ =	swait.ge [sflag:s22], s20  }
0x9f: {  	s3 =	ssub.s32 $0x0, s20;
	[sflag:s22] =	ssyncset.done $0x0  }
0xa0: {  	[sflag:s22] =	ssyncadd.s32 s3;
	_ =	sdelay $0x1  }
0xa1: {  	s23 =	simm.s32 $0x1B8B  }
0xa2: {  	_ =	swait.ge [sflag:s23], $0x1  }
0xa3: {  	[sflag:s23] =	ssyncset.done $0x0  }
0xa4: {  	s25 =	simm.s32 $0x1B8E;
	s24 =	sld [smem:$0x3FFE];
	[sflag:s23] =	ssyncadd.s32 $0xFFFFFFFF  }
0xa5: {  	s26 =	simm.s32 $execute0_lowered;
	[smem:$0x3FD2] =	sst s25  }
0xa6: {  	s4 =	sshll.u32 s26, $0x1;
	_ =	strace $0x80000046;
	[dreg:$0x1] =	wrdreg $0xFFFFFFFF  }
0xa7: {  	s28 =	simm.s32 $_size_execute0_lowered;
	s2 =	sadd.s32 s2, s4;
	[dreg:$0x0] =	wrdreg $0x0  }
0xa8: {  	s4 =	sshll.u32 s28, $0x1;
	[dreg:$0x2] =	wrdreg s2  }
0xa9: {  	[dreg:$0x3] =	wrdreg s4  }
0xaa: {  	[dreg:$0x4] =	wrdreg $0xC0  }
0xab: {  	_ =	task [dreg:s6], $0x5FFFF  }
0xac: {  	[dreg:$0x1] =	wrdreg $0xFFFFFFFF  }
0xad: {  	[dreg:$0x0] =	wrdreg $0x60  }
0xae: {  	[dreg:$0x2] =	wrdreg s24  }
0xaf: {  	[dreg:$0x3] =	wrdreg $0x9  }
0xb0: {  	_ =	task.clear_ibuf [dreg:s6], $0x4FFFF;
	_ =	strace $0x90000046  }
0xb1: {  	s29 =	simm.s32 $0x9;
	_ =	strace $0x80000048  }
0xb2: {  	_ =	swait.ge [sflag:s29], $0x1  }
0xb3: {  	[sflag:s29] =	ssyncadd.s32 $0xFFFFFFFF  }
0xb4: {  	_ =	strace $0x90000048  }
0xb5: {  	_ =	sfence  }
0xb6: {  	s30 =	sld [smem:$0x0];
	_ =	sdelay $0x2  }
0xb7: {  	s31 =	sshll.u32 s1, $0xD;
	s1 =	sshrl.u32 s1, $0x2  }
0xb8: {  	s3 =	sand.u32 $0x4000, s31;
	s1 =	sadd.s32 s1, s30  }
0xb9: {  	s0 =	sor.u32 s3, s0;
	s1 =	sshll.u32 s1, $0x11  }
0xba: {  	s0 =	sor.u32 s1, s0  }
0xbb: {  	s0 =	sadd.s32 $0x8F2B, s0  }
0xbc: {  	[sflag:s0] =	ssyncadd.remote.s32 $0x1  }
0xbd: {  	_ =	sfence.sel $0xFFFF  }
0xbe: {  	[dreg:$0x0] =	wrdreg $0xFFFFFFFF;
	(pc) =	sbr.abs _section_cstart, $3  }
0xbf: {  	[dreg:$0x1] =	wrdreg $0xFFFFFFFF  }
0xc0: {  	_ =	task.clear_ibuf [dreg:s6], $0x2FFFF;
	_ =	strace $0x9FFFFFFF  }
0xc1: {  	(tm) =	ssettm $0x7FFFFFFF  }
tec
execute0_lowered:
.L_overlay_start_1:
0x0: {  	(tag) =	ssettag $0x1  }
0x1: {  	s0 =	srdreg.scid  }
0x2: {  	s3 =	sand.u32 $0x1, s0  }
0x3: {  	s4 =	rddreg [dreg:$0x0];
	s0 =	stileid.u32;
	s1 =	sshll.u32 s3, $0x4  }
0x4: {  	s2 =	simm.s32 $0x0;
	s8 =	simm.s32 $0x80;
	s5 =	sor.u32 s0, s1  }
0x5: {  	s9 =	simm.s32 $0x400;
	[smem:$0x7FF] =	sst s2;
	s6 =	sshrl.u32 s5, $0x3  }
0x6: {  	s7 =	sshll.u32 s0, $0x7;
	s3 =	ssub.s32 $0x2, s3;
	s6 =	smul.u32 $0x14000, s6  }
0x7: {  	s1 =	rddreg [dreg:$0x1];
	s7 =	sand.u32 $0x380, s7;
	s5 =	smul.u32 $0x500, s5  }
0x8: {  	_ =	strace $0x80000047;
	s30 =	sshrl.u32 s3, $0x1;
	s6 =	sor.u32 s7, s6  }
0x9: {  	s31 =	ssub.s32 s3, s30;
	s5 =	sadd.s32 s5, s4;
	s6 =	sshrl.u32 s6, $0x3  }
0xa: {  	s3 =	sadd.s32 $0x3200, s5;
	s5 =	smax.u32 s31, $0x1;
	s4 =	sadd.s32 s6, s4  }
0xb: {  	v0 =	vimm.f32 $0.0e+00;
	v1 =	vimm.f32 $1.000000000e+00;
	s7 =	simm.s32 $0x2800;
	s6 =	simm.s32 $0x1;
	s4 =	sadd.s32 $0xD200, s4  }
.LBB2_1:
0xc: {  	s10 =	simm.s32 $0x40;
	s11 =	simm.s32 $0x0  }
.LBB2_2:
0xd: {  	p0 =	sne.s32 s10, $0x9FC0;
	[tilespmem:s11+$0x2800] =	vst v0;
	s11 =	smov.u32 s10;
	s10 =	sadd.s32 $0x40, s10  }
.Ltmp0:
0xe: {  	(pc) =	sbr.rel @p0 .LBB2_2-.Ltmp0, $2  }
0xf: {  	_ =	sdelay $0x2  }
0x10: {  	s11 =	sshra.s32 s11, $0x2  }
0x11: {  	[tilespmem:s11+$0x2800] =	vst v0;
	s10 =	simm.s32 $0x0  }
0x12: {  	[tilespmem:s10], [sflag:$0x1] =	stream.linear.gather [hbm4b:s3+s10], $0x2800, $0x38;
	[tilespmem:$0x5000] =	vst v63  }
0x13: {  	_ =	swait.ge [sflag:s6], $0x2800  }
0x14: {  	[sflag:s6] =	ssyncset.done $0x0  }
0x15: {  	s11 =	simm.s32 $0x0;
	s10 =	simm.s32 $0x40;
	[sflag:s6] =	ssyncadd.s32 $0xFFFFD800  }
.LBB2_4:
0x16: {  	p0 =	sne.s32 s10, $0x9FC0;
	v2 =	vld [tilespmem:s11+$0x0];
	_ =	sdelay $0x3  }
.Ltmp1:
0x17: {  	(pc) =	sbr.rel @p0 .LBB2_4-.Ltmp1, $2  }
0x18: {  	_ =	sdelay $0x2  }
0x19: {  	s11 =	sshra.s32 s10, $0x2;
	s10 =	sadd.s32 $0x40, s10;
	[tilespmem:v2+s7+$0x0] =	vst.idx.add.f32.msk $0xffff, v1  }
0x1a: {  	v2 =	vld [tilespmem:s11+$0x0];
	_ =	sdelay $0x5  }
0x1b: {  	s2 =	sadd.s32 $0x1, s2  }
0x1c: {  	p0 =	sne.s32 s2, s5  }
.Ltmp2:
0x1d: {  	[tilespmem:v2+s7+$0x0] =	vst.idx.add.f32.msk $0xffff, v1;
	(pc) =	sbr.rel @p0 .LBB2_1-.Ltmp2, $4  }
0x1e: {  	[hbm4b:s4+s8] =	stream.strided.scatter [tilespmem:s7], [sflag:$0x1], $0x2800, s9, s8, $0x38;
	[tilespmem:$0x5000] =	vst v63  }
0x1f: {  	_ =	swait.ge [sflag:s6], $0x2800  }
0x20: {  	[sflag:s6] =	ssyncset.done $0x0  }
0x21: {  	[sflag:s6] =	ssyncadd.s32 $0xFFFFD800  }
0x22: {  	_ =	sfence.sel $0x180000  }
0x23: {  	[bflag:$0x0] =	sbarrier.arrive $0xFFFF  }
0x24: {  	p0 =	sne.s32 s0, $0x0;
	_ =	strace $0x90000047  }
0x25: {  	s0 =	sadd.s32 @!p0 $0x100000, s1;
	[bflag:$0x2] =	sbarrier.arrive $0xFFFF  }
0x26: {  	[sflag:s0] =	ssyncadd.tile.s32 @!p0 $0x1;
	_ =	shalt  }
.Lfunc_end2:
_tile_overlayer_lowered:
.L_overlay_start_2:
0x27: {  	(tag) =	ssettag $0x2  }
0x28: {  	s0 =	rddreg [dreg:$0x0];
	s2 =	stileid.u32  }
0x29: {  	s1 =	rddreg [dreg:$0x1];
	p0 =	sne.s32 s2, $0x0  }
0x2a: {  	s3 =	rddreg [dreg:$0x2];
	[bflag:$0x3] =	sbarrier.arrive $0xFFFF;
	s2 =	simm.s32 @!p0 $0x1C01  }
0x2b: {  	[timem:s3], [sflag:s2] =	dma.local @!p0 [hbm:s0], s1  }
0x2c: {  	s0 =	simm.s32 @!p0 $0x1  }
0x2d: {  	_ =	swait.ge @!p0 [sflag:s0], s1  }
0x2e: {  	s1 =	ssub.s32 @!p0 $0x0, s1;
	[sflag:s0] =	ssyncset.done @!p0 $0x0  }
0x2f: {  	[sflag:s0] =	ssyncadd.s32 @!p0 s1  }
0x30: {  	[bflag:$0x3] =	sbarrier.arrive $0xFFFF  }
0x31: {  	_ =	shalt  }

// kernel: kernel.14.cloned.1.call-start
scs
__scs_entry_jumppad:
0x0: {  	(pc) =	sbr.rel $0x88, $3  }
0x1: {  	(tag) =	ssettag $0x0;
	lr =	simm.s32 $0x1  }
0x2: {  	[smem:$0x3F93] =	sst lr;
	_ =	strace $0xD0000000  }
0x3: {  	_ = 	snop  }
0x4: {  	_ = 	snop  }
0x5: {  	_ = 	snop  }
0x6: {  	_ = 	snop  }
0x7: {  	_ = 	snop  }
__scs_overlays_trampoline_lowered:
0x8: {  	[smem:$0x3FA2] =	sst s0  }
0x9: {  	[smem:$0x3FA3] =	sst s1  }
0xa: {  	[smem:$0x3FA4] =	sst s2  }
0xb: {  	[smem:$0x3FA5] =	sst s3  }
0xc: {  	[smem:$0x3FA6] =	sst s4  }
0xd: {  	[smem:$0x3FA7] =	sst s5  }
0xe: {  	[smem:$0x3FA8] =	sst s6  }
0xf: {  	[smem:$0x3FA9] =	sst s7  }
0x10: {  	[smem:$0x3FAA] =	sst s8  }
0x11: {  	[smem:$0x3FAB] =	sst s9;
	s0 =	simm.s32 @!p0 $0x0  }
0x12: {  	s1 =	sld [smem:$0x3F91];
	s0 =	simm.s32 @p0 $0x1  }
0x13: {  	[smem:$0x3FAC] =	sst s0;
	s0 =	simm.s32 @!p1 $0x0  }
0x14: {  	s2 =	sld [smem:$0x3F90];
	s0 =	simm.s32 @p1 $0x1  }
0x15: {  	[smem:$0x3FAD] =	sst s0;
	s0 =	simm.s32 @!p2 $0x0  }
0x16: {  	s3 =	sld [smem:$0x3FDB];
	s0 =	simm.s32 @p2 $0x1  }
0x17: {  	s4 =	simm.s32 $0x1BF5;
	[smem:$0x3FAF] =	sst s0  }
0x18: {  	s0 =	sld [smem:$0x3F92];
	_ =	swait.ge [sflag:s4], $0x0  }
0x19: {  	s7 =	sld [smem:$0x3F93]  }
0x1a: {  	s8 =	sadd.s32 $0xFFFFE003, lr  }
0x1b: {  	s9 =	sadd.s32 $0xFFFFFEF7, lr;
	s5 =	simm.s32 $0xFFFFFFFF;
	p2 =	slt.u32 s8, $0xFFFFF086  }
0x1c: {  	p1 =	slt.u32 s9, $0xF7A;
	s5 =	simm.s32 @!p2 $0x0  }
0x1d: {  	s5 =	simm.s32 @p1 $0x1;
	p0 =	seq.s32 s7, s2  }
0x1e: {  	s7 =	smul.u32 @!p0 $0xF7A, s2;
	p2 =	seq.s32 @!p0 s5, $0x0  }
0x1f: {  	s9 =	smul.u32 $0xF7A, s1;
	s8 =	simm.s32 @!p0 $0x1BF5;
	p2 =	por !p2, p0  }
0x20: {  	[sflag:s8] =	ssyncset.s32 @!p0 $0xFFFFF086;
	s6 =	sadd.s32 @!p0 s3, s7;
	s7 =	simm.s32 @!p0 $0x108  }
0x21: {  	s3 =	sadd.s32 s3, s9;
	s6 =	sadd.s32 @!p0 $0x88, s6;
	s7 =	simm.s32 @p2 $0x1082  }
0x22: {  	[simem:s7], [sflag:s8] =	dma.local @!p0 [hbm:s6], $0xF7A  }
0x23: {  	s9 =	sor.u32 $0xD0000000, s2;
	s6 =	simm.s32 $0x108;
	_ =	swait.ge @!p0 [sflag:s8], $0x0  }
0x24: {  	s3 =	sadd.s32 $0x88, s3;
	s6 =	simm.s32 @!p1 $0x1082;
	[sflag:s4] =	ssyncset.s32 $0xFFFFF086  }
0x25: {  	[simem:s6], [sflag:s4] =	dma.local [hbm:s3], $0xF7A  }
0x26: {  	[smem:$0x3F93] =	sst s1;
	(tag) =	ssettag s2;
	_ =	strace s9  }
0x27: {  	s1 =	sld [smem:$0x3FA3]  }
0x28: {  	s2 =	sld [smem:$0x3FA4]  }
0x29: {  	s4 =	sld [smem:$0x3FA6]  }
0x2a: {  	p0 =	seq.s32 s5, $0x0;
	s5 =	sld [smem:$0x3FA7]  }
0x2b: {  	s6 =	sld [smem:$0x3FA8]  }
0x2c: {  	s7 =	sld [smem:$0x3FA9]  }
0x2d: {  	s3 =	simm.s32 $0x108;
	s8 =	sld [smem:$0x3FAA]  }
0x2e: {  	s3 =	simm.s32 @!p0 $0x1082;
	s9 =	sld [smem:$0x3FAB]  }
0x2f: {  	lr =	sadd.s32 s0, s3;
	s0 =	sld [smem:$0x3FA2]  }
0x30: {  	s3 =	sld [smem:$0x3FA5]  }
0x31: {  	[smem:$0x3FAE] =	sst s10  }
0x32: {  	s10 =	sld [smem:$0x3FAC];
	_ =	sdelay $0x3  }
0x33: {  	p0 =	seq.s32 s10, $0x1;
	s10 =	sld [smem:$0x3FAE];
	_ =	sdelay $0x3  }
0x34: {  	[smem:$0x3FAE] =	sst s10  }
0x35: {  	s10 =	sld [smem:$0x3FAD];
	_ =	sdelay $0x3  }
0x36: {  	p1 =	seq.s32 s10, $0x1;
	s10 =	sld [smem:$0x3FAE];
	_ =	sdelay $0x3  }
0x37: {  	[smem:$0x3FAE] =	sst s10  }
0x38: {  	s10 =	sld [smem:$0x3FAF]  }
0x39: {  	_ = 	snop;
	(pc) =	sbr.ind lr, $3  }
0x3a: {  	_ = 	snop  }
0x3b: {  	_ = 	snop  }
0x3c: {  	p2 =	seq.s32 s10, $0x1;
	s10 =	sld [smem:$0x3FAE]  }
0x3d: {  	_ =	shalt  }
0x3e: {  	_ =	shalt  }
0x3f: {  	_ =	shalt  }
0x40: {  	_ =	shalt  }
0x41: {  	_ =	shalt  }
0x42: {  	_ =	shalt  }
0x43: {  	_ =	shalt  }
0x44: {  	_ =	shalt  }
0x45: {  	_ =	shalt  }
0x46: {  	_ =	shalt  }
0x47: {  	_ =	shalt  }
0x48: {  	_ =	shalt  }
0x49: {  	_ =	shalt  }
0x4a: {  	_ =	shalt  }
0x4b: {  	_ =	shalt  }
0x4c: {  	_ =	shalt  }
0x4d: {  	_ =	shalt  }
0x4e: {  	_ =	shalt  }
0x4f: {  	_ =	shalt  }
0x50: {  	_ =	shalt  }
0x51: {  	_ =	shalt  }
0x52: {  	_ =	shalt  }
0x53: {  	_ =	shalt  }
0x54: {  	_ =	shalt  }
0x55: {  	_ =	shalt  }
0x56: {  	_ =	shalt  }
0x57: {  	_ =	shalt  }
0x58: {  	_ =	shalt  }
0x59: {  	_ =	shalt  }
0x5a: {  	_ =	shalt  }
0x5b: {  	_ =	shalt  }
0x5c: {  	_ =	shalt  }
0x5d: {  	_ =	shalt  }
0x5e: {  	_ =	shalt  }
0x5f: {  	_ =	shalt  }
0x60: {  	_ =	shalt  }
0x61: {  	_ =	shalt  }
0x62: {  	_ =	shalt  }
0x63: {  	_ =	shalt  }
0x64: {  	_ =	shalt  }
0x65: {  	_ =	shalt  }
0x66: {  	_ =	shalt  }
0x67: {  	_ =	shalt  }
0x68: {  	_ =	shalt  }
0x69: {  	_ =	shalt  }
0x6a: {  	_ =	shalt  }
0x6b: {  	_ =	shalt  }
0x6c: {  	_ =	shalt  }
0x6d: {  	_ =	shalt  }
0x6e: {  	_ =	shalt  }
0x6f: {  	_ =	shalt  }
0x70: {  	_ =	shalt  }
0x71: {  	_ =	shalt  }
0x72: {  	_ =	shalt  }
0x73: {  	_ =	shalt  }
0x74: {  	_ =	shalt  }
0x75: {  	_ =	shalt  }
0x76: {  	_ =	shalt  }
0x77: {  	_ =	shalt  }
0x78: {  	_ =	shalt  }
0x79: {  	_ =	shalt  }
0x7a: {  	_ =	shalt  }
0x7b: {  	_ =	shalt  }
0x7c: {  	_ =	shalt  }
0x7d: {  	_ =	shalt  }
0x7e: {  	_ =	shalt  }
0x7f: {  	_ =	shalt  }
0x80: {  	_ =	shalt  }
0x81: {  	_ =	shalt  }
0x82: {  	_ =	shalt  }
0x83: {  	_ =	shalt  }
0x84: {  	_ =	shalt  }
0x85: {  	_ =	shalt  }
0x86: {  	_ =	shalt  }
0x87: {  	_ =	shalt  }
.Lfunc_end0:
.L_simem_size_0:
called_computation.1_lowered:
.L_overlay_start_0:
0x88: {  	s2 =	sld [smem:$0x3FD9]  }
0x89: {  	s3 =	sld [smem:$0x3FFE];
	_ =	sdelay $0x1  }
0x8a: {  	s1 =	srdreg.scid  }
0x8b: {  	s0 =	sand.u32 $0x1, s1  }
0x8c: {  	s16 =	sshll.u32 s0, $0xA;
	s2 =	sadd.s32 s3, s2  }
0x8d: {  	s2 =	sadd.s32 s2, s16  }
0x8e: {  	[smem:$0x3FBA] =	sst s2  }
0x8f: {  	_ = 	snop  }
0x90: {  	(tm) =	ssettm $0x1  }
0x91: {  	s17 =	sld [smem:$0x3FFB];
	_ =	sdelay $0x3  }
0x92: {  	_ =	strace s17  }
0x93: {  	s2 =	sld [smem:$0x3FFC];
	_ =	sdelay $0x3  }
0x94: {  	_ =	strace s2  }
0x95: {  	s2 =	sld [smem:$0x3FFD];
	_ =	sdelay $0x3  }
0x96: {  	_ =	strace s2  }
0x97: {  	_ =	strace $0x8FFFFFFF  }
0x98: {  	s18 =	sld [smem:$0x3FDB];
	_ =	sdelay $0x1  }
0x99: {  	s19 =	simm.s32 $_scs_section_size  }
0x9a: {  	s4 =	simm.s32 $_size__tile_overlayer_lowered;
	s5 =	simm.s32 $_tile_overlayer_lowered  }
0x9b: {  	s22 =	simm.s32 $0x1BFF;
	s21 =	sshll.u32 s5, $0x1;
	s2 =	sadd.s32 s19, s18  }
0x9c: {  	s6 =	simm.s32 $0x0;
	s20 =	sshll.u32 s4, $0x1;
	s4 =	sadd.s32 s21, s2  }
0x9d: {  	[timem:s6], [sflag:s22] =	dma.local [hbm:s4], s20  }
0x9e: {  	_ =	swait.ge [sflag:s22], s20  }
0x9f: {  	s3 =	ssub.s32 $0x0, s20;
	[sflag:s22] =	ssyncset.done $0x0  }
0xa0: {  	[sflag:s22] =	ssyncadd.s32 s3;
	_ =	sdelay $0x1  }
0xa1: {  	s23 =	simm.s32 $0x1B8B  }
0xa2: {  	_ =	swait.ge [sflag:s23], $0x1  }
0xa3: {  	[sflag:s23] =	ssyncset.done $0x0  }
0xa4: {  	s25 =	simm.s32 $0x1B8E;
	s24 =	sld [smem:$0x3FFE];
	[sflag:s23] =	ssyncadd.s32 $0xFFFFFFFF  }
0xa5: {  	s26 =	simm.s32 $execute0_lowered;
	[smem:$0x3FD2] =	sst s25  }
0xa6: {  	s4 =	sshll.u32 s26, $0x1;
	_ =	strace $0x80000049;
	[dreg:$0x1] =	wrdreg $0xFFFFFFFF  }
0xa7: {  	s28 =	simm.s32 $_size_execute0_lowered;
	s2 =	sadd.s32 s2, s4;
	[dreg:$0x0] =	wrdreg $0x0  }
0xa8: {  	s4 =	sshll.u32 s28, $0x1;
	[dreg:$0x2] =	wrdreg s2  }
0xa9: {  	[dreg:$0x3] =	wrdreg s4  }
0xaa: {  	[dreg:$0x4] =	wrdreg $0xC0  }
0xab: {  	_ =	task [dreg:s6], $0x5FFFF  }
0xac: {  	[dreg:$0x1] =	wrdreg $0xFFFFFFFF  }
0xad: {  	[dreg:$0x0] =	wrdreg $0x60  }
0xae: {  	[dreg:$0x2] =	wrdreg s24  }
0xaf: {  	[dreg:$0x3] =	wrdreg $0xA8000  }
0xb0: {  	[dreg:$0x4] =	wrdreg $0x9  }
0xb1: {  	_ =	task.clear_ibuf [dreg:s6], $0x5FFFF;
	_ =	strace $0x90000049  }
0xb2: {  	s29 =	simm.s32 $0x9;
	_ =	strace $0x8000004B  }
0xb3: {  	_ =	swait.ge [sflag:s29], $0x1  }
0xb4: {  	[sflag:s29] =	ssyncadd.s32 $0xFFFFFFFF  }
0xb5: {  	_ =	strace $0x9000004B  }
0xb6: {  	_ =	sfence  }
0xb7: {  	s30 =	sld [smem:$0x0];
	_ =	sdelay $0x2  }
0xb8: {  	s31 =	sshll.u32 s1, $0xD;
	s1 =	sshrl.u32 s1, $0x2  }
0xb9: {  	s3 =	sand.u32 $0x4000, s31;
	s1 =	sadd.s32 s1, s30  }
0xba: {  	s0 =	sor.u32 s3, s0;
	s1 =	sshll.u32 s1, $0x11  }
0xbb: {  	s0 =	sor.u32 s1, s0  }
0xbc: {  	s0 =	sadd.s32 $0x8F2B, s0  }
0xbd: {  	[sflag:s0] =	ssyncadd.remote.s32 $0x1  }
0xbe: {  	_ =	sfence.sel $0xFFFF  }
0xbf: {  	[dreg:$0x0] =	wrdreg $0xFFFFFFFF;
	(pc) =	sbr.abs _section_cstart, $3  }
0xc0: {  	[dreg:$0x1] =	wrdreg $0xFFFFFFFF  }
0xc1: {  	_ =	task.clear_ibuf [dreg:s6], $0x2FFFF;
	_ =	strace $0x9FFFFFFF  }
0xc2: {  	(tm) =	ssettm $0x7FFFFFFF  }
0xc3: {  	_ =	shalt  }
tec
execute0_lowered:
.L_overlay_start_1:
0x0: {  	(tag) =	ssettag $0x1  }
0x1: {  	s0 =	rddreg [dreg:$0x0]  }
0x2: {  	s1 =	rddreg [dreg:$0x1];
	s3 =	simm.s32 $0x0  }
0x3: {  	s2 =	srdreg.scid;
	s20 =	stileid.u32;
	s28 =	simm.s32 $0x1  }
0x4: {  	s29 =	simm.s32 $0x2;
	s30 =	simm.s32 $0x2700;
	s31 =	simm.s32 $0x2780  }
0x5: {  	[smem:$0x7FF] =	sst s3;
	s2 =	sand.u32 $0x1, s2;
	s6 =	smul.u32 $0x14000, s20  }
0x6: {  	s14 =	sadd.s32 $0x21200, s0;
	s15 =	sadd.s32 $0x17200, s0;
	s9 =	smul.u32 $0x2800, s20  }
0x7: {  	s4 =	sadd.s32 $0x2B200, s0;
	p0 =	sne.s32 s20, $0xF;
	s23 =	smul.u32 $0x50000, s20  }
0x8: {  	p2 =	seq.s32 s20, $0xF;
	s18 =	sadd.s32 $0x12C000, s1;
	s19 =	sadd.s32 $0x138800, s1  }
0x9: {  	s25 =	sadd.s32 $0x50A00, s0;
	s5 =	smul.u32 $0x140000, s2;
	_ =	strace $0x8000004A  }
0xa: {  	s21 =	ssub.s32 $0x2, s2;
	s22 =	sshll.u32 s2, $0x4;
	p1 =	seq.s32 s2, $0x0  }
0xb: {  	[dreg:$0x4] =	wrdreg s25;
	s25 =	simm.s32 $0x2800;
	s7 =	sadd.s32 s9, s0  }
0xc: {  	s8 =	sshrl.u32 s21, $0x1;
	s11 =	sor.u32 s20, s22;
	p0 =	por !p1, !p0  }
0xd: {  	p1 =	por !p1, !p2;
	s24 =	sshrl.u32 s23, $0x2;
	s9 =	sadd.s32 s4, s9  }
0xe: {  	s22 =	simm.s32 $0x3;
	s23 =	simm.s32 $0x1400;
	s5 =	sadd.s32 s6, s5  }
0xf: {  	s6 =	ssub.s32 s21, s8;
	p0 =	por !p0, !p0;
	p2 =	por !p1, !p1  }
0x10: {  	s7 =	sadd.s32 $0x52400, s7;
	s8 =	sadd.s32 $0x79500, s0;
	s26 =	smul.u32 $0x500, s11  }
0x11: {  	s5 =	sshrl.u32 s5, $0x3;
	[dreg:$0x3] =	wrdreg s7;
	p1 =	por p2, p0  }
0x12: {  	s11 =	smax.u32 s6, $0x1;
	s10 =	sadd.s32 s5, s0;
	s5 =	sadd.s32 s24, s1  }
0x13: {  	p1 =	seq.s32 @!p1 s2, $0x0;
	s12 =	sadd.s32 s14, s26;
	s13 =	sadd.s32 s15, s26  }
0x14: {  	s0 =	sadd.s32 $0x280, s26;
	s24 =	simm.s32 $0x80;
	s26 =	simm.s32 $0x6800  }
0x15: {  	s10 =	sadd.s32 $0x7A400, s10;
	p1 =	por @!p0 p1, p2;
	s14 =	sadd.s32 s14, s0  }
0x16: {  	s15 =	sadd.s32 s15, s0;
	p2 =	por !p2, p0;
	p1 =	por p1, p0  }
0x17: {  	s21 =	sshrl.u32 @p0 s5, $0x3;
	s18 =	sshrl.u32 @!p2 s18, $0x3;
	s0 =	sshll.u32 @!p1 s20, $0x6  }
0x18: {  	s19 =	sshrl.u32 @!p2 s19, $0x3;
	s16 =	sor.u32 @!p1 $0x1C03, s0;
	s0 =	sshll.u32 @p0 s20, $0x6  }
0x19: {  	s17 =	sshrl.u32 @!p1 s5, $0x3;
	s20 =	sor.u32 @p0 $0x1C03, s0;
	s0 =	simm.s32 $0x0  }
.LBB2_1:
0x1a: {  	s2 =	rddreg [dreg:$0x3]  }
0x1b: {  	[spmem:s17], [sflag:s16] =	dma.local @!p1 [hbm:s2], $0x2800  }
0x1c: {  	s2 =	simm.s32 @!p1 $0x3  }
0x1d: {  	_ =	swait.ge @!p1 [sflag:s2], $0x2800  }
0x1e: {  	[sflag:s2] =	ssyncset.done @!p1 $0x0  }
0x1f: {  	s6 =	rddreg [dreg:$0x4];
	[sflag:s2] =	ssyncadd.s32 @!p1 $0xFFFFD800;
	s2 =	simm.s32 @!p2 $0x1FC3  }
0x20: {  	[spmem:s18], [sflag:s2] =	dma.local @!p2 [hbm:s6], $0x1900  }
0x21: {  	s6 =	simm.s32 @!p2 $0x3  }
0x22: {  	_ =	swait.ge @!p2 [sflag:s6], $0x1900  }
0x23: {  	[sflag:s6] =	ssyncset.done @!p2 $0x0  }
0x24: {  	[sflag:s6] =	ssyncadd.s32 @!p2 $0xFFFFE700  }
0x25: {  	[spmem:s19], [sflag:s2] =	dma.local @!p2 [hbm:s8], $0xF00  }
0x26: {  	_ =	swait.ge @!p2 [sflag:s6], $0xF00  }
0x27: {  	[sflag:s6] =	ssyncset.done @!p2 $0x0  }
0x28: {  	s2 =	simm.s32 @p0 $0x3;
	[sflag:s6] =	ssyncadd.s32 @!p2 $0xFFFFF100  }
0x29: {  	[spmem:s21], [sflag:s20] =	dma.local @p0 [hbm:s9], $0x2800  }
0x2a: {  	_ =	swait.ge @p0 [sflag:s2], $0x2800  }
0x2b: {  	[sflag:s2] =	ssyncset.done @p0 $0x0  }
0x2c: {  	[sflag:s2] =	ssyncadd.s32 @p0 $0xFFFFD800  }
0x2d: {  	[bflag:$0x0] =	sbarrier.arrive $0xFFFF  }
0x2e: {  	[tilespmem:s3], [sflag:$0x3] =	stream.linear.gather [hbm4b:s12+s3], $0x1400, $0x38;
	[tilespmem:$0x1E800] =	vst v63  }
0x2f: {  	_ =	swait.ge [sflag:s22], $0x1400  }
0x30: {  	[sflag:s22] =	ssyncset.done $0x0  }
0x31: {  	[sflag:s22] =	ssyncadd.s32 $0xFFFFEC00  }
0x32: {  	[tilespmem:s23], [sflag:$0x3] =	stream.linear.gather [hbm4b:s13+s3], $0x1400, $0x38;
	[tilespmem:$0x1E800] =	vst v63  }
0x33: {  	_ =	swait.ge [sflag:s22], $0x1400  }
0x34: {  	[sflag:s22] =	ssyncset.done $0x0  }
0x35: {  	[sflag:s22] =	ssyncadd.s32 $0xFFFFEC00  }
0x36: {  	[tilespmem:s25], [sflag:$0x1] =	stream.indirect.gather [hbm4b:s4+s24], $0x80, s3, s24, $0xb8;
	[tilespmem:$0x1E800] =	vst v63  }
0x37: {  	_ = 	snop  }
0x38: {  	[tilespmem:s26], [sflag:$0x2] =	stream.indirect.gather [hbm4b:s4+s24], $0x80, s24, s24, $0xb8;
	[tilespmem:$0x1E800] =	vst v63  }
0x39: {  	_ =	swait.ge [sflag:s28], $0x4000  }
0x3a: {  	[sflag:s28] =	ssyncset.done $0x0  }
0x3b: {  	s7 =	simm.s32 $0x1400;
	[sflag:s28] =	ssyncadd.s32 $0xFFFFC000  }
0x3c: {  	[spmem:s1] =	stream.indirect.scatter.add.f32 [tilespmem:s25], [sflag:$0x3], $0x80, s7, s24, $0xb8;
	[tilespmem:$0x1E800] =	vst v63  }
0x3d: {  	_ =	swait.ge [sflag:s22], $0x4000  }
0x3e: {  	[sflag:s22] =	ssyncset.done $0x0  }
0x3f: {  	s6 =	simm.s32 $0x100;
	[sflag:s22] =	ssyncadd.s32 $0xFFFFC000  }
0x40: {  	[tilespmem:s25], [sflag:$0x1] =	stream.indirect.gather [hbm4b:s4+s24], $0x80, s6, s24, $0xb8;
	[tilespmem:$0x1E800] =	vst v63  }
0x41: {  	_ =	swait.ge [sflag:s29], $0x4000  }
0x42: {  	[sflag:s29] =	ssyncset.done $0x0  }
0x43: {  	s7 =	simm.s32 $0x1480;
	[sflag:s29] =	ssyncadd.s32 $0xFFFFC000  }
0x44: {  	[spmem:s1] =	stream.indirect.scatter.add.f32 [tilespmem:s26], [sflag:$0x3], $0x80, s7, s24, $0xb8;
	[tilespmem:$0x1E800] =	vst v63  }
0x45: {  	_ =	swait.ge [sflag:s22], $0x4000  }
0x46: {  	[sflag:s22] =	ssyncset.done $0x0  }
0x47: {  	s2 =	simm.s32 $0x400;
	s6 =	simm.s32 $0x180;
	[sflag:s22] =	ssyncadd.s32 $0xFFFFC000  }
.LBB2_2:
0x48: {  	[tilespmem:s26], [sflag:$0x2] =	stream.indirect.gather [hbm4b:s4+s24], $0x80, s6, s24, $0xb8;
	[tilespmem:$0x1E800] =	vst v63  }
0x49: {  	s6 =	smov.u32 s2  }
0x4a: {  	p3 =	sne.s32 s2, $0x4800;
	s2 =	sadd.s32 $0x400, s2;
	_ =	swait.ge [sflag:s28], $0x4000  }
0x4b: {  	s6 =	sshra.s32 s6, $0x2;
	[sflag:s28] =	ssyncset.done $0x0  }
0x4c: {  	s7 =	sadd.s32 $0x1400, s6;
	[sflag:s28] =	ssyncadd.s32 $0xFFFFC000  }
0x4d: {  	[spmem:s1] =	stream.indirect.scatter.add.f32 [tilespmem:s25], [sflag:$0x3], $0x80, s7, s24, $0xb8;
	[tilespmem:$0x1E800] =	vst v63  }
0x4e: {  	_ =	swait.ge [sflag:s22], $0x4000  }
0x4f: {  	[sflag:s22] =	ssyncset.done $0x0  }
0x50: {  	s7 =	sadd.s32 $0x100, s6;
	[sflag:s22] =	ssyncadd.s32 $0xFFFFC000  }
0x51: {  	[tilespmem:s25], [sflag:$0x1] =	stream.indirect.gather [hbm4b:s4+s24], $0x80, s7, s24, $0xb8;
	[tilespmem:$0x1E800] =	vst v63  }
0x52: {  	_ =	swait.ge [sflag:s29], $0x4000  }
0x53: {  	[sflag:s29] =	ssyncset.done $0x0  }
.Ltmp0:
0x54: {  	s7 =	sadd.s32 $0x1480, s6;
	[sflag:s29] =	ssyncadd.s32 $0xFFFFC000;
	(pc) =	sbr.rel @p3 .LBB2_2-.Ltmp0, $4  }
0x55: {  	[spmem:s1] =	stream.indirect.scatter.add.f32 [tilespmem:s26], [sflag:$0x3], $0x80, s7, s24, $0xb8;
	[tilespmem:$0x1E800] =	vst v63  }
0x56: {  	_ =	swait.ge [sflag:s22], $0x4000  }
0x57: {  	[sflag:s22] =	ssyncset.done $0x0  }
0x58: {  	s6 =	sadd.s32 $0x180, s6;
	[sflag:s22] =	ssyncadd.s32 $0xFFFFC000  }
0x59: {  	[tilespmem:s26], [sflag:$0x2] =	stream.indirect.gather [hbm4b:s4+s24], $0x80, s6, s24, $0xb8;
	[tilespmem:$0x1E800] =	vst v63  }
0x5a: {  	_ =	swait.ge [sflag:s28], $0x4000  }
0x5b: {  	[sflag:s28] =	ssyncset.done $0x0  }
0x5c: {  	[sflag:s28] =	ssyncadd.s32 $0xFFFFC000  }
0x5d: {  	[spmem:s1] =	stream.indirect.scatter.add.f32 [tilespmem:s25], [sflag:$0x3], $0x80, s30, s24, $0xb8;
	[tilespmem:$0x1E800] =	vst v63  }
0x5e: {  	_ =	swait.ge [sflag:s22], $0x4000  }
0x5f: {  	[sflag:s22] =	ssyncset.done $0x0  }
0x60: {  	[sflag:s22] =	ssyncadd.s32 $0xFFFFC000  }
0x61: {  	_ =	swait.ge [sflag:s29], $0x4000  }
0x62: {  	[sflag:s29] =	ssyncset.done $0x0  }
0x63: {  	[sflag:s29] =	ssyncadd.s32 $0xFFFFC000  }
0x64: {  	[spmem:s1] =	stream.indirect.scatter.add.f32 [tilespmem:s26], [sflag:$0x3], $0x80, s31, s24, $0xb8;
	[tilespmem:$0x1E800] =	vst v63  }
0x65: {  	_ =	swait.ge [sflag:s22], $0x4000  }
0x66: {  	[sflag:s22] =	ssyncset.done $0x0  }
0x67: {  	s2 =	simm.s32 $0x0;
	[sflag:s22] =	ssyncadd.s32 $0xFFFFC000  }
0x68: {  	[tilespmem:s2], [sflag:$0x3] =	stream.linear.gather [hbm4b:s14+s2], $0x1400, $0x38;
	[tilespmem:$0x1E800] =	vst v63  }
0x69: {  	_ =	swait.ge [sflag:s22], $0x1400  }
0x6a: {  	[sflag:s22] =	ssyncset.done $0x0  }
0x6b: {  	[sflag:s22] =	ssyncadd.s32 $0xFFFFEC00  }
0x6c: {  	[tilespmem:s23], [sflag:$0x3] =	stream.linear.gather [hbm4b:s15+s2], $0x1400, $0x38;
	[tilespmem:$0x1E800] =	vst v63  }
0x6d: {  	_ =	swait.ge [sflag:s22], $0x1400  }
0x6e: {  	[sflag:s22] =	ssyncset.done $0x0  }
0x6f: {  	[sflag:s22] =	ssyncadd.s32 $0xFFFFEC00  }
0x70: {  	[tilespmem:s25], [sflag:$0x1] =	stream.indirect.gather [hbm4b:s4+s24], $0x80, s2, s24, $0xb8;
	[tilespmem:$0x1E800] =	vst v63  }
0x71: {  	_ = 	snop  }
0x72: {  	[tilespmem:s26], [sflag:$0x2] =	stream.indirect.gather [hbm4b:s4+s24], $0x80, s24, s24, $0xb8;
	[tilespmem:$0x1E800] =	vst v63  }
0x73: {  	_ =	swait.ge [sflag:s28], $0x4000  }
0x74: {  	[sflag:s28] =	ssyncset.done $0x0  }
0x75: {  	s7 =	simm.s32 $0x1400;
	[sflag:s28] =	ssyncadd.s32 $0xFFFFC000  }
0x76: {  	[spmem:s1] =	stream.indirect.scatter.add.f32 [tilespmem:s25], [sflag:$0x3], $0x80, s7, s24, $0xb8;
	[tilespmem:$0x1E800] =	vst v63  }
0x77: {  	_ =	swait.ge [sflag:s22], $0x4000  }
0x78: {  	[sflag:s22] =	ssyncset.done $0x0  }
0x79: {  	s6 =	simm.s32 $0x100;
	[sflag:s22] =	ssyncadd.s32 $0xFFFFC000  }
0x7a: {  	[tilespmem:s25], [sflag:$0x1] =	stream.indirect.gather [hbm4b:s4+s24], $0x80, s6, s24, $0xb8;
	[tilespmem:$0x1E800] =	vst v63  }
0x7b: {  	_ =	swait.ge [sflag:s29], $0x4000  }
0x7c: {  	[sflag:s29] =	ssyncset.done $0x0  }
0x7d: {  	s7 =	simm.s32 $0x1480;
	[sflag:s29] =	ssyncadd.s32 $0xFFFFC000  }
0x7e: {  	[spmem:s1] =	stream.indirect.scatter.add.f32 [tilespmem:s26], [sflag:$0x3], $0x80, s7, s24, $0xb8;
	[tilespmem:$0x1E800] =	vst v63  }
0x7f: {  	_ =	swait.ge [sflag:s22], $0x4000  }
0x80: {  	[sflag:s22] =	ssyncset.done $0x0  }
0x81: {  	s2 =	simm.s32 $0x400;
	s6 =	simm.s32 $0x180;
	[sflag:s22] =	ssyncadd.s32 $0xFFFFC000  }
.LBB2_4:
0x82: {  	[tilespmem:s26], [sflag:$0x2] =	stream.indirect.gather [hbm4b:s4+s24], $0x80, s6, s24, $0xb8;
	[tilespmem:$0x1E800] =	vst v63  }
0x83: {  	s6 =	smov.u32 s2  }
0x84: {  	p3 =	sne.s32 s2, $0x4800;
	s2 =	sadd.s32 $0x400, s2;
	_ =	swait.ge [sflag:s28], $0x4000  }
0x85: {  	s6 =	sshra.s32 s6, $0x2;
	[sflag:s28] =	ssyncset.done $0x0  }
0x86: {  	s7 =	sadd.s32 $0x1400, s6;
	[sflag:s28] =	ssyncadd.s32 $0xFFFFC000  }
0x87: {  	[spmem:s1] =	stream.indirect.scatter.add.f32 [tilespmem:s25], [sflag:$0x3], $0x80, s7, s24, $0xb8;
	[tilespmem:$0x1E800] =	vst v63  }
0x88: {  	_ =	swait.ge [sflag:s22], $0x4000  }
0x89: {  	[sflag:s22] =	ssyncset.done $0x0  }
0x8a: {  	s7 =	sadd.s32 $0x100, s6;
	[sflag:s22] =	ssyncadd.s32 $0xFFFFC000  }
0x8b: {  	[tilespmem:s25], [sflag:$0x1] =	stream.indirect.gather [hbm4b:s4+s24], $0x80, s7, s24, $0xb8;
	[tilespmem:$0x1E800] =	vst v63  }
0x8c: {  	_ =	swait.ge [sflag:s29], $0x4000  }
0x8d: {  	[sflag:s29] =	ssyncset.done $0x0  }
.Ltmp1:
0x8e: {  	s7 =	sadd.s32 $0x1480, s6;
	[sflag:s29] =	ssyncadd.s32 $0xFFFFC000;
	(pc) =	sbr.rel @p3 .LBB2_4-.Ltmp1, $4  }
0x8f: {  	[spmem:s1] =	stream.indirect.scatter.add.f32 [tilespmem:s26], [sflag:$0x3], $0x80, s7, s24, $0xb8;
	[tilespmem:$0x1E800] =	vst v63  }
0x90: {  	_ =	swait.ge [sflag:s22], $0x4000  }
0x91: {  	[sflag:s22] =	ssyncset.done $0x0  }
0x92: {  	s6 =	sadd.s32 $0x180, s6;
	[sflag:s22] =	ssyncadd.s32 $0xFFFFC000  }
0x93: {  	[tilespmem:s26], [sflag:$0x2] =	stream.indirect.gather [hbm4b:s4+s24], $0x80, s6, s24, $0xb8;
	[tilespmem:$0x1E800] =	vst v63  }
0x94: {  	_ =	swait.ge [sflag:s28], $0x4000  }
0x95: {  	[sflag:s28] =	ssyncset.done $0x0  }
0x96: {  	[sflag:s28] =	ssyncadd.s32 $0xFFFFC000  }
0x97: {  	[spmem:s1] =	stream.indirect.scatter.add.f32 [tilespmem:s25], [sflag:$0x3], $0x80, s30, s24, $0xb8;
	[tilespmem:$0x1E800] =	vst v63  }
0x98: {  	_ =	swait.ge [sflag:s22], $0x4000  }
0x99: {  	[sflag:s22] =	ssyncset.done $0x0  }
0x9a: {  	[sflag:s22] =	ssyncadd.s32 $0xFFFFC000  }
0x9b: {  	_ =	swait.ge [sflag:s29], $0x4000  }
0x9c: {  	[sflag:s29] =	ssyncset.done $0x0  }
0x9d: {  	[sflag:s29] =	ssyncadd.s32 $0xFFFFC000  }
0x9e: {  	[spmem:s1] =	stream.indirect.scatter.add.f32 [tilespmem:s26], [sflag:$0x3], $0x80, s31, s24, $0xb8;
	[tilespmem:$0x1E800] =	vst v63  }
0x9f: {  	s2 =	stileid.u32;
	_ =	swait.ge [sflag:s22], $0x4000  }
0xa0: {  	s7 =	sshrl.u32 s5, $0x3;
	s0 =	sadd.s32 $0x1, s0;
	[sflag:s22] =	ssyncset.done $0x0  }
0xa1: {  	s2 =	sshll.u32 s2, $0x6;
	p3 =	sne.s32 s0, s11;
	[sflag:s22] =	ssyncadd.s32 $0xFFFFC000  }
.Ltmp2:
0xa2: {  	s2 =	sor.u32 $0x1C03, s2;
	[bflag:$0x0] =	sbarrier.arrive $0xFFFF;
	(pc) =	sbr.rel @p3 .LBB2_1-.Ltmp2, $4  }
0xa3: {  	[hbm:s10], [sflag:s2] =	dma.local [spmem:s7], $0x2800  }
0xa4: {  	_ =	swait.ge [sflag:s22], $0x2800  }
0xa5: {  	[sflag:s22] =	ssyncset.done $0x0  }
0xa6: {  	[sflag:s22] =	ssyncadd.s32 $0xFFFFD800  }
0xa7: {  	_ =	sfence.sel $0x180000  }
0xa8: {  	[bflag:$0x0] =	sbarrier.arrive $0xFFFF  }
0xa9: {  	_ =	strace $0x9000004A  }
0xaa: {  	s0 =	stileid.u32;
	[bflag:$0x2] =	sbarrier.arrive $0xFFFF  }
0xab: {  	p0 =	sne.s32 s0, $0x0;
	s0 =	rddreg [dreg:$0x2]  }
0xac: {  	s0 =	sadd.s32 @!p0 $0x100000, s0  }
0xad: {  	[sflag:s0] =	ssyncadd.tile.s32 @!p0 $0x1;
	_ =	shalt  }
.Lfunc_end2:
_tile_overlayer_lowered:
.L_overlay_start_2:
0xae: {  	(tag) =	ssettag $0x2  }
0xaf: {  	s0 =	rddreg [dreg:$0x0];
	s2 =	stileid.u32  }
0xb0: {  	s1 =	rddreg [dreg:$0x1];
	p0 =	sne.s32 s2, $0x0  }
0xb1: {  	s3 =	rddreg [dreg:$0x2];
	[bflag:$0x3] =	sbarrier.arrive $0xFFFF;
	s2 =	simm.s32 @!p0 $0x1C03  }
0xb2: {  	[timem:s3], [sflag:s2] =	dma.local @!p0 [hbm:s0], s1  }
0xb3: {  	s0 =	simm.s32 @!p0 $0x3  }
0xb4: {  	_ =	swait.ge @!p0 [sflag:s0], s1  }
0xb5: {  	s1 =	ssub.s32 @!p0 $0x0, s1;
	[sflag:s0] =	ssyncset.done @!p0 $0x0  }
0xb6: {  	[sflag:s0] =	ssyncadd.s32 @!p0 s1  }
0xb7: {  	[bflag:$0x3] =	sbarrier.arrive $0xFFFF  }
0xb8: {  	_ =	shalt  }

// kernel: kernel.17.cloned.1.call-start
scs
__scs_entry_jumppad:
0x0: {  	(pc) =	sbr.rel $0x88, $3  }
0x1: {  	(tag) =	ssettag $0x0;
	lr =	simm.s32 $0x1  }
0x2: {  	[smem:$0x3F93] =	sst lr;
	_ =	strace $0xD0000000  }
0x3: {  	_ = 	snop  }
0x4: {  	_ = 	snop  }
0x5: {  	_ = 	snop  }
0x6: {  	_ = 	snop  }
0x7: {  	_ = 	snop  }
__scs_overlays_trampoline_lowered:
0x8: {  	[smem:$0x3FA2] =	sst s0  }
0x9: {  	[smem:$0x3FA3] =	sst s1  }
0xa: {  	[smem:$0x3FA4] =	sst s2  }
0xb: {  	[smem:$0x3FA5] =	sst s3  }
0xc: {  	[smem:$0x3FA6] =	sst s4  }
0xd: {  	[smem:$0x3FA7] =	sst s5  }
0xe: {  	[smem:$0x3FA8] =	sst s6  }
0xf: {  	[smem:$0x3FA9] =	sst s7  }
0x10: {  	[smem:$0x3FAA] =	sst s8  }
0x11: {  	[smem:$0x3FAB] =	sst s9;
	s0 =	simm.s32 @!p0 $0x0  }
0x12: {  	s1 =	sld [smem:$0x3F91];
	s0 =	simm.s32 @p0 $0x1  }
0x13: {  	[smem:$0x3FAC] =	sst s0;
	s0 =	simm.s32 @!p1 $0x0  }
0x14: {  	s2 =	sld [smem:$0x3F90];
	s0 =	simm.s32 @p1 $0x1  }
0x15: {  	[smem:$0x3FAD] =	sst s0;
	s0 =	simm.s32 @!p2 $0x0  }
0x16: {  	s3 =	sld [smem:$0x3FDB];
	s0 =	simm.s32 @p2 $0x1  }
0x17: {  	s4 =	simm.s32 $0x1BF5;
	[smem:$0x3FAF] =	sst s0  }
0x18: {  	s0 =	sld [smem:$0x3F92];
	_ =	swait.ge [sflag:s4], $0x0  }
0x19: {  	s7 =	sld [smem:$0x3F93]  }
0x1a: {  	s8 =	sadd.s32 $0xFFFFE003, lr  }
0x1b: {  	s9 =	sadd.s32 $0xFFFFFEF7, lr;
	s5 =	simm.s32 $0xFFFFFFFF;
	p2 =	slt.u32 s8, $0xFFFFF086  }
0x1c: {  	p1 =	slt.u32 s9, $0xF7A;
	s5 =	simm.s32 @!p2 $0x0  }
0x1d: {  	s5 =	simm.s32 @p1 $0x1;
	p0 =	seq.s32 s7, s2  }
0x1e: {  	s7 =	smul.u32 @!p0 $0xF7A, s2;
	p2 =	seq.s32 @!p0 s5, $0x0  }
0x1f: {  	s9 =	smul.u32 $0xF7A, s1;
	s8 =	simm.s32 @!p0 $0x1BF5;
	p2 =	por !p2, p0  }
0x20: {  	[sflag:s8] =	ssyncset.s32 @!p0 $0xFFFFF086;
	s6 =	sadd.s32 @!p0 s3, s7;
	s7 =	simm.s32 @!p0 $0x108  }
0x21: {  	s3 =	sadd.s32 s3, s9;
	s6 =	sadd.s32 @!p0 $0x88, s6;
	s7 =	simm.s32 @p2 $0x1082  }
0x22: {  	[simem:s7], [sflag:s8] =	dma.local @!p0 [hbm:s6], $0xF7A  }
0x23: {  	s9 =	sor.u32 $0xD0000000, s2;
	s6 =	simm.s32 $0x108;
	_ =	swait.ge @!p0 [sflag:s8], $0x0  }
0x24: {  	s3 =	sadd.s32 $0x88, s3;
	s6 =	simm.s32 @!p1 $0x1082;
	[sflag:s4] =	ssyncset.s32 $0xFFFFF086  }
0x25: {  	[simem:s6], [sflag:s4] =	dma.local [hbm:s3], $0xF7A  }
0x26: {  	[smem:$0x3F93] =	sst s1;
	(tag) =	ssettag s2;
	_ =	strace s9  }
0x27: {  	s1 =	sld [smem:$0x3FA3]  }
0x28: {  	s2 =	sld [smem:$0x3FA4]  }
0x29: {  	s4 =	sld [smem:$0x3FA6]  }
0x2a: {  	p0 =	seq.s32 s5, $0x0;
	s5 =	sld [smem:$0x3FA7]  }
0x2b: {  	s6 =	sld [smem:$0x3FA8]  }
0x2c: {  	s7 =	sld [smem:$0x3FA9]  }
0x2d: {  	s3 =	simm.s32 $0x108;
	s8 =	sld [smem:$0x3FAA]  }
0x2e: {  	s3 =	simm.s32 @!p0 $0x1082;
	s9 =	sld [smem:$0x3FAB]  }
0x2f: {  	lr =	sadd.s32 s0, s3;
	s0 =	sld [smem:$0x3FA2]  }
0x30: {  	s3 =	sld [smem:$0x3FA5]  }
0x31: {  	[smem:$0x3FAE] =	sst s10  }
0x32: {  	s10 =	sld [smem:$0x3FAC];
	_ =	sdelay $0x3  }
0x33: {  	p0 =	seq.s32 s10, $0x1;
	s10 =	sld [smem:$0x3FAE];
	_ =	sdelay $0x3  }
0x34: {  	[smem:$0x3FAE] =	sst s10  }
0x35: {  	s10 =	sld [smem:$0x3FAD];
	_ =	sdelay $0x3  }
0x36: {  	p1 =	seq.s32 s10, $0x1;
	s10 =	sld [smem:$0x3FAE];
	_ =	sdelay $0x3  }
0x37: {  	[smem:$0x3FAE] =	sst s10  }
0x38: {  	s10 =	sld [smem:$0x3FAF]  }
0x39: {  	_ = 	snop;
	(pc) =	sbr.ind lr, $3  }
0x3a: {  	_ = 	snop  }
0x3b: {  	_ = 	snop  }
0x3c: {  	p2 =	seq.s32 s10, $0x1;
	s10 =	sld [smem:$0x3FAE]  }
0x3d: {  	_ =	shalt  }
0x3e: {  	_ =	shalt  }
0x3f: {  	_ =	shalt  }
0x40: {  	_ =	shalt  }
0x41: {  	_ =	shalt  }
0x42: {  	_ =	shalt  }
0x43: {  	_ =	shalt  }
0x44: {  	_ =	shalt  }
0x45: {  	_ =	shalt  }
0x46: {  	_ =	shalt  }
0x47: {  	_ =	shalt  }
0x48: {  	_ =	shalt  }
0x49: {  	_ =	shalt  }
0x4a: {  	_ =	shalt  }
0x4b: {  	_ =	shalt  }
0x4c: {  	_ =	shalt  }
0x4d: {  	_ =	shalt  }
0x4e: {  	_ =	shalt  }
0x4f: {  	_ =	shalt  }
0x50: {  	_ =	shalt  }
0x51: {  	_ =	shalt  }
0x52: {  	_ =	shalt  }
0x53: {  	_ =	shalt  }
0x54: {  	_ =	shalt  }
0x55: {  	_ =	shalt  }
0x56: {  	_ =	shalt  }
0x57: {  	_ =	shalt  }
0x58: {  	_ =	shalt  }
0x59: {  	_ =	shalt  }
0x5a: {  	_ =	shalt  }
0x5b: {  	_ =	shalt  }
0x5c: {  	_ =	shalt  }
0x5d: {  	_ =	shalt  }
0x5e: {  	_ =	shalt  }
0x5f: {  	_ =	shalt  }
0x60: {  	_ =	shalt  }
0x61: {  	_ =	shalt  }
0x62: {  	_ =	shalt  }
0x63: {  	_ =	shalt  }
0x64: {  	_ =	shalt  }
0x65: {  	_ =	shalt  }
0x66: {  	_ =	shalt  }
0x67: {  	_ =	shalt  }
0x68: {  	_ =	shalt  }
0x69: {  	_ =	shalt  }
0x6a: {  	_ =	shalt  }
0x6b: {  	_ =	shalt  }
0x6c: {  	_ =	shalt  }
0x6d: {  	_ =	shalt  }
0x6e: {  	_ =	shalt  }
0x6f: {  	_ =	shalt  }
0x70: {  	_ =	shalt  }
0x71: {  	_ =	shalt  }
0x72: {  	_ =	shalt  }
0x73: {  	_ =	shalt  }
0x74: {  	_ =	shalt  }
0x75: {  	_ =	shalt  }
0x76: {  	_ =	shalt  }
0x77: {  	_ =	shalt  }
0x78: {  	_ =	shalt  }
0x79: {  	_ =	shalt  }
0x7a: {  	_ =	shalt  }
0x7b: {  	_ =	shalt  }
0x7c: {  	_ =	shalt  }
0x7d: {  	_ =	shalt  }
0x7e: {  	_ =	shalt  }
0x7f: {  	_ =	shalt  }
0x80: {  	_ =	shalt  }
0x81: {  	_ =	shalt  }
0x82: {  	_ =	shalt  }
0x83: {  	_ =	shalt  }
0x84: {  	_ =	shalt  }
0x85: {  	_ =	shalt  }
0x86: {  	_ =	shalt  }
0x87: {  	_ =	shalt  }
.Lfunc_end0:
.L_simem_size_0:
called_computation.2_lowered:
.L_overlay_start_0:
0x88: {  	s2 =	sld [smem:$0x3FD9]  }
0x89: {  	s3 =	sld [smem:$0x3FFE];
	_ =	sdelay $0x1  }
0x8a: {  	s1 =	srdreg.scid  }
0x8b: {  	s0 =	sand.u32 $0x1, s1  }
0x8c: {  	s16 =	sshll.u32 s0, $0xA;
	s2 =	sadd.s32 s3, s2  }
0x8d: {  	s2 =	sadd.s32 s2, s16  }
0x8e: {  	[smem:$0x3FBA] =	sst s2  }
0x8f: {  	_ = 	snop  }
0x90: {  	(tm) =	ssettm $0x1  }
0x91: {  	s17 =	sld [smem:$0x3FFB];
	_ =	sdelay $0x3  }
0x92: {  	_ =	strace s17  }
0x93: {  	s2 =	sld [smem:$0x3FFC];
	_ =	sdelay $0x3  }
0x94: {  	_ =	strace s2  }
0x95: {  	s2 =	sld [smem:$0x3FFD];
	_ =	sdelay $0x3  }
0x96: {  	_ =	strace s2  }
0x97: {  	_ =	strace $0x8FFFFFFF  }
0x98: {  	s18 =	sld [smem:$0x3FDB];
	_ =	sdelay $0x1  }
0x99: {  	s19 =	simm.s32 $_scs_section_size  }
0x9a: {  	s4 =	simm.s32 $_size__tile_overlayer_lowered;
	s5 =	simm.s32 $_tile_overlayer_lowered  }
0x9b: {  	s22 =	simm.s32 $0x1BFF;
	s21 =	sshll.u32 s5, $0x1;
	s2 =	sadd.s32 s19, s18  }
0x9c: {  	s6 =	simm.s32 $0x0;
	s20 =	sshll.u32 s4, $0x1;
	s4 =	sadd.s32 s21, s2  }
0x9d: {  	[timem:s6], [sflag:s22] =	dma.local [hbm:s4], s20  }
0x9e: {  	_ =	swait.ge [sflag:s22], s20  }
0x9f: {  	s3 =	ssub.s32 $0x0, s20;
	[sflag:s22] =	ssyncset.done $0x0  }
0xa0: {  	[sflag:s22] =	ssyncadd.s32 s3;
	_ =	sdelay $0x1  }
0xa1: {  	s23 =	simm.s32 $0x1B8B  }
0xa2: {  	_ =	swait.ge [sflag:s23], $0x1  }
0xa3: {  	[sflag:s23] =	ssyncset.done $0x0  }
0xa4: {  	s25 =	simm.s32 $0x1B8E;
	s24 =	sld [smem:$0x3FFE];
	[sflag:s23] =	ssyncadd.s32 $0xFFFFFFFF  }
0xa5: {  	s26 =	simm.s32 $execute0_lowered;
	[smem:$0x3FD2] =	sst s25  }
0xa6: {  	s4 =	sshll.u32 s26, $0x1;
	_ =	strace $0x8000004C;
	[dreg:$0x1] =	wrdreg $0xFFFFFFFF  }
0xa7: {  	s28 =	simm.s32 $_size_execute0_lowered;
	s2 =	sadd.s32 s2, s4;
	[dreg:$0x0] =	wrdreg $0x0  }
0xa8: {  	s4 =	sshll.u32 s28, $0x1;
	[dreg:$0x2] =	wrdreg s2  }
0xa9: {  	[dreg:$0x3] =	wrdreg s4  }
0xaa: {  	[dreg:$0x4] =	wrdreg $0xC0  }
0xab: {  	_ =	task [dreg:s6], $0x5FFFF  }
0xac: {  	[dreg:$0x1] =	wrdreg $0xFFFFFFFF  }
0xad: {  	[dreg:$0x0] =	wrdreg $0x60  }
0xae: {  	[dreg:$0x2] =	wrdreg s24  }
0xaf: {  	[dreg:$0x3] =	wrdreg $0xA8000  }
0xb0: {  	[dreg:$0x4] =	wrdreg $0x9  }
0xb1: {  	_ =	task.clear_ibuf [dreg:s6], $0x5FFFF;
	_ =	strace $0x9000004C  }
0xb2: {  	s29 =	simm.s32 $0x9;
	_ =	strace $0x8000004E  }
0xb3: {  	_ =	swait.ge [sflag:s29], $0x1  }
0xb4: {  	[sflag:s29] =	ssyncadd.s32 $0xFFFFFFFF  }
0xb5: {  	_ =	strace $0x9000004E  }
0xb6: {  	_ =	sfence  }
0xb7: {  	s30 =	sld [smem:$0x0];
	_ =	sdelay $0x2  }
0xb8: {  	s31 =	sshll.u32 s1, $0xD;
	s1 =	sshrl.u32 s1, $0x2  }
0xb9: {  	s3 =	sand.u32 $0x4000, s31;
	s1 =	sadd.s32 s1, s30  }
0xba: {  	s0 =	sor.u32 s3, s0;
	s1 =	sshll.u32 s1, $0x11  }
0xbb: {  	s0 =	sor.u32 s1, s0  }
0xbc: {  	s0 =	sadd.s32 $0x8F2B, s0  }
0xbd: {  	[sflag:s0] =	ssyncadd.remote.s32 $0x1  }
0xbe: {  	_ =	sfence.sel $0xFFFF  }
0xbf: {  	[dreg:$0x0] =	wrdreg $0xFFFFFFFF;
	(pc) =	sbr.abs _section_cstart, $3  }
0xc0: {  	[dreg:$0x1] =	wrdreg $0xFFFFFFFF  }
0xc1: {  	_ =	task.clear_ibuf [dreg:s6], $0x2FFFF;
	_ =	strace $0x9FFFFFFF  }
0xc2: {  	(tm) =	ssettm $0x7FFFFFFF  }
0xc3: {  	_ =	shalt  }
tec
execute0_lowered:
.L_overlay_start_1:
0x0: {  	(tag) =	ssettag $0x1  }
0x1: {  	s0 =	rddreg [dreg:$0x0]  }
0x2: {  	s1 =	rddreg [dreg:$0x1];
	s3 =	simm.s32 $0x0  }
0x3: {  	s2 =	srdreg.scid;
	s20 =	stileid.u32;
	s28 =	simm.s32 $0x1  }
0x4: {  	s29 =	simm.s32 $0x2;
	s30 =	simm.s32 $0x2700;
	s31 =	simm.s32 $0x2780  }
0x5: {  	[smem:$0x7FF] =	sst s3;
	s2 =	sand.u32 $0x1, s2;
	s6 =	smul.u32 $0x14000, s20  }
0x6: {  	s14 =	sadd.s32 $0x21200, s0;
	s15 =	sadd.s32 $0x17200, s0;
	s9 =	smul.u32 $0x2800, s20  }
0x7: {  	s4 =	sadd.s32 $0x2B200, s0;
	p0 =	sne.s32 s20, $0xF;
	s23 =	smul.u32 $0x50000, s20  }
0x8: {  	p2 =	seq.s32 s20, $0xF;
	s18 =	sadd.s32 $0x12C000, s1;
	s19 =	sadd.s32 $0x138800, s1  }
0x9: {  	s25 =	sadd.s32 $0x50A00, s0;
	s5 =	smul.u32 $0x140000, s2;
	_ =	strace $0x8000004D  }
0xa: {  	s21 =	ssub.s32 $0x2, s2;
	s22 =	sshll.u32 s2, $0x4;
	p1 =	seq.s32 s2, $0x0  }
0xb: {  	[dreg:$0x4] =	wrdreg s25;
	s25 =	simm.s32 $0x2800;
	s7 =	sadd.s32 s9, s0  }
0xc: {  	s8 =	sshrl.u32 s21, $0x1;
	s11 =	sor.u32 s20, s22;
	p0 =	por !p1, !p0  }
0xd: {  	p1 =	por !p1, !p2;
	s24 =	sshrl.u32 s23, $0x2;
	s9 =	sadd.s32 s4, s9  }
0xe: {  	s22 =	simm.s32 $0x3;
	s23 =	simm.s32 $0x1400;
	s5 =	sadd.s32 s6, s5  }
0xf: {  	s6 =	ssub.s32 s21, s8;
	p0 =	por !p0, !p0;
	p2 =	por !p1, !p1  }
0x10: {  	s7 =	sadd.s32 $0x52400, s7;
	s8 =	sadd.s32 $0x79500, s0;
	s26 =	smul.u32 $0x500, s11  }
0x11: {  	s5 =	sshrl.u32 s5, $0x3;
	[dreg:$0x3] =	wrdreg s7;
	p1 =	por p2, p0  }
0x12: {  	s11 =	smax.u32 s6, $0x1;
	s10 =	sadd.s32 s5, s0;
	s5 =	sadd.s32 s24, s1  }
0x13: {  	p1 =	seq.s32 @!p1 s2, $0x0;
	s12 =	sadd.s32 s14, s26;
	s13 =	sadd.s32 s15, s26  }
0x14: {  	s0 =	sadd.s32 $0x280, s26;
	s24 =	simm.s32 $0x80;
	s26 =	simm.s32 $0x6800  }
0x15: {  	s10 =	sadd.s32 $0x7A400, s10;
	p1 =	por @!p0 p1, p2;
	s14 =	sadd.s32 s14, s0  }
0x16: {  	s15 =	sadd.s32 s15, s0;
	p2 =	por !p2, p0;
	p1 =	por p1, p0  }
0x17: {  	s21 =	sshrl.u32 @p0 s5, $0x3;
	s18 =	sshrl.u32 @!p2 s18, $0x3;
	s0 =	sshll.u32 @!p1 s20, $0x6  }
0x18: {  	s19 =	sshrl.u32 @!p2 s19, $0x3;
	s16 =	sor.u32 @!p1 $0x1C03, s0;
	s0 =	sshll.u32 @p0 s20, $0x6  }
0x19: {  	s17 =	sshrl.u32 @!p1 s5, $0x3;
	s20 =	sor.u32 @p0 $0x1C03, s0;
	s0 =	simm.s32 $0x0  }
.LBB2_1:
0x1a: {  	s2 =	rddreg [dreg:$0x3]  }
0x1b: {  	[spmem:s17], [sflag:s16] =	dma.local @!p1 [hbm:s2], $0x2800  }
0x1c: {  	s2 =	simm.s32 @!p1 $0x3  }
0x1d: {  	_ =	swait.ge @!p1 [sflag:s2], $0x2800  }
0x1e: {  	[sflag:s2] =	ssyncset.done @!p1 $0x0  }
0x1f: {  	s6 =	rddreg [dreg:$0x4];
	[sflag:s2] =	ssyncadd.s32 @!p1 $0xFFFFD800;
	s2 =	simm.s32 @!p2 $0x1FC3  }
0x20: {  	[spmem:s18], [sflag:s2] =	dma.local @!p2 [hbm:s6], $0x1900  }
0x21: {  	s6 =	simm.s32 @!p2 $0x3  }
0x22: {  	_ =	swait.ge @!p2 [sflag:s6], $0x1900  }
0x23: {  	[sflag:s6] =	ssyncset.done @!p2 $0x0  }
0x24: {  	[sflag:s6] =	ssyncadd.s32 @!p2 $0xFFFFE700  }
0x25: {  	[spmem:s19], [sflag:s2] =	dma.local @!p2 [hbm:s8], $0xF00  }
0x26: {  	_ =	swait.ge @!p2 [sflag:s6], $0xF00  }
0x27: {  	[sflag:s6] =	ssyncset.done @!p2 $0x0  }
0x28: {  	s2 =	simm.s32 @p0 $0x3;
	[sflag:s6] =	ssyncadd.s32 @!p2 $0xFFFFF100  }
0x29: {  	[spmem:s21], [sflag:s20] =	dma.local @p0 [hbm:s9], $0x2800  }
0x2a: {  	_ =	swait.ge @p0 [sflag:s2], $0x2800  }
0x2b: {  	[sflag:s2] =	ssyncset.done @p0 $0x0  }
0x2c: {  	[sflag:s2] =	ssyncadd.s32 @p0 $0xFFFFD800  }
0x2d: {  	[bflag:$0x0] =	sbarrier.arrive $0xFFFF  }
0x2e: {  	[tilespmem:s3], [sflag:$0x3] =	stream.linear.gather [hbm4b:s12+s3], $0x1400, $0x38;
	[tilespmem:$0x1E800] =	vst v63  }
0x2f: {  	_ =	swait.ge [sflag:s22], $0x1400  }
0x30: {  	[sflag:s22] =	ssyncset.done $0x0  }
0x31: {  	[sflag:s22] =	ssyncadd.s32 $0xFFFFEC00  }
0x32: {  	[tilespmem:s23], [sflag:$0x3] =	stream.linear.gather [hbm4b:s13+s3], $0x1400, $0x38;
	[tilespmem:$0x1E800] =	vst v63  }
0x33: {  	_ =	swait.ge [sflag:s22], $0x1400  }
0x34: {  	[sflag:s22] =	ssyncset.done $0x0  }
0x35: {  	[sflag:s22] =	ssyncadd.s32 $0xFFFFEC00  }
0x36: {  	[tilespmem:s25], [sflag:$0x1] =	stream.indirect.gather [hbm4b:s4+s24], $0x80, s3, s24, $0xb8;
	[tilespmem:$0x1E800] =	vst v63  }
0x37: {  	_ = 	snop  }
0x38: {  	[tilespmem:s26], [sflag:$0x2] =	stream.indirect.gather [hbm4b:s4+s24], $0x80, s24, s24, $0xb8;
	[tilespmem:$0x1E800] =	vst v63  }
0x39: {  	_ =	swait.ge [sflag:s28], $0x4000  }
0x3a: {  	[sflag:s28] =	ssyncset.done $0x0  }
0x3b: {  	s7 =	simm.s32 $0x1400;
	[sflag:s28] =	ssyncadd.s32 $0xFFFFC000  }
0x3c: {  	[spmem:s1] =	stream.indirect.scatter.add.f32 [tilespmem:s25], [sflag:$0x3], $0x80, s7, s24, $0xb8;
	[tilespmem:$0x1E800] =	vst v63  }
0x3d: {  	_ =	swait.ge [sflag:s22], $0x4000  }
0x3e: {  	[sflag:s22] =	ssyncset.done $0x0  }
0x3f: {  	s6 =	simm.s32 $0x100;
	[sflag:s22] =	ssyncadd.s32 $0xFFFFC000  }
0x40: {  	[tilespmem:s25], [sflag:$0x1] =	stream.indirect.gather [hbm4b:s4+s24], $0x80, s6, s24, $0xb8;
	[tilespmem:$0x1E800] =	vst v63  }
0x41: {  	_ =	swait.ge [sflag:s29], $0x4000  }
0x42: {  	[sflag:s29] =	ssyncset.done $0x0  }
0x43: {  	s7 =	simm.s32 $0x1480;
	[sflag:s29] =	ssyncadd.s32 $0xFFFFC000  }
0x44: {  	[spmem:s1] =	stream.indirect.scatter.add.f32 [tilespmem:s26], [sflag:$0x3], $0x80, s7, s24, $0xb8;
	[tilespmem:$0x1E800] =	vst v63  }
0x45: {  	_ =	swait.ge [sflag:s22], $0x4000  }
0x46: {  	[sflag:s22] =	ssyncset.done $0x0  }
0x47: {  	s2 =	simm.s32 $0x400;
	s6 =	simm.s32 $0x180;
	[sflag:s22] =	ssyncadd.s32 $0xFFFFC000  }
.LBB2_2:
0x48: {  	[tilespmem:s26], [sflag:$0x2] =	stream.indirect.gather [hbm4b:s4+s24], $0x80, s6, s24, $0xb8;
	[tilespmem:$0x1E800] =	vst v63  }
0x49: {  	s6 =	smov.u32 s2  }
0x4a: {  	p3 =	sne.s32 s2, $0x4800;
	s2 =	sadd.s32 $0x400, s2;
	_ =	swait.ge [sflag:s28], $0x4000  }
0x4b: {  	s6 =	sshra.s32 s6, $0x2;
	[sflag:s28] =	ssyncset.done $0x0  }
0x4c: {  	s7 =	sadd.s32 $0x1400, s6;
	[sflag:s28] =	ssyncadd.s32 $0xFFFFC000  }
0x4d: {  	[spmem:s1] =	stream.indirect.scatter.add.f32 [tilespmem:s25], [sflag:$0x3], $0x80, s7, s24, $0xb8;
	[tilespmem:$0x1E800] =	vst v63  }
0x4e: {  	_ =	swait.ge [sflag:s22], $0x4000  }
0x4f: {  	[sflag:s22] =	ssyncset.done $0x0  }
0x50: {  	s7 =	sadd.s32 $0x100, s6;
	[sflag:s22] =	ssyncadd.s32 $0xFFFFC000  }
0x51: {  	[tilespmem:s25], [sflag:$0x1] =	stream.indirect.gather [hbm4b:s4+s24], $0x80, s7, s24, $0xb8;
	[tilespmem:$0x1E800] =	vst v63  }
0x52: {  	_ =	swait.ge [sflag:s29], $0x4000  }
0x53: {  	[sflag:s29] =	ssyncset.done $0x0  }
.Ltmp0:
0x54: {  	s7 =	sadd.s32 $0x1480, s6;
	[sflag:s29] =	ssyncadd.s32 $0xFFFFC000;
	(pc) =	sbr.rel @p3 .LBB2_2-.Ltmp0, $4  }
0x55: {  	[spmem:s1] =	stream.indirect.scatter.add.f32 [tilespmem:s26], [sflag:$0x3], $0x80, s7, s24, $0xb8;
	[tilespmem:$0x1E800] =	vst v63  }
0x56: {  	_ =	swait.ge [sflag:s22], $0x4000  }
0x57: {  	[sflag:s22] =	ssyncset.done $0x0  }
0x58: {  	s6 =	sadd.s32 $0x180, s6;
	[sflag:s22] =	ssyncadd.s32 $0xFFFFC000  }
0x59: {  	[tilespmem:s26], [sflag:$0x2] =	stream.indirect.gather [hbm4b:s4+s24], $0x80, s6, s24, $0xb8;
	[tilespmem:$0x1E800] =	vst v63  }
0x5a: {  	_ =	swait.ge [sflag:s28], $0x4000  }
0x5b: {  	[sflag:s28] =	ssyncset.done $0x0  }
0x5c: {  	[sflag:s28] =	ssyncadd.s32 $0xFFFFC000  }
0x5d: {  	[spmem:s1] =	stream.indirect.scatter.add.f32 [tilespmem:s25], [sflag:$0x3], $0x80, s30, s24, $0xb8;
	[tilespmem:$0x1E800] =	vst v63  }
0x5e: {  	_ =	swait.ge [sflag:s22], $0x4000  }
0x5f: {  	[sflag:s22] =	ssyncset.done $0x0  }
0x60: {  	[sflag:s22] =	ssyncadd.s32 $0xFFFFC000  }
0x61: {  	_ =	swait.ge [sflag:s29], $0x4000  }
0x62: {  	[sflag:s29] =	ssyncset.done $0x0  }
0x63: {  	[sflag:s29] =	ssyncadd.s32 $0xFFFFC000  }
0x64: {  	[spmem:s1] =	stream.indirect.scatter.add.f32 [tilespmem:s26], [sflag:$0x3], $0x80, s31, s24, $0xb8;
	[tilespmem:$0x1E800] =	vst v63  }
0x65: {  	_ =	swait.ge [sflag:s22], $0x4000  }
0x66: {  	[sflag:s22] =	ssyncset.done $0x0  }
0x67: {  	s2 =	simm.s32 $0x0;
	[sflag:s22] =	ssyncadd.s32 $0xFFFFC000  }
0x68: {  	[tilespmem:s2], [sflag:$0x3] =	stream.linear.gather [hbm4b:s14+s2], $0x1400, $0x38;
	[tilespmem:$0x1E800] =	vst v63  }
0x69: {  	_ =	swait.ge [sflag:s22], $0x1400  }
0x6a: {  	[sflag:s22] =	ssyncset.done $0x0  }
0x6b: {  	[sflag:s22] =	ssyncadd.s32 $0xFFFFEC00  }
0x6c: {  	[tilespmem:s23], [sflag:$0x3] =	stream.linear.gather [hbm4b:s15+s2], $0x1400, $0x38;
	[tilespmem:$0x1E800] =	vst v63  }
0x6d: {  	_ =	swait.ge [sflag:s22], $0x1400  }
0x6e: {  	[sflag:s22] =	ssyncset.done $0x0  }
0x6f: {  	[sflag:s22] =	ssyncadd.s32 $0xFFFFEC00  }
0x70: {  	[tilespmem:s25], [sflag:$0x1] =	stream.indirect.gather [hbm4b:s4+s24], $0x80, s2, s24, $0xb8;
	[tilespmem:$0x1E800] =	vst v63  }
0x71: {  	_ = 	snop  }
0x72: {  	[tilespmem:s26], [sflag:$0x2] =	stream.indirect.gather [hbm4b:s4+s24], $0x80, s24, s24, $0xb8;
	[tilespmem:$0x1E800] =	vst v63  }
0x73: {  	_ =	swait.ge [sflag:s28], $0x4000  }
0x74: {  	[sflag:s28] =	ssyncset.done $0x0  }
0x75: {  	s7 =	simm.s32 $0x1400;
	[sflag:s28] =	ssyncadd.s32 $0xFFFFC000  }
0x76: {  	[spmem:s1] =	stream.indirect.scatter.add.f32 [tilespmem:s25], [sflag:$0x3], $0x80, s7, s24, $0xb8;
	[tilespmem:$0x1E800] =	vst v63  }
0x77: {  	_ =	swait.ge [sflag:s22], $0x4000  }
0x78: {  	[sflag:s22] =	ssyncset.done $0x0  }
0x79: {  	s6 =	simm.s32 $0x100;
	[sflag:s22] =	ssyncadd.s32 $0xFFFFC000  }
0x7a: {  	[tilespmem:s25], [sflag:$0x1] =	stream.indirect.gather [hbm4b:s4+s24], $0x80, s6, s24, $0xb8;
	[tilespmem:$0x1E800] =	vst v63  }
0x7b: {  	_ =	swait.ge [sflag:s29], $0x4000  }
0x7c: {  	[sflag:s29] =	ssyncset.done $0x0  }
0x7d: {  	s7 =	simm.s32 $0x1480;
	[sflag:s29] =	ssyncadd.s32 $0xFFFFC000  }
0x7e: {  	[spmem:s1] =	stream.indirect.scatter.add.f32 [tilespmem:s26], [sflag:$0x3], $0x80, s7, s24, $0xb8;
	[tilespmem:$0x1E800] =	vst v63  }
0x7f: {  	_ =	swait.ge [sflag:s22], $0x4000  }
0x80: {  	[sflag:s22] =	ssyncset.done $0x0  }
0x81: {  	s2 =	simm.s32 $0x400;
	s6 =	simm.s32 $0x180;
	[sflag:s22] =	ssyncadd.s32 $0xFFFFC000  }
.LBB2_4:
0x82: {  	[tilespmem:s26], [sflag:$0x2] =	stream.indirect.gather [hbm4b:s4+s24], $0x80, s6, s24, $0xb8;
	[tilespmem:$0x1E800] =	vst v63  }
0x83: {  	s6 =	smov.u32 s2  }
0x84: {  	p3 =	sne.s32 s2, $0x4800;
	s2 =	sadd.s32 $0x400, s2;
	_ =	swait.ge [sflag:s28], $0x4000  }
0x85: {  	s6 =	sshra.s32 s6, $0x2;
	[sflag:s28] =	ssyncset.done $0x0  }
0x86: {  	s7 =	sadd.s32 $0x1400, s6;
	[sflag:s28] =	ssyncadd.s32 $0xFFFFC000  }
0x87: {  	[spmem:s1] =	stream.indirect.scatter.add.f32 [tilespmem:s25], [sflag:$0x3], $0x80, s7, s24, $0xb8;
	[tilespmem:$0x1E800] =	vst v63  }
0x88: {  	_ =	swait.ge [sflag:s22], $0x4000  }
0x89: {  	[sflag:s22] =	ssyncset.done $0x0  }
0x8a: {  	s7 =	sadd.s32 $0x100, s6;
	[sflag:s22] =	ssyncadd.s32 $0xFFFFC000  }
0x8b: {  	[tilespmem:s25], [sflag:$0x1] =	stream.indirect.gather [hbm4b:s4+s24], $0x80, s7, s24, $0xb8;
	[tilespmem:$0x1E800] =	vst v63  }
0x8c: {  	_ =	swait.ge [sflag:s29], $0x4000  }
0x8d: {  	[sflag:s29] =	ssyncset.done $0x0  }
.Ltmp1:
0x8e: {  	s7 =	sadd.s32 $0x1480, s6;
	[sflag:s29] =	ssyncadd.s32 $0xFFFFC000;
	(pc) =	sbr.rel @p3 .LBB2_4-.Ltmp1, $4  }
0x8f: {  	[spmem:s1] =	stream.indirect.scatter.add.f32 [tilespmem:s26], [sflag:$0x3], $0x80, s7, s24, $0xb8;
	[tilespmem:$0x1E800] =	vst v63  }
0x90: {  	_ =	swait.ge [sflag:s22], $0x4000  }
0x91: {  	[sflag:s22] =	ssyncset.done $0x0  }
0x92: {  	s6 =	sadd.s32 $0x180, s6;
	[sflag:s22] =	ssyncadd.s32 $0xFFFFC000  }
0x93: {  	[tilespmem:s26], [sflag:$0x2] =	stream.indirect.gather [hbm4b:s4+s24], $0x80, s6, s24, $0xb8;
	[tilespmem:$0x1E800] =	vst v63  }
0x94: {  	_ =	swait.ge [sflag:s28], $0x4000  }
0x95: {  	[sflag:s28] =	ssyncset.done $0x0  }
0x96: {  	[sflag:s28] =	ssyncadd.s32 $0xFFFFC000  }
0x97: {  	[spmem:s1] =	stream.indirect.scatter.add.f32 [tilespmem:s25], [sflag:$0x3], $0x80, s30, s24, $0xb8;
	[tilespmem:$0x1E800] =	vst v63  }
0x98: {  	_ =	swait.ge [sflag:s22], $0x4000  }
0x99: {  	[sflag:s22] =	ssyncset.done $0x0  }
0x9a: {  	[sflag:s22] =	ssyncadd.s32 $0xFFFFC000  }
0x9b: {  	_ =	swait.ge [sflag:s29], $0x4000  }
0x9c: {  	[sflag:s29] =	ssyncset.done $0x0  }
0x9d: {  	[sflag:s29] =	ssyncadd.s32 $0xFFFFC000  }
0x9e: {  	[spmem:s1] =	stream.indirect.scatter.add.f32 [tilespmem:s26], [sflag:$0x3], $0x80, s31, s24, $0xb8;
	[tilespmem:$0x1E800] =	vst v63  }
0x9f: {  	s2 =	stileid.u32;
	_ =	swait.ge [sflag:s22], $0x4000  }
0xa0: {  	s7 =	sshrl.u32 s5, $0x3;
	s0 =	sadd.s32 $0x1, s0;
	[sflag:s22] =	ssyncset.done $0x0  }
0xa1: {  	s2 =	sshll.u32 s2, $0x6;
	p3 =	sne.s32 s0, s11;
	[sflag:s22] =	ssyncadd.s32 $0xFFFFC000  }
.Ltmp2:
0xa2: {  	s2 =	sor.u32 $0x1C03, s2;
	[bflag:$0x0] =	sbarrier.arrive $0xFFFF;
	(pc) =	sbr.rel @p3 .LBB2_1-.Ltmp2, $4  }
0xa3: {  	[hbm:s10], [sflag:s2] =	dma.local [spmem:s7], $0x2800  }
0xa4: {  	_ =	swait.ge [sflag:s22], $0x2800  }
0xa5: {  	[sflag:s22] =	ssyncset.done $0x0  }
0xa6: {  	[sflag:s22] =	ssyncadd.s32 $0xFFFFD800  }
0xa7: {  	_ =	sfence.sel $0x180000  }
0xa8: {  	[bflag:$0x0] =	sbarrier.arrive $0xFFFF  }
0xa9: {  	_ =	strace $0x9000004D  }
0xaa: {  	s0 =	stileid.u32;
	[bflag:$0x2] =	sbarrier.arrive $0xFFFF  }
0xab: {  	p0 =	sne.s32 s0, $0x0;
	s0 =	rddreg [dreg:$0x2]  }
0xac: {  	s0 =	sadd.s32 @!p0 $0x100000, s0  }
0xad: {  	[sflag:s0] =	ssyncadd.tile.s32 @!p0 $0x1;
	_ =	shalt  }
.Lfunc_end2:
_tile_overlayer_lowered:
.L_overlay_start_2:
0xae: {  	(tag) =	ssettag $0x2  }
0xaf: {  	s0 =	rddreg [dreg:$0x0];
	s2 =	stileid.u32  }
0xb0: {  	s1 =	rddreg [dreg:$0x1];
	p0 =	sne.s32 s2, $0x0  }
0xb1: {  	s3 =	rddreg [dreg:$0x2];
	[bflag:$0x3] =	sbarrier.arrive $0xFFFF;
	s2 =	simm.s32 @!p0 $0x1C03  }
0xb2: {  	[timem:s3], [sflag:s2] =	dma.local @!p0 [hbm:s0], s1  }
0xb3: {  	s0 =	simm.s32 @!p0 $0x3  }
0xb4: {  	_ =	swait.ge @!p0 [sflag:s0], s1  }
0xb5: {  	s1 =	ssub.s32 @!p0 $0x0, s1;
	[sflag:s0] =	ssyncset.done @!p0 $0x0  }
0xb6: {  	[sflag:s0] =	ssyncadd.s32 @!p0 s1  }
0xb7: {  	[bflag:$0x3] =	sbarrier.arrive $0xFFFF  }
0xb8: {  	_ =	shalt  }

// kernel: kernel.20.cloned.1.call-start
scs
__scs_entry_jumppad:
0x0: {  	(pc) =	sbr.rel $0x88, $3  }
0x1: {  	(tag) =	ssettag $0x0;
	lr =	simm.s32 $0x1  }
0x2: {  	[smem:$0x3F93] =	sst lr;
	_ =	strace $0xD0000000  }
0x3: {  	_ = 	snop  }
0x4: {  	_ = 	snop  }
0x5: {  	_ = 	snop  }
0x6: {  	_ = 	snop  }
0x7: {  	_ = 	snop  }
__scs_overlays_trampoline_lowered:
0x8: {  	[smem:$0x3FA2] =	sst s0  }
0x9: {  	[smem:$0x3FA3] =	sst s1  }
0xa: {  	[smem:$0x3FA4] =	sst s2  }
0xb: {  	[smem:$0x3FA5] =	sst s3  }
0xc: {  	[smem:$0x3FA6] =	sst s4  }
0xd: {  	[smem:$0x3FA7] =	sst s5  }
0xe: {  	[smem:$0x3FA8] =	sst s6  }
0xf: {  	[smem:$0x3FA9] =	sst s7  }
0x10: {  	[smem:$0x3FAA] =	sst s8  }
0x11: {  	[smem:$0x3FAB] =	sst s9;
	s0 =	simm.s32 @!p0 $0x0  }
0x12: {  	s1 =	sld [smem:$0x3F91];
	s0 =	simm.s32 @p0 $0x1  }
0x13: {  	[smem:$0x3FAC] =	sst s0;
	s0 =	simm.s32 @!p1 $0x0  }
0x14: {  	s2 =	sld [smem:$0x3F90];
	s0 =	simm.s32 @p1 $0x1  }
0x15: {  	[smem:$0x3FAD] =	sst s0;
	s0 =	simm.s32 @!p2 $0x0  }
0x16: {  	s3 =	sld [smem:$0x3FDB];
	s0 =	simm.s32 @p2 $0x1  }
0x17: {  	s4 =	simm.s32 $0x1BF5;
	[smem:$0x3FAF] =	sst s0  }
0x18: {  	s0 =	sld [smem:$0x3F92];
	_ =	swait.ge [sflag:s4], $0x0  }
0x19: {  	s7 =	sld [smem:$0x3F93]  }
0x1a: {  	s8 =	sadd.s32 $0xFFFFE003, lr  }
0x1b: {  	s9 =	sadd.s32 $0xFFFFFEF7, lr;
	s5 =	simm.s32 $0xFFFFFFFF;
	p2 =	slt.u32 s8, $0xFFFFF086  }
0x1c: {  	p1 =	slt.u32 s9, $0xF7A;
	s5 =	simm.s32 @!p2 $0x0  }
0x1d: {  	s5 =	simm.s32 @p1 $0x1;
	p0 =	seq.s32 s7, s2  }
0x1e: {  	s7 =	smul.u32 @!p0 $0xF7A, s2;
	p2 =	seq.s32 @!p0 s5, $0x0  }
0x1f: {  	s9 =	smul.u32 $0xF7A, s1;
	s8 =	simm.s32 @!p0 $0x1BF5;
	p2 =	por !p2, p0  }
0x20: {  	[sflag:s8] =	ssyncset.s32 @!p0 $0xFFFFF086;
	s6 =	sadd.s32 @!p0 s3, s7;
	s7 =	simm.s32 @!p0 $0x108  }
0x21: {  	s3 =	sadd.s32 s3, s9;
	s6 =	sadd.s32 @!p0 $0x88, s6;
	s7 =	simm.s32 @p2 $0x1082  }
0x22: {  	[simem:s7], [sflag:s8] =	dma.local @!p0 [hbm:s6], $0xF7A  }
0x23: {  	s9 =	sor.u32 $0xD0000000, s2;
	s6 =	simm.s32 $0x108;
	_ =	swait.ge @!p0 [sflag:s8], $0x0  }
0x24: {  	s3 =	sadd.s32 $0x88, s3;
	s6 =	simm.s32 @!p1 $0x1082;
	[sflag:s4] =	ssyncset.s32 $0xFFFFF086  }
0x25: {  	[simem:s6], [sflag:s4] =	dma.local [hbm:s3], $0xF7A  }
0x26: {  	[smem:$0x3F93] =	sst s1;
	(tag) =	ssettag s2;
	_ =	strace s9  }
0x27: {  	s1 =	sld [smem:$0x3FA3]  }
0x28: {  	s2 =	sld [smem:$0x3FA4]  }
0x29: {  	s4 =	sld [smem:$0x3FA6]  }
0x2a: {  	p0 =	seq.s32 s5, $0x0;
	s5 =	sld [smem:$0x3FA7]  }
0x2b: {  	s6 =	sld [smem:$0x3FA8]  }
0x2c: {  	s7 =	sld [smem:$0x3FA9]  }
0x2d: {  	s3 =	simm.s32 $0x108;
	s8 =	sld [smem:$0x3FAA]  }
0x2e: {  	s3 =	simm.s32 @!p0 $0x1082;
	s9 =	sld [smem:$0x3FAB]  }
0x2f: {  	lr =	sadd.s32 s0, s3;
	s0 =	sld [smem:$0x3FA2]  }
0x30: {  	s3 =	sld [smem:$0x3FA5]  }
0x31: {  	[smem:$0x3FAE] =	sst s10  }
0x32: {  	s10 =	sld [smem:$0x3FAC];
	_ =	sdelay $0x3  }
0x33: {  	p0 =	seq.s32 s10, $0x1;
	s10 =	sld [smem:$0x3FAE];
	_ =	sdelay $0x3  }
0x34: {  	[smem:$0x3FAE] =	sst s10  }
0x35: {  	s10 =	sld [smem:$0x3FAD];
	_ =	sdelay $0x3  }
0x36: {  	p1 =	seq.s32 s10, $0x1;
	s10 =	sld [smem:$0x3FAE];
	_ =	sdelay $0x3  }
0x37: {  	[smem:$0x3FAE] =	sst s10  }
0x38: {  	s10 =	sld [smem:$0x3FAF]  }
0x39: {  	_ = 	snop;
	(pc) =	sbr.ind lr, $3  }
0x3a: {  	_ = 	snop  }
0x3b: {  	_ = 	snop  }
0x3c: {  	p2 =	seq.s32 s10, $0x1;
	s10 =	sld [smem:$0x3FAE]  }
0x3d: {  	_ =	shalt  }
0x3e: {  	_ =	shalt  }
0x3f: {  	_ =	shalt  }
0x40: {  	_ =	shalt  }
0x41: {  	_ =	shalt  }
0x42: {  	_ =	shalt  }
0x43: {  	_ =	shalt  }
0x44: {  	_ =	shalt  }
0x45: {  	_ =	shalt  }
0x46: {  	_ =	shalt  }
0x47: {  	_ =	shalt  }
0x48: {  	_ =	shalt  }
0x49: {  	_ =	shalt  }
0x4a: {  	_ =	shalt  }
0x4b: {  	_ =	shalt  }
0x4c: {  	_ =	shalt  }
0x4d: {  	_ =	shalt  }
0x4e: {  	_ =	shalt  }
0x4f: {  	_ =	shalt  }
0x50: {  	_ =	shalt  }
0x51: {  	_ =	shalt  }
0x52: {  	_ =	shalt  }
0x53: {  	_ =	shalt  }
0x54: {  	_ =	shalt  }
0x55: {  	_ =	shalt  }
0x56: {  	_ =	shalt  }
0x57: {  	_ =	shalt  }
0x58: {  	_ =	shalt  }
0x59: {  	_ =	shalt  }
0x5a: {  	_ =	shalt  }
0x5b: {  	_ =	shalt  }
0x5c: {  	_ =	shalt  }
0x5d: {  	_ =	shalt  }
0x5e: {  	_ =	shalt  }
0x5f: {  	_ =	shalt  }
0x60: {  	_ =	shalt  }
0x61: {  	_ =	shalt  }
0x62: {  	_ =	shalt  }
0x63: {  	_ =	shalt  }
0x64: {  	_ =	shalt  }
0x65: {  	_ =	shalt  }
0x66: {  	_ =	shalt  }
0x67: {  	_ =	shalt  }
0x68: {  	_ =	shalt  }
0x69: {  	_ =	shalt  }
0x6a: {  	_ =	shalt  }
0x6b: {  	_ =	shalt  }
0x6c: {  	_ =	shalt  }
0x6d: {  	_ =	shalt  }
0x6e: {  	_ =	shalt  }
0x6f: {  	_ =	shalt  }
0x70: {  	_ =	shalt  }
0x71: {  	_ =	shalt  }
0x72: {  	_ =	shalt  }
0x73: {  	_ =	shalt  }
0x74: {  	_ =	shalt  }
0x75: {  	_ =	shalt  }
0x76: {  	_ =	shalt  }
0x77: {  	_ =	shalt  }
0x78: {  	_ =	shalt  }
0x79: {  	_ =	shalt  }
0x7a: {  	_ =	shalt  }
0x7b: {  	_ =	shalt  }
0x7c: {  	_ =	shalt  }
0x7d: {  	_ =	shalt  }
0x7e: {  	_ =	shalt  }
0x7f: {  	_ =	shalt  }
0x80: {  	_ =	shalt  }
0x81: {  	_ =	shalt  }
0x82: {  	_ =	shalt  }
0x83: {  	_ =	shalt  }
0x84: {  	_ =	shalt  }
0x85: {  	_ =	shalt  }
0x86: {  	_ =	shalt  }
0x87: {  	_ =	shalt  }
.Lfunc_end0:
.L_simem_size_0:
called_computation.3_lowered:
.L_overlay_start_0:
0x88: {  	s2 =	sld [smem:$0x3FD9]  }
0x89: {  	s3 =	sld [smem:$0x3FFE];
	_ =	sdelay $0x1  }
0x8a: {  	s1 =	srdreg.scid  }
0x8b: {  	s0 =	sand.u32 $0x1, s1  }
0x8c: {  	s16 =	sshll.u32 s0, $0xA;
	s2 =	sadd.s32 s3, s2  }
0x8d: {  	s2 =	sadd.s32 s2, s16  }
0x8e: {  	[smem:$0x3FBA] =	sst s2  }
0x8f: {  	_ = 	snop  }
0x90: {  	(tm) =	ssettm $0x1  }
0x91: {  	s17 =	sld [smem:$0x3FFB];
	_ =	sdelay $0x3  }
0x92: {  	_ =	strace s17  }
0x93: {  	s2 =	sld [smem:$0x3FFC];
	_ =	sdelay $0x3  }
0x94: {  	_ =	strace s2  }
0x95: {  	s2 =	sld [smem:$0x3FFD];
	_ =	sdelay $0x3  }
0x96: {  	_ =	strace s2  }
0x97: {  	_ =	strace $0x8FFFFFFF  }
0x98: {  	s18 =	sld [smem:$0x3FDB];
	_ =	sdelay $0x1  }
0x99: {  	s19 =	simm.s32 $_scs_section_size  }
0x9a: {  	s4 =	simm.s32 $_size__tile_overlayer_lowered;
	s5 =	simm.s32 $_tile_overlayer_lowered  }
0x9b: {  	s22 =	simm.s32 $0x1BFF;
	s21 =	sshll.u32 s5, $0x1;
	s2 =	sadd.s32 s19, s18  }
0x9c: {  	s6 =	simm.s32 $0x0;
	s20 =	sshll.u32 s4, $0x1;
	s4 =	sadd.s32 s21, s2  }
0x9d: {  	[timem:s6], [sflag:s22] =	dma.local [hbm:s4], s20  }
0x9e: {  	_ =	swait.ge [sflag:s22], s20  }
0x9f: {  	s3 =	ssub.s32 $0x0, s20;
	[sflag:s22] =	ssyncset.done $0x0  }
0xa0: {  	[sflag:s22] =	ssyncadd.s32 s3;
	_ =	sdelay $0x1  }
0xa1: {  	s23 =	simm.s32 $0x1B8B  }
0xa2: {  	_ =	swait.ge [sflag:s23], $0x1  }
0xa3: {  	[sflag:s23] =	ssyncset.done $0x0  }
0xa4: {  	s25 =	simm.s32 $0x1B8E;
	s24 =	sld [smem:$0x3FFE];
	[sflag:s23] =	ssyncadd.s32 $0xFFFFFFFF  }
0xa5: {  	s26 =	simm.s32 $execute0_lowered;
	[smem:$0x3FD2] =	sst s25  }
0xa6: {  	s4 =	sshll.u32 s26, $0x1;
	_ =	strace $0x8000004F;
	[dreg:$0x1] =	wrdreg $0xFFFFFFFF  }
0xa7: {  	s28 =	simm.s32 $_size_execute0_lowered;
	s2 =	sadd.s32 s2, s4;
	[dreg:$0x0] =	wrdreg $0x0  }
0xa8: {  	s4 =	sshll.u32 s28, $0x1;
	[dreg:$0x2] =	wrdreg s2  }
0xa9: {  	[dreg:$0x3] =	wrdreg s4  }
0xaa: {  	[dreg:$0x4] =	wrdreg $0xC0  }
0xab: {  	_ =	task [dreg:s6], $0x5FFFF  }
0xac: {  	[dreg:$0x1] =	wrdreg $0xFFFFFFFF  }
0xad: {  	[dreg:$0x0] =	wrdreg $0x60  }
0xae: {  	[dreg:$0x2] =	wrdreg s24  }
0xaf: {  	[dreg:$0x3] =	wrdreg $0xA8000  }
0xb0: {  	[dreg:$0x4] =	wrdreg $0x9  }
0xb1: {  	_ =	task.clear_ibuf [dreg:s6], $0x5FFFF;
	_ =	strace $0x9000004F  }
0xb2: {  	s29 =	simm.s32 $0x9;
	_ =	strace $0x80000051  }
0xb3: {  	_ =	swait.ge [sflag:s29], $0x1  }
0xb4: {  	[sflag:s29] =	ssyncadd.s32 $0xFFFFFFFF  }
0xb5: {  	_ =	strace $0x90000051  }
0xb6: {  	_ =	sfence  }
0xb7: {  	s30 =	sld [smem:$0x0];
	_ =	sdelay $0x2  }
0xb8: {  	s31 =	sshll.u32 s1, $0xD;
	s1 =	sshrl.u32 s1, $0x2  }
0xb9: {  	s3 =	sand.u32 $0x4000, s31;
	s1 =	sadd.s32 s1, s30  }
0xba: {  	s0 =	sor.u32 s3, s0;
	s1 =	sshll.u32 s1, $0x11  }
0xbb: {  	s0 =	sor.u32 s1, s0  }
0xbc: {  	s0 =	sadd.s32 $0x8F2B, s0  }
0xbd: {  	[sflag:s0] =	ssyncadd.remote.s32 $0x1  }
0xbe: {  	_ =	sfence.sel $0xFFFF  }
0xbf: {  	[dreg:$0x0] =	wrdreg $0xFFFFFFFF;
	(pc) =	sbr.abs _section_cstart, $3  }
0xc0: {  	[dreg:$0x1] =	wrdreg $0xFFFFFFFF  }
0xc1: {  	_ =	task.clear_ibuf [dreg:s6], $0x2FFFF;
	_ =	strace $0x9FFFFFFF  }
0xc2: {  	(tm) =	ssettm $0x7FFFFFFF  }
0xc3: {  	_ =	shalt  }
tec
execute0_lowered:
.L_overlay_start_1:
0x0: {  	(tag) =	ssettag $0x1  }
0x1: {  	s0 =	rddreg [dreg:$0x0]  }
0x2: {  	s1 =	rddreg [dreg:$0x1];
	s3 =	simm.s32 $0x0  }
0x3: {  	s2 =	srdreg.scid;
	s20 =	stileid.u32;
	s28 =	simm.s32 $0x1  }
0x4: {  	s29 =	simm.s32 $0x2;
	s30 =	simm.s32 $0x2700;
	s31 =	simm.s32 $0x2780  }
0x5: {  	[smem:$0x7FF] =	sst s3;
	s2 =	sand.u32 $0x1, s2;
	s6 =	smul.u32 $0x14000, s20  }
0x6: {  	s14 =	sadd.s32 $0x21200, s0;
	s15 =	sadd.s32 $0x17200, s0;
	s9 =	smul.u32 $0x2800, s20  }
0x7: {  	s4 =	sadd.s32 $0x2B200, s0;
	p0 =	sne.s32 s20, $0xF;
	s23 =	smul.u32 $0x50000, s20  }
0x8: {  	p2 =	seq.s32 s20, $0xF;
	s18 =	sadd.s32 $0x12C000, s1;
	s19 =	sadd.s32 $0x138800, s1  }
0x9: {  	s25 =	sadd.s32 $0x50A00, s0;
	s5 =	smul.u32 $0x140000, s2;
	_ =	strace $0x80000050  }
0xa: {  	s21 =	ssub.s32 $0x2, s2;
	s22 =	sshll.u32 s2, $0x4;
	p1 =	seq.s32 s2, $0x0  }
0xb: {  	[dreg:$0x4] =	wrdreg s25;
	s25 =	simm.s32 $0x2800;
	s7 =	sadd.s32 s9, s0  }
0xc: {  	s8 =	sshrl.u32 s21, $0x1;
	s11 =	sor.u32 s20, s22;
	p0 =	por !p1, !p0  }
0xd: {  	p1 =	por !p1, !p2;
	s24 =	sshrl.u32 s23, $0x2;
	s9 =	sadd.s32 s4, s9  }
0xe: {  	s22 =	simm.s32 $0x3;
	s23 =	simm.s32 $0x1400;
	s5 =	sadd.s32 s6, s5  }
0xf: {  	s6 =	ssub.s32 s21, s8;
	p0 =	por !p0, !p0;
	p2 =	por !p1, !p1  }
0x10: {  	s7 =	sadd.s32 $0x52400, s7;
	s8 =	sadd.s32 $0x79500, s0;
	s26 =	smul.u32 $0x500, s11  }
0x11: {  	s5 =	sshrl.u32 s5, $0x3;
	[dreg:$0x3] =	wrdreg s7;
	p1 =	por p2, p0  }
0x12: {  	s11 =	smax.u32 s6, $0x1;
	s10 =	sadd.s32 s5, s0;
	s5 =	sadd.s32 s24, s1  }
0x13: {  	p1 =	seq.s32 @!p1 s2, $0x0;
	s12 =	sadd.s32 s14, s26;
	s13 =	sadd.s32 s15, s26  }
0x14: {  	s0 =	sadd.s32 $0x280, s26;
	s24 =	simm.s32 $0x80;
	s26 =	simm.s32 $0x6800  }
0x15: {  	s10 =	sadd.s32 $0x7A400, s10;
	p1 =	por @!p0 p1, p2;
	s14 =	sadd.s32 s14, s0  }
0x16: {  	s15 =	sadd.s32 s15, s0;
	p2 =	por !p2, p0;
	p1 =	por p1, p0  }
0x17: {  	s21 =	sshrl.u32 @p0 s5, $0x3;
	s18 =	sshrl.u32 @!p2 s18, $0x3;
	s0 =	sshll.u32 @!p1 s20, $0x6  }
0x18: {  	s19 =	sshrl.u32 @!p2 s19, $0x3;
	s16 =	sor.u32 @!p1 $0x1C03, s0;
	s0 =	sshll.u32 @p0 s20, $0x6  }
0x19: {  	s17 =	sshrl.u32 @!p1 s5, $0x3;
	s20 =	sor.u32 @p0 $0x1C03, s0;
	s0 =	simm.s32 $0x0  }
.LBB2_1:
0x1a: {  	s2 =	rddreg [dreg:$0x3]  }
0x1b: {  	[spmem:s17], [sflag:s16] =	dma.local @!p1 [hbm:s2], $0x2800  }
0x1c: {  	s2 =	simm.s32 @!p1 $0x3  }
0x1d: {  	_ =	swait.ge @!p1 [sflag:s2], $0x2800  }
0x1e: {  	[sflag:s2] =	ssyncset.done @!p1 $0x0  }
0x1f: {  	s6 =	rddreg [dreg:$0x4];
	[sflag:s2] =	ssyncadd.s32 @!p1 $0xFFFFD800;
	s2 =	simm.s32 @!p2 $0x1FC3  }
0x20: {  	[spmem:s18], [sflag:s2] =	dma.local @!p2 [hbm:s6], $0x1900  }
0x21: {  	s6 =	simm.s32 @!p2 $0x3  }
0x22: {  	_ =	swait.ge @!p2 [sflag:s6], $0x1900  }
0x23: {  	[sflag:s6] =	ssyncset.done @!p2 $0x0  }
0x24: {  	[sflag:s6] =	ssyncadd.s32 @!p2 $0xFFFFE700  }
0x25: {  	[spmem:s19], [sflag:s2] =	dma.local @!p2 [hbm:s8], $0xF00  }
0x26: {  	_ =	swait.ge @!p2 [sflag:s6], $0xF00  }
0x27: {  	[sflag:s6] =	ssyncset.done @!p2 $0x0  }
0x28: {  	s2 =	simm.s32 @p0 $0x3;
	[sflag:s6] =	ssyncadd.s32 @!p2 $0xFFFFF100  }
0x29: {  	[spmem:s21], [sflag:s20] =	dma.local @p0 [hbm:s9], $0x2800  }
0x2a: {  	_ =	swait.ge @p0 [sflag:s2], $0x2800  }
0x2b: {  	[sflag:s2] =	ssyncset.done @p0 $0x0  }
0x2c: {  	[sflag:s2] =	ssyncadd.s32 @p0 $0xFFFFD800  }
0x2d: {  	[bflag:$0x0] =	sbarrier.arrive $0xFFFF  }
0x2e: {  	[tilespmem:s3], [sflag:$0x3] =	stream.linear.gather [hbm4b:s12+s3], $0x1400, $0x38;
	[tilespmem:$0x1E800] =	vst v63  }
0x2f: {  	_ =	swait.ge [sflag:s22], $0x1400  }
0x30: {  	[sflag:s22] =	ssyncset.done $0x0  }
0x31: {  	[sflag:s22] =	ssyncadd.s32 $0xFFFFEC00  }
0x32: {  	[tilespmem:s23], [sflag:$0x3] =	stream.linear.gather [hbm4b:s13+s3], $0x1400, $0x38;
	[tilespmem:$0x1E800] =	vst v63  }
0x33: {  	_ =	swait.ge [sflag:s22], $0x1400  }
0x34: {  	[sflag:s22] =	ssyncset.done $0x0  }
0x35: {  	[sflag:s22] =	ssyncadd.s32 $0xFFFFEC00  }
0x36: {  	[tilespmem:s25], [sflag:$0x1] =	stream.indirect.gather [hbm4b:s4+s24], $0x80, s3, s24, $0xb8;
	[tilespmem:$0x1E800] =	vst v63  }
0x37: {  	_ = 	snop  }
0x38: {  	[tilespmem:s26], [sflag:$0x2] =	stream.indirect.gather [hbm4b:s4+s24], $0x80, s24, s24, $0xb8;
	[tilespmem:$0x1E800] =	vst v63  }
0x39: {  	_ =	swait.ge [sflag:s28], $0x4000  }
0x3a: {  	[sflag:s28] =	ssyncset.done $0x0  }
0x3b: {  	s7 =	simm.s32 $0x1400;
	[sflag:s28] =	ssyncadd.s32 $0xFFFFC000  }
0x3c: {  	[spmem:s1] =	stream.indirect.scatter.add.f32 [tilespmem:s25], [sflag:$0x3], $0x80, s7, s24, $0xb8;
	[tilespmem:$0x1E800] =	vst v63  }
0x3d: {  	_ =	swait.ge [sflag:s22], $0x4000  }
0x3e: {  	[sflag:s22] =	ssyncset.done $0x0  }
0x3f: {  	s6 =	simm.s32 $0x100;
	[sflag:s22] =	ssyncadd.s32 $0xFFFFC000  }
0x40: {  	[tilespmem:s25], [sflag:$0x1] =	stream.indirect.gather [hbm4b:s4+s24], $0x80, s6, s24, $0xb8;
	[tilespmem:$0x1E800] =	vst v63  }
0x41: {  	_ =	swait.ge [sflag:s29], $0x4000  }
0x42: {  	[sflag:s29] =	ssyncset.done $0x0  }
0x43: {  	s7 =	simm.s32 $0x1480;
	[sflag:s29] =	ssyncadd.s32 $0xFFFFC000  }
0x44: {  	[spmem:s1] =	stream.indirect.scatter.add.f32 [tilespmem:s26], [sflag:$0x3], $0x80, s7, s24, $0xb8;
	[tilespmem:$0x1E800] =	vst v63  }
0x45: {  	_ =	swait.ge [sflag:s22], $0x4000  }
0x46: {  	[sflag:s22] =	ssyncset.done $0x0  }
0x47: {  	s2 =	simm.s32 $0x400;
	s6 =	simm.s32 $0x180;
	[sflag:s22] =	ssyncadd.s32 $0xFFFFC000  }
.LBB2_2:
0x48: {  	[tilespmem:s26], [sflag:$0x2] =	stream.indirect.gather [hbm4b:s4+s24], $0x80, s6, s24, $0xb8;
	[tilespmem:$0x1E800] =	vst v63  }
0x49: {  	s6 =	smov.u32 s2  }
0x4a: {  	p3 =	sne.s32 s2, $0x4800;
	s2 =	sadd.s32 $0x400, s2;
	_ =	swait.ge [sflag:s28], $0x4000  }
0x4b: {  	s6 =	sshra.s32 s6, $0x2;
	[sflag:s28] =	ssyncset.done $0x0  }
0x4c: {  	s7 =	sadd.s32 $0x1400, s6;
	[sflag:s28] =	ssyncadd.s32 $0xFFFFC000  }
0x4d: {  	[spmem:s1] =	stream.indirect.scatter.add.f32 [tilespmem:s25], [sflag:$0x3], $0x80, s7, s24, $0xb8;
	[tilespmem:$0x1E800] =	vst v63  }
0x4e: {  	_ =	swait.ge [sflag:s22], $0x4000  }
0x4f: {  	[sflag:s22] =	ssyncset.done $0x0  }
0x50: {  	s7 =	sadd.s32 $0x100, s6;
	[sflag:s22] =	ssyncadd.s32 $0xFFFFC000  }
0x51: {  	[tilespmem:s25], [sflag:$0x1] =	stream.indirect.gather [hbm4b:s4+s24], $0x80, s7, s24, $0xb8;
	[tilespmem:$0x1E800] =	vst v63  }
0x52: {  	_ =	swait.ge [sflag:s29], $0x4000  }
0x53: {  	[sflag:s29] =	ssyncset.done $0x0  }
.Ltmp0:
0x54: {  	s7 =	sadd.s32 $0x1480, s6;
	[sflag:s29] =	ssyncadd.s32 $0xFFFFC000;
	(pc) =	sbr.rel @p3 .LBB2_2-.Ltmp0, $4  }
0x55: {  	[spmem:s1] =	stream.indirect.scatter.add.f32 [tilespmem:s26], [sflag:$0x3], $0x80, s7, s24, $0xb8;
	[tilespmem:$0x1E800] =	vst v63  }
0x56: {  	_ =	swait.ge [sflag:s22], $0x4000  }
0x57: {  	[sflag:s22] =	ssyncset.done $0x0  }
0x58: {  	s6 =	sadd.s32 $0x180, s6;
	[sflag:s22] =	ssyncadd.s32 $0xFFFFC000  }
0x59: {  	[tilespmem:s26], [sflag:$0x2] =	stream.indirect.gather [hbm4b:s4+s24], $0x80, s6, s24, $0xb8;
	[tilespmem:$0x1E800] =	vst v63  }
0x5a: {  	_ =	swait.ge [sflag:s28], $0x4000  }
0x5b: {  	[sflag:s28] =	ssyncset.done $0x0  }
0x5c: {  	[sflag:s28] =	ssyncadd.s32 $0xFFFFC000  }
0x5d: {  	[spmem:s1] =	stream.indirect.scatter.add.f32 [tilespmem:s25], [sflag:$0x3], $0x80, s30, s24, $0xb8;
	[tilespmem:$0x1E800] =	vst v63  }
0x5e: {  	_ =	swait.ge [sflag:s22], $0x4000  }
0x5f: {  	[sflag:s22] =	ssyncset.done $0x0  }
0x60: {  	[sflag:s22] =	ssyncadd.s32 $0xFFFFC000  }
0x61: {  	_ =	swait.ge [sflag:s29], $0x4000  }
0x62: {  	[sflag:s29] =	ssyncset.done $0x0  }
0x63: {  	[sflag:s29] =	ssyncadd.s32 $0xFFFFC000  }
0x64: {  	[spmem:s1] =	stream.indirect.scatter.add.f32 [tilespmem:s26], [sflag:$0x3], $0x80, s31, s24, $0xb8;
	[tilespmem:$0x1E800] =	vst v63  }
0x65: {  	_ =	swait.ge [sflag:s22], $0x4000  }
0x66: {  	[sflag:s22] =	ssyncset.done $0x0  }
0x67: {  	s2 =	simm.s32 $0x0;
	[sflag:s22] =	ssyncadd.s32 $0xFFFFC000  }
0x68: {  	[tilespmem:s2], [sflag:$0x3] =	stream.linear.gather [hbm4b:s14+s2], $0x1400, $0x38;
	[tilespmem:$0x1E800] =	vst v63  }
0x69: {  	_ =	swait.ge [sflag:s22], $0x1400  }
0x6a: {  	[sflag:s22] =	ssyncset.done $0x0  }
0x6b: {  	[sflag:s22] =	ssyncadd.s32 $0xFFFFEC00  }
0x6c: {  	[tilespmem:s23], [sflag:$0x3] =	stream.linear.gather [hbm4b:s15+s2], $0x1400, $0x38;
	[tilespmem:$0x1E800] =	vst v63  }
0x6d: {  	_ =	swait.ge [sflag:s22], $0x1400  }
0x6e: {  	[sflag:s22] =	ssyncset.done $0x0  }
0x6f: {  	[sflag:s22] =	ssyncadd.s32 $0xFFFFEC00  }
0x70: {  	[tilespmem:s25], [sflag:$0x1] =	stream.indirect.gather [hbm4b:s4+s24], $0x80, s2, s24, $0xb8;
	[tilespmem:$0x1E800] =	vst v63  }
0x71: {  	_ = 	snop  }
0x72: {  	[tilespmem:s26], [sflag:$0x2] =	stream.indirect.gather [hbm4b:s4+s24], $0x80, s24, s24, $0xb8;
	[tilespmem:$0x1E800] =	vst v63  }
0x73: {  	_ =	swait.ge [sflag:s28], $0x4000  }
0x74: {  	[sflag:s28] =	ssyncset.done $0x0  }
0x75: {  	s7 =	simm.s32 $0x1400;
	[sflag:s28] =	ssyncadd.s32 $0xFFFFC000  }
0x76: {  	[spmem:s1] =	stream.indirect.scatter.add.f32 [tilespmem:s25], [sflag:$0x3], $0x80, s7, s24, $0xb8;
	[tilespmem:$0x1E800] =	vst v63  }
0x77: {  	_ =	swait.ge [sflag:s22], $0x4000  }
0x78: {  	[sflag:s22] =	ssyncset.done $0x0  }
0x79: {  	s6 =	simm.s32 $0x100;
	[sflag:s22] =	ssyncadd.s32 $0xFFFFC000  }
0x7a: {  	[tilespmem:s25], [sflag:$0x1] =	stream.indirect.gather [hbm4b:s4+s24], $0x80, s6, s24, $0xb8;
	[tilespmem:$0x1E800] =	vst v63  }
0x7b: {  	_ =	swait.ge [sflag:s29], $0x4000  }
0x7c: {  	[sflag:s29] =	ssyncset.done $0x0  }
0x7d: {  	s7 =	simm.s32 $0x1480;
	[sflag:s29] =	ssyncadd.s32 $0xFFFFC000  }
0x7e: {  	[spmem:s1] =	stream.indirect.scatter.add.f32 [tilespmem:s26], [sflag:$0x3], $0x80, s7, s24, $0xb8;
	[tilespmem:$0x1E800] =	vst v63  }
0x7f: {  	_ =	swait.ge [sflag:s22], $0x4000  }
0x80: {  	[sflag:s22] =	ssyncset.done $0x0  }
0x81: {  	s2 =	simm.s32 $0x400;
	s6 =	simm.s32 $0x180;
	[sflag:s22] =	ssyncadd.s32 $0xFFFFC000  }
.LBB2_4:
0x82: {  	[tilespmem:s26], [sflag:$0x2] =	stream.indirect.gather [hbm4b:s4+s24], $0x80, s6, s24, $0xb8;
	[tilespmem:$0x1E800] =	vst v63  }
0x83: {  	s6 =	smov.u32 s2  }
0x84: {  	p3 =	sne.s32 s2, $0x4800;
	s2 =	sadd.s32 $0x400, s2;
	_ =	swait.ge [sflag:s28], $0x4000  }
0x85: {  	s6 =	sshra.s32 s6, $0x2;
	[sflag:s28] =	ssyncset.done $0x0  }
0x86: {  	s7 =	sadd.s32 $0x1400, s6;
	[sflag:s28] =	ssyncadd.s32 $0xFFFFC000  }
0x87: {  	[spmem:s1] =	stream.indirect.scatter.add.f32 [tilespmem:s25], [sflag:$0x3], $0x80, s7, s24, $0xb8;
	[tilespmem:$0x1E800] =	vst v63  }
0x88: {  	_ =	swait.ge [sflag:s22], $0x4000  }
0x89: {  	[sflag:s22] =	ssyncset.done $0x0  }
0x8a: {  	s7 =	sadd.s32 $0x100, s6;
	[sflag:s22] =	ssyncadd.s32 $0xFFFFC000  }
0x8b: {  	[tilespmem:s25], [sflag:$0x1] =	stream.indirect.gather [hbm4b:s4+s24], $0x80, s7, s24, $0xb8;
	[tilespmem:$0x1E800] =	vst v63  }
0x8c: {  	_ =	swait.ge [sflag:s29], $0x4000  }
0x8d: {  	[sflag:s29] =	ssyncset.done $0x0  }
.Ltmp1:
0x8e: {  	s7 =	sadd.s32 $0x1480, s6;
	[sflag:s29] =	ssyncadd.s32 $0xFFFFC000;
	(pc) =	sbr.rel @p3 .LBB2_4-.Ltmp1, $4  }
0x8f: {  	[spmem:s1] =	stream.indirect.scatter.add.f32 [tilespmem:s26], [sflag:$0x3], $0x80, s7, s24, $0xb8;
	[tilespmem:$0x1E800] =	vst v63  }
0x90: {  	_ =	swait.ge [sflag:s22], $0x4000  }
0x91: {  	[sflag:s22] =	ssyncset.done $0x0  }
0x92: {  	s6 =	sadd.s32 $0x180, s6;
	[sflag:s22] =	ssyncadd.s32 $0xFFFFC000  }
0x93: {  	[tilespmem:s26], [sflag:$0x2] =	stream.indirect.gather [hbm4b:s4+s24], $0x80, s6, s24, $0xb8;
	[tilespmem:$0x1E800] =	vst v63  }
0x94: {  	_ =	swait.ge [sflag:s28], $0x4000  }
0x95: {  	[sflag:s28] =	ssyncset.done $0x0  }
0x96: {  	[sflag:s28] =	ssyncadd.s32 $0xFFFFC000  }
0x97: {  	[spmem:s1] =	stream.indirect.scatter.add.f32 [tilespmem:s25], [sflag:$0x3], $0x80, s30, s24, $0xb8;
	[tilespmem:$0x1E800] =	vst v63  }
0x98: {  	_ =	swait.ge [sflag:s22], $0x4000  }
0x99: {  	[sflag:s22] =	ssyncset.done $0x0  }
0x9a: {  	[sflag:s22] =	ssyncadd.s32 $0xFFFFC000  }
0x9b: {  	_ =	swait.ge [sflag:s29], $0x4000  }
0x9c: {  	[sflag:s29] =	ssyncset.done $0x0  }
0x9d: {  	[sflag:s29] =	ssyncadd.s32 $0xFFFFC000  }
0x9e: {  	[spmem:s1] =	stream.indirect.scatter.add.f32 [tilespmem:s26], [sflag:$0x3], $0x80, s31, s24, $0xb8;
	[tilespmem:$0x1E800] =	vst v63  }
0x9f: {  	s2 =	stileid.u32;
	_ =	swait.ge [sflag:s22], $0x4000  }
0xa0: {  	s7 =	sshrl.u32 s5, $0x3;
	s0 =	sadd.s32 $0x1, s0;
	[sflag:s22] =	ssyncset.done $0x0  }
0xa1: {  	s2 =	sshll.u32 s2, $0x6;
	p3 =	sne.s32 s0, s11;
	[sflag:s22] =	ssyncadd.s32 $0xFFFFC000  }
.Ltmp2:
0xa2: {  	s2 =	sor.u32 $0x1C03, s2;
	[bflag:$0x0] =	sbarrier.arrive $0xFFFF;
	(pc) =	sbr.rel @p3 .LBB2_1-.Ltmp2, $4  }
0xa3: {  	[hbm:s10], [sflag:s2] =	dma.local [spmem:s7], $0x2800  }
0xa4: {  	_ =	swait.ge [sflag:s22], $0x2800  }
0xa5: {  	[sflag:s22] =	ssyncset.done $0x0  }
0xa6: {  	[sflag:s22] =	ssyncadd.s32 $0xFFFFD800  }
0xa7: {  	_ =	sfence.sel $0x180000  }
0xa8: {  	[bflag:$0x0] =	sbarrier.arrive $0xFFFF  }
0xa9: {  	_ =	strace $0x90000050  }
0xaa: {  	s0 =	stileid.u32;
	[bflag:$0x2] =	sbarrier.arrive $0xFFFF  }
0xab: {  	p0 =	sne.s32 s0, $0x0;
	s0 =	rddreg [dreg:$0x2]  }
0xac: {  	s0 =	sadd.s32 @!p0 $0x100000, s0  }
0xad: {  	[sflag:s0] =	ssyncadd.tile.s32 @!p0 $0x1;
	_ =	shalt  }
.Lfunc_end2:
_tile_overlayer_lowered:
.L_overlay_start_2:
0xae: {  	(tag) =	ssettag $0x2  }
0xaf: {  	s0 =	rddreg [dreg:$0x0];
	s2 =	stileid.u32  }
0xb0: {  	s1 =	rddreg [dreg:$0x1];
	p0 =	sne.s32 s2, $0x0  }
0xb1: {  	s3 =	rddreg [dreg:$0x2];
	[bflag:$0x3] =	sbarrier.arrive $0xFFFF;
	s2 =	simm.s32 @!p0 $0x1C03  }
0xb2: {  	[timem:s3], [sflag:s2] =	dma.local @!p0 [hbm:s0], s1  }
0xb3: {  	s0 =	simm.s32 @!p0 $0x3  }
0xb4: {  	_ =	swait.ge @!p0 [sflag:s0], s1  }
0xb5: {  	s1 =	ssub.s32 @!p0 $0x0, s1;
	[sflag:s0] =	ssyncset.done @!p0 $0x0  }
0xb6: {  	[sflag:s0] =	ssyncadd.s32 @!p0 s1  }
0xb7: {  	[bflag:$0x3] =	sbarrier.arrive $0xFFFF  }
0xb8: {  	_ =	shalt  }

</sc_bundles>
